<compile_context>
chip_gen: v7x
topology: tpu7x:2x2x1
jax: 0.10.2.dev20260603
libtpu: 0.0.44.dev20260713+nightly
codegen_flags: <defaults>
</compile_context>

<pallas_src>
import functools

import jax
import jax.numpy as jnp
from jax import lax
from jax.experimental import pallas as pl
from jax.experimental.pallas import tpu as pltpu
from jax.experimental.pallas import tpu_sc as plsc

N_NODES = 10000
N_EDGES = 320000
V = 128
EF = 16
CH = 64
NC = 2
NS = 16
NW = NC * NS
C = 32
N_PAD = 10240
E_PAD = 327680
EDGES_PER_W = E_PAD // NW
CHUNKS = EDGES_PER_W // C
ROWS_PER_SUB = N_PAD // NS

NODE_BLK = 640
EDGE_BLK = 1024
DE0 = CH + EF
DE1 = CH


def _pack_pair(lo, hi):
    lo16 = jax.lax.bitcast_convert_type(lo.astype(jnp.bfloat16), jnp.uint16)
    hi16 = jax.lax.bitcast_convert_type(hi.astype(jnp.bfloat16), jnp.uint16)
    w = lo16.astype(jnp.uint32) | (hi16.astype(jnp.uint32) << 16)
    return jax.lax.bitcast_convert_type(w, jnp.float32)



def _node_proj_body(x_ref, *refs):
    xb = x_ref[...]
    for i in range(4):
        lo = jnp.dot(xb, refs[2 * i][...], preferred_element_type=jnp.float32)
        hi = jnp.dot(xb, refs[2 * i + 1][...],
                     preferred_element_type=jnp.float32)
        refs[8 + i][...] = _pack_pair(lo, hi)


def _node_proj(x, ws):
    grid = N_PAD // NODE_BLK
    wspec = pl.BlockSpec((V, V), lambda i: (0, 0))
    ospec = pl.BlockSpec((NODE_BLK, V), lambda i: (i, 0))
    oshape = jax.ShapeDtypeStruct((N_PAD, V), jnp.float32)
    return pl.pallas_call(
        _node_proj_body,
        grid=(grid,),
        in_specs=[pl.BlockSpec((NODE_BLK, V), lambda i: (i, 0))] +
                 [wspec] * 8,
        out_specs=[ospec] * 4,
        out_shape=[oshape] * 4,
    )(x, *ws)


def _edge_proj_body(ea_ref, lo0_ref, hi0_ref, lo1_ref, hi1_ref,
                    e0_ref, e1_ref):
    eb = ea_ref[...]
    e0_ref[...] = _pack_pair(
        jnp.dot(eb, lo0_ref[...], preferred_element_type=jnp.float32),
        jnp.dot(eb, hi0_ref[...], preferred_element_type=jnp.float32))
    e1_ref[...] = _pack_pair(
        jnp.dot(eb, lo1_ref[...], preferred_element_type=jnp.float32),
        jnp.dot(eb, hi1_ref[...], preferred_element_type=jnp.float32))


def _edge_proj(edge_attr, lo0, hi0, lo1, hi1):
    grid = E_PAD // EDGE_BLK
    return pl.pallas_call(
        _edge_proj_body,
        grid=(grid,),
        in_specs=[pl.BlockSpec((EDGE_BLK, EF), lambda i: (i, 0)),
                  pl.BlockSpec((EF, DE0), lambda i: (0, 0)),
                  pl.BlockSpec((EF, DE0), lambda i: (0, 0)),
                  pl.BlockSpec((EF, DE1), lambda i: (0, 0)),
                  pl.BlockSpec((EF, DE1), lambda i: (0, 0))],
        out_specs=[pl.BlockSpec((EDGE_BLK, DE0), lambda i: (i, 0)),
                   pl.BlockSpec((EDGE_BLK, DE1), lambda i: (i, 0))],
        out_shape=[jax.ShapeDtypeStruct((E_PAD, DE0), jnp.float32),
                   jax.ShapeDtypeStruct((E_PAD, DE1), jnp.float32)],
    )(edge_attr, lo0, hi0, lo1, hi1)



def _make_edge_pass(with_ef):
    DE = DE0 if with_ef else DE1
    mesh = plsc.VectorSubcoreMesh(core_axis_name="c", subcore_axis_name="s",
                                  num_cores=NC, num_subcores=NS)
    out_type = [jax.ShapeDtypeStruct((NC, N_PAD, V), jnp.float32)]
    if with_ef:
        out_type.append(jax.ShapeDtypeStruct((E_PAD, EF), jnp.float32))

    scratch = [
        pltpu.VMEM((C,), jnp.int32),
        pltpu.VMEM((C,), jnp.int32),
        pltpu.VMEM((C,), jnp.int32),
        pltpu.VMEM((C,), jnp.int32),
        pltpu.VMEM((C, V), jnp.float32),
        pltpu.VMEM((C, V), jnp.float32),
        pltpu.VMEM((C, V), jnp.float32),
        pltpu.VMEM((C, V), jnp.float32),
        pltpu.VMEM((C, DE), jnp.float32),
        pltpu.VMEM((C, DE), jnp.float32),
        pltpu.VMEM((C, V), jnp.float32),
        pltpu.VMEM((16,), jnp.float32),
    ]
    if with_ef:
        scratch.append(pltpu.VMEM((C, EF), jnp.float32))
    scratch += [
        pltpu.VMEM_SHARED((N_PAD, V), jnp.float32),
        pltpu.SemaphoreType.DMA,
        pltpu.SemaphoreType.DMA,
        pltpu.SemaphoreType.DMA,
        pltpu.SemaphoreType.DMA,
        pltpu.SemaphoreType.DMA,
        pltpu.SemaphoreType.DMA,
    ]

    def body(td_hbm, ts_hbm, eall_hbm, src_hbm, dst_hbm, zeros_hbm, pa_hbm,
             *rest):
        if with_ef:
            (acc_out, ef_out,
             si0, si1, di0, di1, sr0, sr1, dr0, dr1, er0, er1, wuw_v, pa_v,
             ef_v, acc_sh, ss0, ss1, sd0, sd1, se0, se1) = rest
        else:
            (acc_out,
             si0, si1, di0, di1, sr0, sr1, dr0, dr1, er0, er1, wuw_v, pa_v,
             acc_sh, ss0, ss1, sd0, sd1, se0, se1) = rest
            ef_out = ef_v = None
        bufs = ((si0, di0, sr0, dr0, er0, ss0, sd0, se0),
                (si1, di1, sr1, dr1, er1, ss1, sd1, se1))
        c = lax.axis_index("c")
        s = lax.axis_index("s")
        rsl = pl.ds(s * ROWS_PER_SUB, ROWS_PER_SUB)
        pltpu.sync_copy(zeros_hbm.at[rsl], acc_sh.at[rsl])
        pltpu.sync_copy(pa_hbm, pa_v)
        plsc.subcore_barrier()
        a_vec = pa_v[...]

        ebase = c * (E_PAD // NC) + s * EDGES_PER_W

        def fetch(k, b):
            si, di, sr, dr, er, ss, sd, se = bufs[b]
            esl = pl.ds(ebase + k * C, C)
            pltpu.sync_copy(src_hbm.at[esl], si)
            pltpu.sync_copy(dst_hbm.at[esl], di)
            cps = pltpu.async_copy(ts_hbm.at[si], sr, ss)
            cpd = pltpu.async_copy(td_hbm.at[di], dr, sd)
            cpe = pltpu.async_copy(eall_hbm.at[esl], er, se)
            return cps, cpd, cpe

        def unpack16(rows, e, j):
            word = rows[e, pl.ds(16 * j, 16)]
            return plsc.unpack(plsc.bitcast(word, jnp.bfloat16),
                               format=plsc.PackFormat.INTERLEAVED)

        def half_step(k, b, cps):
            si, di, sr, dr, er, ss, sd, se = bufs[b]
            for cp in cps:
                cp.wait()

            def edge_body(e, carry2):
                for j in range(CH // 16):
                    sA, sT = unpack16(sr, e, j)
                    dA, dT = unpack16(dr, e, j)
                    eA, eT = unpack16(er, e, j)
                    lv = dA + sA + eA
                    lv = jnp.where(lv >= 0.0, lv, a_vec * lv)
                    wv = jnp.exp(lv)
                    uv = dT + sT + eT
                    wuw_v[e, pl.ds(16 * j, 16)] = wv * uv
                    wuw_v[e, pl.ds(CH + 16 * j, 16)] = wv
                if with_ef:
                    sPE, _ = unpack16(sr, e, 4)
                    dPE, _ = unpack16(dr, e, 4)
                    ePE, _ = unpack16(er, e, 4)
                    ef_v[e, pl.ds(0, EF)] = sPE + dPE + ePE
                return carry2

            lax.fori_loop(0, C, edge_body, 0)

            pltpu.sync_copy(wuw_v, acc_sh.at[di], add=True)
            if with_ef:
                pltpu.sync_copy(ef_v, ef_out.at[pl.ds(ebase + k * C, C)])

        def chunk_pair(k2, carry):
            k0 = 2 * k2
            cps0 = fetch(k0, 0)
            cps1 = fetch(k0 + 1, 1)
            half_step(k0, 0, cps0)
            half_step(k0 + 1, 1, cps1)
            return carry

        lax.fori_loop(0, CHUNKS // 2, chunk_pair, 0)

        plsc.subcore_barrier()
        pltpu.sync_copy(acc_sh.at[rsl], acc_out.at[c, rsl])

    return pl.kernel(body, out_type=tuple(out_type), mesh=mesh,
                     scratch_types=tuple(scratch),
                     compiler_params=pltpu.CompilerParams(
                         needs_layout_passes=False))


_edge_pass_cached = functools.cache(_make_edge_pass)



def _combine_body(a0_ref, a1_ref, b_ref, out_ref):
    a0 = a0_ref[0] + a0_ref[1]
    a1 = a1_ref[0] + a1_ref[1]
    b = b_ref[0]
    h0 = jnp.where(a0[:, CH:] > 0.0,
                   a0[:, :CH] / a0[:, CH:] + b[:CH][None, :], 0.0)
    h1 = jnp.where(a1[:, CH:] > 0.0,
                   a1[:, :CH] / a1[:, CH:] + b[CH:][None, :], 0.0)
    out_ref[...] = jnp.concatenate([h0, h1], axis=1)


def _combine(acc0, acc1, b2d):
    grid = N_PAD // NODE_BLK
    ispec = pl.BlockSpec((NC, NODE_BLK, V), lambda i: (0, i, 0))
    return pl.pallas_call(
        _combine_body,
        grid=(grid,),
        in_specs=[ispec, ispec,
                  pl.BlockSpec((1, V), lambda i: (0, 0))],
        out_specs=pl.BlockSpec((NODE_BLK, V), lambda i: (i, 0)),
        out_shape=jax.ShapeDtypeStruct((N_PAD, V), jnp.float32),
    )(acc0, acc1, b2d)



@jax.jit
def _impl(x, edge_attr, W_a, W_T, b_T, W_e, W_ee, prelu_a, edge_index):
    pad_e = E_PAD - N_EDGES
    src = jnp.concatenate([edge_index[0], jnp.zeros((pad_e,), jnp.int32)])
    dst = jnp.concatenate([edge_index[1],
                           jnp.full((pad_e,), N_PAD - 1, jnp.int32)])
    x_pad = jnp.concatenate(
        [x, jnp.zeros((N_PAD - N_NODES, V), jnp.float32)], axis=0)
    ea_pad = jnp.concatenate(
        [edge_attr, jnp.zeros((pad_e, EF), jnp.float32)], axis=0)
    zn48 = jnp.zeros((V, V - CH - EF), jnp.float32)
    zn64 = jnp.zeros((V, V - CH), jnp.float32)
    ws = [
        jnp.concatenate([W_a[0:V, 0:CH], W_e, zn48], axis=1),
        jnp.concatenate([W_T[0:V, 0:CH], zn64], axis=1),
        jnp.concatenate([W_a[V + EF:, 0:CH], W_e, zn48], axis=1),
        jnp.concatenate([W_T[V + EF:, 0:CH], zn64], axis=1),
        jnp.concatenate([W_a[0:V, CH:], zn64], axis=1),
        jnp.concatenate([W_T[0:V, CH:], zn64], axis=1),
        jnp.concatenate([W_a[V + EF:, CH:], zn64], axis=1),
        jnp.concatenate([W_T[V + EF:, CH:], zn64], axis=1),
    ]
    ze16 = jnp.zeros((EF, EF), jnp.float32)
    elo0 = jnp.concatenate([W_a[V:V + EF, 0:CH], W_ee], axis=1)
    ehi0 = jnp.concatenate([W_T[V:V + EF, 0:CH], ze16], axis=1)
    elo1 = W_a[V:V + EF, CH:]
    ehi1 = W_T[V:V + EF, CH:]

    pd0, ps0, pd1, ps1 = _node_proj(x_pad, ws)
    eall0, eall1 = _edge_proj(ea_pad, elo0, ehi0, elo1, ehi1)

    zeros = jnp.zeros((N_PAD, V), jnp.float32)
    pa_vec = jnp.full((16,), prelu_a, jnp.float32)

    acc0, new_e = _edge_pass_cached(True)(pd0, ps0, eall0, src, dst,
                                          zeros, pa_vec)
    acc1 = _edge_pass_cached(False)(pd1, ps1, eall1, src, dst,
                                    zeros, pa_vec)
    if isinstance(acc1, (tuple, list)):
        acc1 = acc1[0]

    new_n = _combine(acc0, acc1, b_T.reshape(1, V))
    return new_n[:N_NODES], new_e[:N_EDGES]


def kernel(x, edge_attr, W_a, W_T, b_T, W_e, W_ee, prelu_a, edge_index):
    return _impl(x, edge_attr, W_a, W_T, b_T, W_e, W_ee, prelu_a, edge_index)

# --- scband reference (transcript-rebuilt; emitter-appended) ---
"""Pipeline reference for scband-edge-ft-layer-30605936951711 (READ-ONLY COPY).

The authoritative reference and input builder live on the scoring server;
editing this copy changes nothing except your own understanding.
"""

import jax, jax.numpy as jnp
import numpy as np

N_NODES = 10000
N_EDGES = 320000
V_IN = 128
V_OUT = 128
E_IN = 16
E_OUT = 16
SQRT_TWO = float(np.sqrt(2.0))


def _xavier_normal(key, shape, gain):
    fan_in, fan_out = shape[0], shape[1]
    std = gain * np.sqrt(2.0 / (fan_in + fan_out))
    return jax.random.normal(key, shape, dtype=jnp.float32) * std


def setup_inputs(seed: int = 0) -> dict:
    key = jax.random.key(seed)
    ks = jax.random.split(key, 8)
    x = jax.random.normal(ks[0], (N_NODES, V_IN), dtype=jnp.float32)
    edge_index = jax.random.randint(ks[1], (2, N_EDGES), 0, N_NODES, dtype=jnp.int32)
    edge_attr = jax.random.normal(ks[2], (N_EDGES, E_IN), dtype=jnp.float32)
    W_a = _xavier_normal(ks[3], (2 * V_IN + E_IN, V_OUT), SQRT_TWO)
    W_T = _xavier_normal(ks[4], (2 * V_IN + E_IN, V_OUT), SQRT_TWO)
    b_T = jnp.zeros((V_OUT,), dtype=jnp.float32)
    W_e = _xavier_normal(ks[5], (V_IN, E_OUT), SQRT_TWO)
    W_ee = _xavier_normal(ks[6], (E_IN, E_OUT), SQRT_TWO)
    prelu_a = jnp.asarray(0.25, dtype=jnp.float32)
    return {"x": x, "edge_attr": edge_attr, "W_a": W_a, "W_T": W_T, "b_T": b_T,
            "W_e": W_e, "W_ee": W_ee, "prelu_a": prelu_a, "edge_index": edge_index}


def reference(x, edge_attr, W_a, W_T, b_T, W_e, W_ee, prelu_a, edge_index):
    n = x.shape[0]
    src = edge_index[0]
    dst = edge_index[1]
    N1 = jnp.take(x, src, axis=0)  # edges.src['n_feat']
    N2 = jnp.take(x, dst, axis=0)  # edges.dst['n_feat']
    xcat = jnp.concatenate([N2, edge_attr, N1], axis=1)
    # message_function
    pre = xcat @ W_a
    attention_logits = jnp.where(pre >= 0, pre, prelu_a * pre)  # PReLU
    unattended = xcat @ W_T
    # new_node_features: per-dst-node softmax over incoming edges (per channel)
    m = jax.ops.segment_max(attention_logits, dst, num_segments=n)
    m = jax.lax.stop_gradient(m)
    ex = jnp.exp(attention_logits - jnp.take(m, dst, axis=0))
    denom = jax.ops.segment_sum(ex, dst, num_segments=n)
    att = ex / jnp.take(denom, dst, axis=0)
    agg = jax.ops.segment_sum(att * unattended, dst, num_segments=n)
    deg = jax.ops.segment_sum(jnp.ones((dst.shape[0],), dtype=jnp.float32), dst, num_segments=n)
    # DGL leaves zero features for nodes with no incoming messages
    new_n_feat = jnp.where(deg[:, None] > 0, agg + b_T, 0.0)
    # edge_function (uses OLD node features: apply_edges runs before ndata swap)
    new_e_feat = N1 @ W_e + N2 @ W_e + edge_attr @ W_ee
    return new_n_feat, new_e_feat

if __name__ == "__main__":
    import jax
    _d = setup_inputs()
    print(jax.jit(kernel)(*tuple(_d.values())))

</pallas_src>

<mosaic_0001>
#map = affine_map<(d0, d1) -> (0, 0)>
#map1 = affine_map<(d0, d1) -> (0)>
#map2 = affine_map<(d0, d1) -> (0, 0, 0)>
module attributes {stable_mosaic.version = 14 : i64} {
  func.func @body(%arg0: i32, %arg1: i32, %arg2: memref<10240x128xf32, #tpu.memory_space<hbm>>, %arg3: memref<10240x128xf32, #tpu.memory_space<hbm>>, %arg4: memref<327680x64xf32, #tpu.memory_space<hbm>>, %arg5: memref<327680xi32, #tpu.memory_space<hbm>>, %arg6: memref<327680xi32, #tpu.memory_space<hbm>>, %arg7: memref<10240x128xf32, #tpu.memory_space<hbm>>, %arg8: memref<16xf32, #tpu.memory_space<hbm>>, %arg9: memref<2x10240x128xf32, #tpu.memory_space<hbm>>, %arg10: memref<32xi32, #tpu.memory_space<vmem>>, %arg11: memref<32xi32, #tpu.memory_space<vmem>>, %arg12: memref<32xi32, #tpu.memory_space<vmem>>, %arg13: memref<32xi32, #tpu.memory_space<vmem>>, %arg14: memref<32x128xf32, #tpu.memory_space<vmem>>, %arg15: memref<32x128xf32, #tpu.memory_space<vmem>>, %arg16: memref<32x128xf32, #tpu.memory_space<vmem>>, %arg17: memref<32x128xf32, #tpu.memory_space<vmem>>, %arg18: memref<32x64xf32, #tpu.memory_space<vmem>>, %arg19: memref<32x64xf32, #tpu.memory_space<vmem>>, %arg20: memref<32x128xf32, #tpu.memory_space<vmem>>, %arg21: memref<16xf32, #tpu.memory_space<vmem>>, %arg22: memref<10240x128xf32, #tpu.memory_space<vmem_shared>>, %arg23: memref<!tpu.dma_semaphore, #tpu.memory_space<semaphore_mem>>, %arg24: memref<!tpu.dma_semaphore, #tpu.memory_space<semaphore_mem>>, %arg25: memref<!tpu.dma_semaphore, #tpu.memory_space<semaphore_mem>>, %arg26: memref<!tpu.dma_semaphore, #tpu.memory_space<semaphore_mem>>, %arg27: memref<!tpu.dma_semaphore, #tpu.memory_space<semaphore_mem>>, %arg28: memref<!tpu.dma_semaphore, #tpu.memory_space<semaphore_mem>>) attributes {dimension_semantics = [#tpu.dimension_semantics<core_parallel>, #tpu.dimension_semantics<subcore_parallel>], iteration_bounds = array<i64: 2, 16>, scalar_prefetch = 0 : i64, scratch_operands = 19 : i64, tpu.core_type = #tpu.core_type<sc_vector_subcore>, window_params = [{transform_indices = #map}, {transform_indices = #map}, {transform_indices = #map}, {transform_indices = #map1}, {transform_indices = #map1}, {transform_indices = #map}, {transform_indices = #map1}, {transform_indices = #map2}]} {
    %mul3A = arith.constant 640 : i32
    %mul3A_0 = arith.muli %arg1, %mul3A : i32
    "tpu.region"() ({
      %run_scoped3A = tpu.sem_alloc : memref<!tpu.dma_semaphore, #tpu.memory_space<semaphore_mem>>
      %dma_start3A = arith.constant 0 : i32
      %dma_start3A_12 = tpu.memref_slice %arg22[%mul3A_0, %dma_start3A] : memref<10240x128xf32, #tpu.memory_space<vmem_shared>> -> memref<640x128xf32, #tpu.memory_space<vmem_shared>>
      %dma_start3A_13 = arith.constant 0 : i32
      %dma_start3A_14 = tpu.memref_slice %arg7[%mul3A_0, %dma_start3A_13] : memref<10240x128xf32, #tpu.memory_space<hbm>> -> memref<640x128xf32, #tpu.memory_space<hbm>>
      tpu.enqueue_dma source(%dma_start3A_14 : memref<640x128xf32, #tpu.memory_space<hbm>>) target(%dma_start3A_12 : memref<640x128xf32, #tpu.memory_space<vmem_shared>>) target_semaphore(%run_scoped3A : memref<!tpu.dma_semaphore, #tpu.memory_space<semaphore_mem>>)
      %dma_wait3A = arith.constant 0 : i32
      %dma_wait3A_15 = tpu.memref_slice %arg22[%mul3A_0, %dma_wait3A] : memref<10240x128xf32, #tpu.memory_space<vmem_shared>> -> memref<640x128xf32, #tpu.memory_space<vmem_shared>>
      %dma_wait3A_16 = arith.constant 0 : i32
      %dma_wait3A_17 = tpu.memref_slice %arg7[%mul3A_0, %dma_wait3A_16] : memref<10240x128xf32, #tpu.memory_space<hbm>> -> memref<640x128xf32, #tpu.memory_space<hbm>>
      tpu.wait_dma2 semaphore(%run_scoped3A : memref<!tpu.dma_semaphore, #tpu.memory_space<semaphore_mem>>) src(%dma_wait3A_17 : memref<640x128xf32, #tpu.memory_space<hbm>>) dst(%dma_wait3A_15 : memref<640x128xf32, #tpu.memory_space<vmem_shared>>)
      tpu.yield
    }) : () -> ()
    "tpu.region"() ({
      %run_scoped3A = tpu.sem_alloc : memref<!tpu.dma_semaphore, #tpu.memory_space<semaphore_mem>>
      tpu.enqueue_dma source(%arg8 : memref<16xf32, #tpu.memory_space<hbm>>) target(%arg21 : memref<16xf32, #tpu.memory_space<vmem>>) target_semaphore(%run_scoped3A : memref<!tpu.dma_semaphore, #tpu.memory_space<semaphore_mem>>)
      tpu.wait_dma2 semaphore(%run_scoped3A : memref<!tpu.dma_semaphore, #tpu.memory_space<semaphore_mem>>) src(%arg8 : memref<16xf32, #tpu.memory_space<hbm>>) dst(%arg21 : memref<16xf32, #tpu.memory_space<vmem>>)
      tpu.yield
    }) : () -> ()
    %barrier3A = arith.constant 0 : index
    tpu.barrier barrier_id(%barrier3A)
    %get3A = arith.constant 0 : index
    %get3A_1 = tpu.vector_load %arg21[%get3A] {strides = array<i32>} : memref<16xf32, #tpu.memory_space<vmem>>, vector<16xf32>,
    %mul3A_2 = arith.constant 163840 : i32
    %mul3A_3 = arith.muli %arg0, %mul3A_2 : i32
    %mul3A_4 = arith.constant 10240 : i32
    %mul3A_5 = arith.muli %arg1, %mul3A_4 : i32
    %add3A = arith.addi %mul3A_3, %mul3A_5 : i32
    %scan3A = arith.constant 0 : i32
    %scan3A_6 = arith.constant 0 : i32
    %scan3A_7 = arith.constant 160 : i32
    %scan3A_8 = arith.addi %scan3A_6, %scan3A_7 : i32
    %scan3A_9 = arith.constant 1 : i32
    scf.for %scan3A_12 = %scan3A_6 to %scan3A_8 step %scan3A_9  : i32 {
      %mul3A_13 = arith.constant 2 : i32
      %mul3A_14 = arith.muli %mul3A_13, %scan3A_12 : i32
      %mul3A_15 = arith.constant 32 : i32
      %mul3A_16 = arith.muli %mul3A_14, %mul3A_15 : i32
      %add3A_17 = arith.addi %add3A, %mul3A_16 : i32
      "tpu.region"() ({
        %run_scoped3A = tpu.sem_alloc : memref<!tpu.dma_semaphore, #tpu.memory_space<semaphore_mem>>
        %dma_start3A_75 = tpu.memref_slice %arg5[%add3A_17] : memref<327680xi32, #tpu.memory_space<hbm>> -> memref<32xi32, #tpu.memory_space<hbm>>
        %dma_start3A_76 = tpu.memref_slice %arg5[%add3A_17] : memref<327680xi32, #tpu.memory_space<hbm>> -> memref<32xi32, #tpu.memory_space<hbm>>
        tpu.enqueue_dma source(%dma_start3A_76 : memref<32xi32, #tpu.memory_space<hbm>>) target(%arg10 : memref<32xi32, #tpu.memory_space<vmem>>) target_semaphore(%run_scoped3A : memref<!tpu.dma_semaphore, #tpu.memory_space<semaphore_mem>>)
        %dma_wait3A_77 = tpu.memref_slice %arg5[%add3A_17] : memref<327680xi32, #tpu.memory_space<hbm>> -> memref<32xi32, #tpu.memory_space<hbm>>
        %dma_wait3A_78 = tpu.memref_slice %arg5[%add3A_17] : memref<327680xi32, #tpu.memory_space<hbm>> -> memref<32xi32, #tpu.memory_space<hbm>>
        tpu.wait_dma2 semaphore(%run_scoped3A : memref<!tpu.dma_semaphore, #tpu.memory_space<semaphore_mem>>) src(%dma_wait3A_78 : memref<32xi32, #tpu.memory_space<hbm>>) dst(%arg10 : memref<32xi32, #tpu.memory_space<vmem>>)
        tpu.yield
      }) : () -> ()
      "tpu.region"() ({
        %run_scoped3A = tpu.sem_alloc : memref<!tpu.dma_semaphore, #tpu.memory_space<semaphore_mem>>
        %dma_start3A_75 = tpu.memref_slice %arg6[%add3A_17] : memref<327680xi32, #tpu.memory_space<hbm>> -> memref<32xi32, #tpu.memory_space<hbm>>
        %dma_start3A_76 = tpu.memref_slice %arg6[%add3A_17] : memref<327680xi32, #tpu.memory_space<hbm>> -> memref<32xi32, #tpu.memory_space<hbm>>
        tpu.enqueue_dma source(%dma_start3A_76 : memref<32xi32, #tpu.memory_space<hbm>>) target(%arg12 : memref<32xi32, #tpu.memory_space<vmem>>) target_semaphore(%run_scoped3A : memref<!tpu.dma_semaphore, #tpu.memory_space<semaphore_mem>>)
        %dma_wait3A_77 = tpu.memref_slice %arg6[%add3A_17] : memref<327680xi32, #tpu.memory_space<hbm>> -> memref<32xi32, #tpu.memory_space<hbm>>
        %dma_wait3A_78 = tpu.memref_slice %arg6[%add3A_17] : memref<327680xi32, #tpu.memory_space<hbm>> -> memref<32xi32, #tpu.memory_space<hbm>>
        tpu.wait_dma2 semaphore(%run_scoped3A : memref<!tpu.dma_semaphore, #tpu.memory_space<semaphore_mem>>) src(%dma_wait3A_78 : memref<32xi32, #tpu.memory_space<hbm>>) dst(%arg12 : memref<32xi32, #tpu.memory_space<vmem>>)
        tpu.yield
      }) : () -> ()
      %dma_start3A = arith.constant 0 : i32
      %dma_start3A_18 = arith.constant 0 : i32
      %dma_start3A_19 = tpu.memref_slice %arg3[%dma_start3A, %dma_start3A_18] : memref<10240x128xf32, #tpu.memory_space<hbm>> -> memref<10240x128xf32, #tpu.memory_space<hbm>>
      tpu.enqueue_indirect_dma source(%dma_start3A_19 : memref<10240x128xf32, #tpu.memory_space<hbm>>) target(%arg14 : memref<32x128xf32, #tpu.memory_space<vmem>>) offsets(%arg10 : memref<32xi32, #tpu.memory_space<vmem>>) semaphore(%arg23 : memref<!tpu.dma_semaphore, #tpu.memory_space<semaphore_mem>>)
      %dma_start3A_20 = arith.constant 0 : i32
      %dma_start3A_21 = arith.constant 0 : i32
      %dma_start3A_22 = tpu.memref_slice %arg2[%dma_start3A_20, %dma_start3A_21] : memref<10240x128xf32, #tpu.memory_space<hbm>> -> memref<10240x128xf32, #tpu.memory_space<hbm>>
      tpu.enqueue_indirect_dma source(%dma_start3A_22 : memref<10240x128xf32, #tpu.memory_space<hbm>>) target(%arg16 : memref<32x128xf32, #tpu.memory_space<vmem>>) offsets(%arg12 : memref<32xi32, #tpu.memory_space<vmem>>) semaphore(%arg25 : memref<!tpu.dma_semaphore, #tpu.memory_space<semaphore_mem>>)
      %dma_start3A_23 = arith.constant 0 : i32
      %dma_start3A_24 = tpu.memref_slice %arg4[%add3A_17, %dma_start3A_23] : memref<327680x64xf32, #tpu.memory_space<hbm>> -> memref<32x64xf32, #tpu.memory_space<hbm>>
      %dma_start3A_25 = arith.constant 0 : i32
      %dma_start3A_26 = tpu.memref_slice %arg4[%add3A_17, %dma_start3A_25] : memref<327680x64xf32, #tpu.memory_space<hbm>> -> memref<32x64xf32, #tpu.memory_space<hbm>>
      tpu.enqueue_dma source(%dma_start3A_26 : memref<32x64xf32, #tpu.memory_space<hbm>>) target(%arg18 : memref<32x64xf32, #tpu.memory_space<vmem>>) target_semaphore(%arg27 : memref<!tpu.dma_semaphore, #tpu.memory_space<semaphore_mem>>)
      %add3A_27 = arith.constant 1 : i32
      %add3A_28 = arith.addi %mul3A_14, %add3A_27 : i32
      %mul3A_29 = arith.constant 32 : i32
      %mul3A_30 = arith.muli %add3A_28, %mul3A_29 : i32
      %add3A_31 = arith.addi %add3A, %mul3A_30 : i32
      "tpu.region"() ({
        %run_scoped3A = tpu.sem_alloc : memref<!tpu.dma_semaphore, #tpu.memory_space<semaphore_mem>>
        %dma_start3A_75 = tpu.memref_slice %arg5[%add3A_31] : memref<327680xi32, #tpu.memory_space<hbm>> -> memref<32xi32, #tpu.memory_space<hbm>>
        %dma_start3A_76 = tpu.memref_slice %arg5[%add3A_31] : memref<327680xi32, #tpu.memory_space<hbm>> -> memref<32xi32, #tpu.memory_space<hbm>>
        tpu.enqueue_dma source(%dma_start3A_76 : memref<32xi32, #tpu.memory_space<hbm>>) target(%arg11 : memref<32xi32, #tpu.memory_space<vmem>>) target_semaphore(%run_scoped3A : memref<!tpu.dma_semaphore, #tpu.memory_space<semaphore_mem>>)
        %dma_wait3A_77 = tpu.memref_slice %arg5[%add3A_31] : memref<327680xi32, #tpu.memory_space<hbm>> -> memref<32xi32, #tpu.memory_space<hbm>>
        %dma_wait3A_78 = tpu.memref_slice %arg5[%add3A_31] : memref<327680xi32, #tpu.memory_space<hbm>> -> memref<32xi32, #tpu.memory_space<hbm>>
        tpu.wait_dma2 semaphore(%run_scoped3A : memref<!tpu.dma_semaphore, #tpu.memory_space<semaphore_mem>>) src(%dma_wait3A_78 : memref<32xi32, #tpu.memory_space<hbm>>) dst(%arg11 : memref<32xi32, #tpu.memory_space<vmem>>)
        tpu.yield
      }) : () -> ()
      "tpu.region"() ({
        %run_scoped3A = tpu.sem_alloc : memref<!tpu.dma_semaphore, #tpu.memory_space<semaphore_mem>>
        %dma_start3A_75 = tpu.memref_slice %arg6[%add3A_31] : memref<327680xi32, #tpu.memory_space<hbm>> -> memref<32xi32, #tpu.memory_space<hbm>>
        %dma_start3A_76 = tpu.memref_slice %arg6[%add3A_31] : memref<327680xi32, #tpu.memory_space<hbm>> -> memref<32xi32, #tpu.memory_space<hbm>>
        tpu.enqueue_dma source(%dma_start3A_76 : memref<32xi32, #tpu.memory_space<hbm>>) target(%arg13 : memref<32xi32, #tpu.memory_space<vmem>>) target_semaphore(%run_scoped3A : memref<!tpu.dma_semaphore, #tpu.memory_space<semaphore_mem>>)
        %dma_wait3A_77 = tpu.memref_slice %arg6[%add3A_31] : memref<327680xi32, #tpu.memory_space<hbm>> -> memref<32xi32, #tpu.memory_space<hbm>>
        %dma_wait3A_78 = tpu.memref_slice %arg6[%add3A_31] : memref<327680xi32, #tpu.memory_space<hbm>> -> memref<32xi32, #tpu.memory_space<hbm>>
        tpu.wait_dma2 semaphore(%run_scoped3A : memref<!tpu.dma_semaphore, #tpu.memory_space<semaphore_mem>>) src(%dma_wait3A_78 : memref<32xi32, #tpu.memory_space<hbm>>) dst(%arg13 : memref<32xi32, #tpu.memory_space<vmem>>)
        tpu.yield
      }) : () -> ()
      %dma_start3A_32 = arith.constant 0 : i32
      %dma_start3A_33 = arith.constant 0 : i32
      %dma_start3A_34 = tpu.memref_slice %arg3[%dma_start3A_32, %dma_start3A_33] : memref<10240x128xf32, #tpu.memory_space<hbm>> -> memref<10240x128xf32, #tpu.memory_space<hbm>>
      tpu.enqueue_indirect_dma source(%dma_start3A_34 : memref<10240x128xf32, #tpu.memory_space<hbm>>) target(%arg15 : memref<32x128xf32, #tpu.memory_space<vmem>>) offsets(%arg11 : memref<32xi32, #tpu.memory_space<vmem>>) semaphore(%arg24 : memref<!tpu.dma_semaphore, #tpu.memory_space<semaphore_mem>>)
      %dma_start3A_35 = arith.constant 0 : i32
      %dma_start3A_36 = arith.constant 0 : i32
      %dma_start3A_37 = tpu.memref_slice %arg2[%dma_start3A_35, %dma_start3A_36] : memref<10240x128xf32, #tpu.memory_space<hbm>> -> memref<10240x128xf32, #tpu.memory_space<hbm>>
      tpu.enqueue_indirect_dma source(%dma_start3A_37 : memref<10240x128xf32, #tpu.memory_space<hbm>>) target(%arg17 : memref<32x128xf32, #tpu.memory_space<vmem>>) offsets(%arg13 : memref<32xi32, #tpu.memory_space<vmem>>) semaphore(%arg26 : memref<!tpu.dma_semaphore, #tpu.memory_space<semaphore_mem>>)
      %dma_start3A_38 = arith.constant 0 : i32
      %dma_start3A_39 = tpu.memref_slice %arg4[%add3A_31, %dma_start3A_38] : memref<327680x64xf32, #tpu.memory_space<hbm>> -> memref<32x64xf32, #tpu.memory_space<hbm>>
      %dma_start3A_40 = arith.constant 0 : i32
      %dma_start3A_41 = tpu.memref_slice %arg4[%add3A_31, %dma_start3A_40] : memref<327680x64xf32, #tpu.memory_space<hbm>> -> memref<32x64xf32, #tpu.memory_space<hbm>>
      tpu.enqueue_dma source(%dma_start3A_41 : memref<32x64xf32, #tpu.memory_space<hbm>>) target(%arg19 : memref<32x64xf32, #tpu.memory_space<vmem>>) target_semaphore(%arg28 : memref<!tpu.dma_semaphore, #tpu.memory_space<semaphore_mem>>)
      %dma_wait3A = arith.constant 0 : i32
      %dma_wait3A_42 = arith.constant 0 : i32
      %dma_wait3A_43 = tpu.memref_slice %arg3[%dma_wait3A, %dma_wait3A_42] : memref<10240x128xf32, #tpu.memory_space<hbm>> -> memref<10240x128xf32, #tpu.memory_space<hbm>>
      tpu.wait_indirect_dma semaphore(%arg23 : memref<!tpu.dma_semaphore, #tpu.memory_space<semaphore_mem>>) src(%dma_wait3A_43 : memref<10240x128xf32, #tpu.memory_space<hbm>>) dst(%arg14 : memref<32x128xf32, #tpu.memory_space<vmem>>)
      %dma_wait3A_44 = arith.constant 0 : i32
      %dma_wait3A_45 = arith.constant 0 : i32
      %dma_wait3A_46 = tpu.memref_slice %arg2[%dma_wait3A_44, %dma_wait3A_45] : memref<10240x128xf32, #tpu.memory_space<hbm>> -> memref<10240x128xf32, #tpu.memory_space<hbm>>
      tpu.wait_indirect_dma semaphore(%arg25 : memref<!tpu.dma_semaphore, #tpu.memory_space<semaphore_mem>>) src(%dma_wait3A_46 : memref<10240x128xf32, #tpu.memory_space<hbm>>) dst(%arg16 : memref<32x128xf32, #tpu.memory_space<vmem>>)
      %dma_wait3A_47 = arith.constant 0 : i32
      %dma_wait3A_48 = tpu.memref_slice %arg4[%add3A_17, %dma_wait3A_47] : memref<327680x64xf32, #tpu.memory_space<hbm>> -> memref<32x64xf32, #tpu.memory_space<hbm>>
      %dma_wait3A_49 = arith.constant 0 : i32
      %dma_wait3A_50 = tpu.memref_slice %arg4[%add3A_17, %dma_wait3A_49] : memref<327680x64xf32, #tpu.memory_space<hbm>> -> memref<32x64xf32, #tpu.memory_space<hbm>>
      tpu.wait_dma2 semaphore(%arg27 : memref<!tpu.dma_semaphore, #tpu.memory_space<semaphore_mem>>) src(%dma_wait3A_50 : memref<32x64xf32, #tpu.memory_space<hbm>>) dst(%arg18 : memref<32x64xf32, #tpu.memory_space<vmem>>)
      %scan3A_51 = arith.constant 0 : i32
      %scan3A_52 = arith.constant 0 : i32
      %scan3A_53 = arith.constant 32 : i32
      %scan3A_54 = arith.addi %scan3A_52, %scan3A_53 : i32
      %scan3A_55 = arith.constant 1 : i32
      scf.for %scan3A_75 = %scan3A_52 to %scan3A_54 step %scan3A_55  : i32 {
        %get3A_76 = arith.index_cast %scan3A_75 : i32 to index
        %get3A_77 = arith.constant 0 : index
        %get3A_78 = tpu.vector_load %arg14[%get3A_76, %get3A_77] {strides = array<i32>} : memref<32x128xf32, #tpu.memory_space<vmem>>, vector<16xf32>,
        %bitcast3A = vector.bitcast %get3A_78 : vector<16xf32> to vector<32xbf16>
        %unpack3A = tpu.unpack_subelements %bitcast3A, 0 {pack_format = #tpu.pack_format<interleaved>} : vector<32xbf16> -> vector<16xf32>
        %unpack3A_79 = tpu.unpack_subelements %bitcast3A, 1 {pack_format = #tpu.pack_format<interleaved>} : vector<32xbf16> -> vector<16xf32>
        %get3A_80 = arith.index_cast %scan3A_75 : i32 to index
        %get3A_81 = arith.constant 0 : index
        %get3A_82 = tpu.vector_load %arg16[%get3A_80, %get3A_81] {strides = array<i32>} : memref<32x128xf32, #tpu.memory_space<vmem>>, vector<16xf32>,
        %bitcast3A_83 = vector.bitcast %get3A_82 : vector<16xf32> to vector<32xbf16>
        %unpack3A_84 = tpu.unpack_subelements %bitcast3A_83, 0 {pack_format = #tpu.pack_format<interleaved>} : vector<32xbf16> -> vector<16xf32>
        %unpack3A_85 = tpu.unpack_subelements %bitcast3A_83, 1 {pack_format = #tpu.pack_format<interleaved>} : vector<32xbf16> -> vector<16xf32>
        %get3A_86 = arith.index_cast %scan3A_75 : i32 to index
        %get3A_87 = arith.constant 0 : index
        %get3A_88 = tpu.vector_load %arg18[%get3A_86, %get3A_87] {strides = array<i32>} : memref<32x64xf32, #tpu.memory_space<vmem>>, vector<16xf32>,
        %bitcast3A_89 = vector.bitcast %get3A_88 : vector<16xf32> to vector<32xbf16>
        %unpack3A_90 = tpu.unpack_subelements %bitcast3A_89, 0 {pack_format = #tpu.pack_format<interleaved>} : vector<32xbf16> -> vector<16xf32>
        %unpack3A_91 = tpu.unpack_subelements %bitcast3A_89, 1 {pack_format = #tpu.pack_format<interleaved>} : vector<32xbf16> -> vector<16xf32>
        %add3A_92 = arith.addf %unpack3A_84, %unpack3A : vector<16xf32>
        %add3A_93 = arith.addf %add3A_92, %unpack3A_90 : vector<16xf32>
        %ge3A = arith.constant 0.000000e+00 : f32
        %ge3A_94 = vector.broadcast %ge3A : f32 to vector<16xf32>
        %ge3A_95 = arith.cmpf oge, %add3A_93, %ge3A_94 : vector<16xf32>
        %mul3A_96 = arith.mulf %get3A_1, %add3A_93 : vector<16xf32>
        %select_n3A = arith.select %ge3A_95, %add3A_93, %mul3A_96 : vector<16xi1>, vector<16xf32>
        %exp3A = math.exp %select_n3A : vector<16xf32>
        %add3A_97 = arith.addf %unpack3A_85, %unpack3A_79 : vector<16xf32>
        %add3A_98 = arith.addf %add3A_97, %unpack3A_91 : vector<16xf32>
        %mul3A_99 = arith.mulf %exp3A, %add3A_98 : vector<16xf32>
        %swap3A = arith.index_cast %scan3A_75 : i32 to index
        %swap3A_100 = arith.constant 0 : index
        %swap3A_101 = tpu.vector_load %arg20[%swap3A, %swap3A_100] {strides = array<i32>} : memref<32x128xf32, #tpu.memory_space<vmem>>, vector<16xf32>,
        tpu.vector_store %arg20[%swap3A, %swap3A_100], %mul3A_99 {strides = array<i32>} : memref<32x128xf32, #tpu.memory_space<vmem>>, vector<16xf32>,
        %swap3A_102 = arith.index_cast %scan3A_75 : i32 to index
        %swap3A_103 = arith.constant 64 : index
        %swap3A_104 = tpu.vector_load %arg20[%swap3A_102, %swap3A_103] {strides = array<i32>} : memref<32x128xf32, #tpu.memory_space<vmem>>, vector<16xf32>,
        tpu.vector_store %arg20[%swap3A_102, %swap3A_103], %exp3A {strides = array<i32>} : memref<32x128xf32, #tpu.memory_space<vmem>>, vector<16xf32>,
        %get3A_105 = arith.index_cast %scan3A_75 : i32 to index
        %get3A_106 = arith.constant 16 : index
        %get3A_107 = tpu.vector_load %arg14[%get3A_105, %get3A_106] {strides = array<i32>} : memref<32x128xf32, #tpu.memory_space<vmem>>, vector<16xf32>,
        %bitcast3A_108 = vector.bitcast %get3A_107 : vector<16xf32> to vector<32xbf16>
        %unpack3A_109 = tpu.unpack_subelements %bitcast3A_108, 0 {pack_format = #tpu.pack_format<interleaved>} : vector<32xbf16> -> vector<16xf32>
        %unpack3A_110 = tpu.unpack_subelements %bitcast3A_108, 1 {pack_format = #tpu.pack_format<interleaved>} : vector<32xbf16> -> vector<16xf32>
        %get3A_111 = arith.index_cast %scan3A_75 : i32 to index
        %get3A_112 = arith.constant 16 : index
        %get3A_113 = tpu.vector_load %arg16[%get3A_111, %get3A_112] {strides = array<i32>} : memref<32x128xf32, #tpu.memory_space<vmem>>, vector<16xf32>,
        %bitcast3A_114 = vector.bitcast %get3A_113 : vector<16xf32> to vector<32xbf16>
        %unpack3A_115 = tpu.unpack_subelements %bitcast3A_114, 0 {pack_format = #tpu.pack_format<interleaved>} : vector<32xbf16> -> vector<16xf32>
        %unpack3A_116 = tpu.unpack_subelements %bitcast3A_114, 1 {pack_format = #tpu.pack_format<interleaved>} : vector<32xbf16> -> vector<16xf32>
        %get3A_117 = arith.index_cast %scan3A_75 : i32 to index
        %get3A_118 = arith.constant 16 : index
        %get3A_119 = tpu.vector_load %arg18[%get3A_117, %get3A_118] {strides = array<i32>} : memref<32x64xf32, #tpu.memory_space<vmem>>, vector<16xf32>,
        %bitcast3A_120 = vector.bitcast %get3A_119 : vector<16xf32> to vector<32xbf16>
        %unpack3A_121 = tpu.unpack_subelements %bitcast3A_120, 0 {pack_format = #tpu.pack_format<interleaved>} : vector<32xbf16> -> vector<16xf32>
        %unpack3A_122 = tpu.unpack_subelements %bitcast3A_120, 1 {pack_format = #tpu.pack_format<interleaved>} : vector<32xbf16> -> vector<16xf32>
        %add3A_123 = arith.addf %unpack3A_115, %unpack3A_109 : vector<16xf32>
        %add3A_124 = arith.addf %add3A_123, %unpack3A_121 : vector<16xf32>
        %ge3A_125 = arith.constant 0.000000e+00 : f32
        %ge3A_126 = vector.broadcast %ge3A_125 : f32 to vector<16xf32>
        %ge3A_127 = arith.cmpf oge, %add3A_124, %ge3A_126 : vector<16xf32>
        %mul3A_128 = arith.mulf %get3A_1, %add3A_124 : vector<16xf32>
        %select_n3A_129 = arith.select %ge3A_127, %add3A_124, %mul3A_128 : vector<16xi1>, vector<16xf32>
        %exp3A_130 = math.exp %select_n3A_129 : vector<16xf32>
        %add3A_131 = arith.addf %unpack3A_116, %unpack3A_110 : vector<16xf32>
        %add3A_132 = arith.addf %add3A_131, %unpack3A_122 : vector<16xf32>
        %mul3A_133 = arith.mulf %exp3A_130, %add3A_132 : vector<16xf32>
        %swap3A_134 = arith.index_cast %scan3A_75 : i32 to index
        %swap3A_135 = arith.constant 16 : index
        %swap3A_136 = tpu.vector_load %arg20[%swap3A_134, %swap3A_135] {strides = array<i32>} : memref<32x128xf32, #tpu.memory_space<vmem>>, vector<16xf32>,
        tpu.vector_store %arg20[%swap3A_134, %swap3A_135], %mul3A_133 {strides = array<i32>} : memref<32x128xf32, #tpu.memory_space<vmem>>, vector<16xf32>,
        %swap3A_137 = arith.index_cast %scan3A_75 : i32 to index
        %swap3A_138 = arith.constant 80 : index
        %swap3A_139 = tpu.vector_load %arg20[%swap3A_137, %swap3A_138] {strides = array<i32>} : memref<32x128xf32, #tpu.memory_space<vmem>>, vector<16xf32>,
        tpu.vector_store %arg20[%swap3A_137, %swap3A_138], %exp3A_130 {strides = array<i32>} : memref<32x128xf32, #tpu.memory_space<vmem>>, vector<16xf32>,
        %get3A_140 = arith.index_cast %scan3A_75 : i32 to index
        %get3A_141 = arith.constant 32 : index
        %get3A_142 = tpu.vector_load %arg14[%get3A_140, %get3A_141] {strides = array<i32>} : memref<32x128xf32, #tpu.memory_space<vmem>>, vector<16xf32>,
        %bitcast3A_143 = vector.bitcast %get3A_142 : vector<16xf32> to vector<32xbf16>
        %unpack3A_144 = tpu.unpack_subelements %bitcast3A_143, 0 {pack_format = #tpu.pack_format<interleaved>} : vector<32xbf16> -> vector<16xf32>
        %unpack3A_145 = tpu.unpack_subelements %bitcast3A_143, 1 {pack_format = #tpu.pack_format<interleaved>} : vector<32xbf16> -> vector<16xf32>
        %get3A_146 = arith.index_cast %scan3A_75 : i32 to index
        %get3A_147 = arith.constant 32 : index
        %get3A_148 = tpu.vector_load %arg16[%get3A_146, %get3A_147] {strides = array<i32>} : memref<32x128xf32, #tpu.memory_space<vmem>>, vector<16xf32>,
        %bitcast3A_149 = vector.bitcast %get3A_148 : vector<16xf32> to vector<32xbf16>
        %unpack3A_150 = tpu.unpack_subelements %bitcast3A_149, 0 {pack_format = #tpu.pack_format<interleaved>} : vector<32xbf16> -> vector<16xf32>
        %unpack3A_151 = tpu.unpack_subelements %bitcast3A_149, 1 {pack_format = #tpu.pack_format<interleaved>} : vector<32xbf16> -> vector<16xf32>
        %get3A_152 = arith.index_cast %scan3A_75 : i32 to index
        %get3A_153 = arith.constant 32 : index
        %get3A_154 = tpu.vector_load %arg18[%get3A_152, %get3A_153] {strides = array<i32>} : memref<32x64xf32, #tpu.memory_space<vmem>>, vector<16xf32>,
        %bitcast3A_155 = vector.bitcast %get3A_154 : vector<16xf32> to vector<32xbf16>
        %unpack3A_156 = tpu.unpack_subelements %bitcast3A_155, 0 {pack_format = #tpu.pack_format<interleaved>} : vector<32xbf16> -> vector<16xf32>
        %unpack3A_157 = tpu.unpack_subelements %bitcast3A_155, 1 {pack_format = #tpu.pack_format<interleaved>} : vector<32xbf16> -> vector<16xf32>
        %add3A_158 = arith.addf %unpack3A_150, %unpack3A_144 : vector<16xf32>
        %add3A_159 = arith.addf %add3A_158, %unpack3A_156 : vector<16xf32>
        %ge3A_160 = arith.constant 0.000000e+00 : f32
        %ge3A_161 = vector.broadcast %ge3A_160 : f32 to vector<16xf32>
        %ge3A_162 = arith.cmpf oge, %add3A_159, %ge3A_161 : vector<16xf32>
        %mul3A_163 = arith.mulf %get3A_1, %add3A_159 : vector<16xf32>
        %select_n3A_164 = arith.select %ge3A_162, %add3A_159, %mul3A_163 : vector<16xi1>, vector<16xf32>
        %exp3A_165 = math.exp %select_n3A_164 : vector<16xf32>
        %add3A_166 = arith.addf %unpack3A_151, %unpack3A_145 : vector<16xf32>
        %add3A_167 = arith.addf %add3A_166, %unpack3A_157 : vector<16xf32>
        %mul3A_168 = arith.mulf %exp3A_165, %add3A_167 : vector<16xf32>
        %swap3A_169 = arith.index_cast %scan3A_75 : i32 to index
        %swap3A_170 = arith.constant 32 : index
        %swap3A_171 = tpu.vector_load %arg20[%swap3A_169, %swap3A_170] {strides = array<i32>} : memref<32x128xf32, #tpu.memory_space<vmem>>, vector<16xf32>,
        tpu.vector_store %arg20[%swap3A_169, %swap3A_170], %mul3A_168 {strides = array<i32>} : memref<32x128xf32, #tpu.memory_space<vmem>>, vector<16xf32>,
        %swap3A_172 = arith.index_cast %scan3A_75 : i32 to index
        %swap3A_173 = arith.constant 96 : index
        %swap3A_174 = tpu.vector_load %arg20[%swap3A_172, %swap3A_173] {strides = array<i32>} : memref<32x128xf32, #tpu.memory_space<vmem>>, vector<16xf32>,
        tpu.vector_store %arg20[%swap3A_172, %swap3A_173], %exp3A_165 {strides = array<i32>} : memref<32x128xf32, #tpu.memory_space<vmem>>, vector<16xf32>,
        %get3A_175 = arith.index_cast %scan3A_75 : i32 to index
        %get3A_176 = arith.constant 48 : index
        %get3A_177 = tpu.vector_load %arg14[%get3A_175, %get3A_176] {strides = array<i32>} : memref<32x128xf32, #tpu.memory_space<vmem>>, vector<16xf32>,
        %bitcast3A_178 = vector.bitcast %get3A_177 : vector<16xf32> to vector<32xbf16>
        %unpack3A_179 = tpu.unpack_subelements %bitcast3A_178, 0 {pack_format = #tpu.pack_format<interleaved>} : vector<32xbf16> -> vector<16xf32>
        %unpack3A_180 = tpu.unpack_subelements %bitcast3A_178, 1 {pack_format = #tpu.pack_format<interleaved>} : vector<32xbf16> -> vector<16xf32>
        %get3A_181 = arith.index_cast %scan3A_75 : i32 to index
        %get3A_182 = arith.constant 48 : index
        %get3A_183 = tpu.vector_load %arg16[%get3A_181, %get3A_182] {strides = array<i32>} : memref<32x128xf32, #tpu.memory_space<vmem>>, vector<16xf32>,
        %bitcast3A_184 = vector.bitcast %get3A_183 : vector<16xf32> to vector<32xbf16>
        %unpack3A_185 = tpu.unpack_subelements %bitcast3A_184, 0 {pack_format = #tpu.pack_format<interleaved>} : vector<32xbf16> -> vector<16xf32>
        %unpack3A_186 = tpu.unpack_subelements %bitcast3A_184, 1 {pack_format = #tpu.pack_format<interleaved>} : vector<32xbf16> -> vector<16xf32>
        %get3A_187 = arith.index_cast %scan3A_75 : i32 to index
        %get3A_188 = arith.constant 48 : index
        %get3A_189 = tpu.vector_load %arg18[%get3A_187, %get3A_188] {strides = array<i32>} : memref<32x64xf32, #tpu.memory_space<vmem>>, vector<16xf32>,
        %bitcast3A_190 = vector.bitcast %get3A_189 : vector<16xf32> to vector<32xbf16>
        %unpack3A_191 = tpu.unpack_subelements %bitcast3A_190, 0 {pack_format = #tpu.pack_format<interleaved>} : vector<32xbf16> -> vector<16xf32>
        %unpack3A_192 = tpu.unpack_subelements %bitcast3A_190, 1 {pack_format = #tpu.pack_format<interleaved>} : vector<32xbf16> -> vector<16xf32>
        %add3A_193 = arith.addf %unpack3A_185, %unpack3A_179 : vector<16xf32>
        %add3A_194 = arith.addf %add3A_193, %unpack3A_191 : vector<16xf32>
        %ge3A_195 = arith.constant 0.000000e+00 : f32
        %ge3A_196 = vector.broadcast %ge3A_195 : f32 to vector<16xf32>
        %ge3A_197 = arith.cmpf oge, %add3A_194, %ge3A_196 : vector<16xf32>
        %mul3A_198 = arith.mulf %get3A_1, %add3A_194 : vector<16xf32>
        %select_n3A_199 = arith.select %ge3A_197, %add3A_194, %mul3A_198 : vector<16xi1>, vector<16xf32>
        %exp3A_200 = math.exp %select_n3A_199 : vector<16xf32>
        %add3A_201 = arith.addf %unpack3A_186, %unpack3A_180 : vector<16xf32>
        %add3A_202 = arith.addf %add3A_201, %unpack3A_192 : vector<16xf32>
        %mul3A_203 = arith.mulf %exp3A_200, %add3A_202 : vector<16xf32>
        %swap3A_204 = arith.index_cast %scan3A_75 : i32 to index
        %swap3A_205 = arith.constant 48 : index
        %swap3A_206 = tpu.vector_load %arg20[%swap3A_204, %swap3A_205] {strides = array<i32>} : memref<32x128xf32, #tpu.memory_space<vmem>>, vector<16xf32>,
        tpu.vector_store %arg20[%swap3A_204, %swap3A_205], %mul3A_203 {strides = array<i32>} : memref<32x128xf32, #tpu.memory_space<vmem>>, vector<16xf32>,
        %swap3A_207 = arith.index_cast %scan3A_75 : i32 to index
        %swap3A_208 = arith.constant 112 : index
        %swap3A_209 = tpu.vector_load %arg20[%swap3A_207, %swap3A_208] {strides = array<i32>} : memref<32x128xf32, #tpu.memory_space<vmem>>, vector<16xf32>,
        tpu.vector_store %arg20[%swap3A_207, %swap3A_208], %exp3A_200 {strides = array<i32>} : memref<32x128xf32, #tpu.memory_space<vmem>>, vector<16xf32>,
      }
      %scan3A_56 = arith.constant 32 : i32
      "tpu.region"() ({
        %run_scoped3A = tpu.sem_alloc : memref<!tpu.dma_semaphore, #tpu.memory_space<semaphore_mem>>
        %dma_start3A_75 = arith.constant 0 : i32
        %dma_start3A_76 = arith.constant 0 : i32
        %dma_start3A_77 = tpu.memref_slice %arg22[%dma_start3A_75, %dma_start3A_76] : memref<10240x128xf32, #tpu.memory_space<vmem_shared>> -> memref<10240x128xf32, #tpu.memory_space<vmem_shared>>
        tpu.enqueue_indirect_dma source(%arg20 : memref<32x128xf32, #tpu.memory_space<vmem>>) target(%dma_start3A_77 : memref<10240x128xf32, #tpu.memory_space<vmem_shared>>) offsets(%arg12 : memref<32xi32, #tpu.memory_space<vmem>>) semaphore(%run_scoped3A : memref<!tpu.dma_semaphore, #tpu.memory_space<semaphore_mem>>) {add = true}
        %dma_wait3A_78 = arith.constant 0 : i32
        %dma_wait3A_79 = arith.constant 0 : i32
        %dma_wait3A_80 = tpu.memref_slice %arg22[%dma_wait3A_78, %dma_wait3A_79] : memref<10240x128xf32, #tpu.memory_space<vmem_shared>> -> memref<10240x128xf32, #tpu.memory_space<vmem_shared>>
        tpu.wait_indirect_dma semaphore(%run_scoped3A : memref<!tpu.dma_semaphore, #tpu.memory_space<semaphore_mem>>) src(%arg20 : memref<32x128xf32, #tpu.memory_space<vmem>>) dst(%dma_wait3A_80 : memref<10240x128xf32, #tpu.memory_space<vmem_shared>>)
        tpu.yield
      }) : () -> ()
      %add3A_57 = arith.constant 1 : i32
      %add3A_58 = arith.addi %mul3A_14, %add3A_57 : i32
      %dma_wait3A_59 = arith.constant 0 : i32
      %dma_wait3A_60 = arith.constant 0 : i32
      %dma_wait3A_61 = tpu.memref_slice %arg3[%dma_wait3A_59, %dma_wait3A_60] : memref<10240x128xf32, #tpu.memory_space<hbm>> -> memref<10240x128xf32, #tpu.memory_space<hbm>>
      tpu.wait_indirect_dma semaphore(%arg24 : memref<!tpu.dma_semaphore, #tpu.memory_space<semaphore_mem>>) src(%dma_wait3A_61 : memref<10240x128xf32, #tpu.memory_space<hbm>>) dst(%arg15 : memref<32x128xf32, #tpu.memory_space<vmem>>)
      %dma_wait3A_62 = arith.constant 0 : i32
      %dma_wait3A_63 = arith.constant 0 : i32
      %dma_wait3A_64 = tpu.memref_slice %arg2[%dma_wait3A_62, %dma_wait3A_63] : memref<10240x128xf32, #tpu.memory_space<hbm>> -> memref<10240x128xf32, #tpu.memory_space<hbm>>
      tpu.wait_indirect_dma semaphore(%arg26 : memref<!tpu.dma_semaphore, #tpu.memory_space<semaphore_mem>>) src(%dma_wait3A_64 : memref<10240x128xf32, #tpu.memory_space<hbm>>) dst(%arg17 : memref<32x128xf32, #tpu.memory_space<vmem>>)
      %dma_wait3A_65 = arith.constant 0 : i32
      %dma_wait3A_66 = tpu.memref_slice %arg4[%add3A_31, %dma_wait3A_65] : memref<327680x64xf32, #tpu.memory_space<hbm>> -> memref<32x64xf32, #tpu.memory_space<hbm>>
      %dma_wait3A_67 = arith.constant 0 : i32
      %dma_wait3A_68 = tpu.memref_slice %arg4[%add3A_31, %dma_wait3A_67] : memref<327680x64xf32, #tpu.memory_space<hbm>> -> memref<32x64xf32, #tpu.memory_space<hbm>>
      tpu.wait_dma2 semaphore(%arg28 : memref<!tpu.dma_semaphore, #tpu.memory_space<semaphore_mem>>) src(%dma_wait3A_68 : memref<32x64xf32, #tpu.memory_space<hbm>>) dst(%arg19 : memref<32x64xf32, #tpu.memory_space<vmem>>)
      %scan3A_69 = arith.constant 0 : i32
      %scan3A_70 = arith.constant 0 : i32
      %scan3A_71 = arith.constant 32 : i32
      %scan3A_72 = arith.addi %scan3A_70, %scan3A_71 : i32
      %scan3A_73 = arith.constant 1 : i32
      scf.for %scan3A_75 = %scan3A_70 to %scan3A_72 step %scan3A_73  : i32 {
        %get3A_76 = arith.index_cast %scan3A_75 : i32 to index
        %get3A_77 = arith.constant 0 : index
        %get3A_78 = tpu.vector_load %arg15[%get3A_76, %get3A_77] {strides = array<i32>} : memref<32x128xf32, #tpu.memory_space<vmem>>, vector<16xf32>,
        %bitcast3A = vector.bitcast %get3A_78 : vector<16xf32> to vector<32xbf16>
        %unpack3A = tpu.unpack_subelements %bitcast3A, 0 {pack_format = #tpu.pack_format<interleaved>} : vector<32xbf16> -> vector<16xf32>
        %unpack3A_79 = tpu.unpack_subelements %bitcast3A, 1 {pack_format = #tpu.pack_format<interleaved>} : vector<32xbf16> -> vector<16xf32>
        %get3A_80 = arith.index_cast %scan3A_75 : i32 to index
        %get3A_81 = arith.constant 0 : index
        %get3A_82 = tpu.vector_load %arg17[%get3A_80, %get3A_81] {strides = array<i32>} : memref<32x128xf32, #tpu.memory_space<vmem>>, vector<16xf32>,
        %bitcast3A_83 = vector.bitcast %get3A_82 : vector<16xf32> to vector<32xbf16>
        %unpack3A_84 = tpu.unpack_subelements %bitcast3A_83, 0 {pack_format = #tpu.pack_format<interleaved>} : vector<32xbf16> -> vector<16xf32>
        %unpack3A_85 = tpu.unpack_subelements %bitcast3A_83, 1 {pack_format = #tpu.pack_format<interleaved>} : vector<32xbf16> -> vector<16xf32>
        %get3A_86 = arith.index_cast %scan3A_75 : i32 to index
        %get3A_87 = arith.constant 0 : index
        %get3A_88 = tpu.vector_load %arg19[%get3A_86, %get3A_87] {strides = array<i32>} : memref<32x64xf32, #tpu.memory_space<vmem>>, vector<16xf32>,
        %bitcast3A_89 = vector.bitcast %get3A_88 : vector<16xf32> to vector<32xbf16>
        %unpack3A_90 = tpu.unpack_subelements %bitcast3A_89, 0 {pack_format = #tpu.pack_format<interleaved>} : vector<32xbf16> -> vector<16xf32>
        %unpack3A_91 = tpu.unpack_subelements %bitcast3A_89, 1 {pack_format = #tpu.pack_format<interleaved>} : vector<32xbf16> -> vector<16xf32>
        %add3A_92 = arith.addf %unpack3A_84, %unpack3A : vector<16xf32>
        %add3A_93 = arith.addf %add3A_92, %unpack3A_90 : vector<16xf32>
        %ge3A = arith.constant 0.000000e+00 : f32
        %ge3A_94 = vector.broadcast %ge3A : f32 to vector<16xf32>
        %ge3A_95 = arith.cmpf oge, %add3A_93, %ge3A_94 : vector<16xf32>
        %mul3A_96 = arith.mulf %get3A_1, %add3A_93 : vector<16xf32>
        %select_n3A = arith.select %ge3A_95, %add3A_93, %mul3A_96 : vector<16xi1>, vector<16xf32>
        %exp3A = math.exp %select_n3A : vector<16xf32>
        %add3A_97 = arith.addf %unpack3A_85, %unpack3A_79 : vector<16xf32>
        %add3A_98 = arith.addf %add3A_97, %unpack3A_91 : vector<16xf32>
        %mul3A_99 = arith.mulf %exp3A, %add3A_98 : vector<16xf32>
        %swap3A = arith.index_cast %scan3A_75 : i32 to index
        %swap3A_100 = arith.constant 0 : index
        %swap3A_101 = tpu.vector_load %arg20[%swap3A, %swap3A_100] {strides = array<i32>} : memref<32x128xf32, #tpu.memory_space<vmem>>, vector<16xf32>,
        tpu.vector_store %arg20[%swap3A, %swap3A_100], %mul3A_99 {strides = array<i32>} : memref<32x128xf32, #tpu.memory_space<vmem>>, vector<16xf32>,
        %swap3A_102 = arith.index_cast %scan3A_75 : i32 to index
        %swap3A_103 = arith.constant 64 : index
        %swap3A_104 = tpu.vector_load %arg20[%swap3A_102, %swap3A_103] {strides = array<i32>} : memref<32x128xf32, #tpu.memory_space<vmem>>, vector<16xf32>,
        tpu.vector_store %arg20[%swap3A_102, %swap3A_103], %exp3A {strides = array<i32>} : memref<32x128xf32, #tpu.memory_space<vmem>>, vector<16xf32>,
        %get3A_105 = arith.index_cast %scan3A_75 : i32 to index
        %get3A_106 = arith.constant 16 : index
        %get3A_107 = tpu.vector_load %arg15[%get3A_105, %get3A_106] {strides = array<i32>} : memref<32x128xf32, #tpu.memory_space<vmem>>, vector<16xf32>,
        %bitcast3A_108 = vector.bitcast %get3A_107 : vector<16xf32> to vector<32xbf16>
        %unpack3A_109 = tpu.unpack_subelements %bitcast3A_108, 0 {pack_format = #tpu.pack_format<interleaved>} : vector<32xbf16> -> vector<16xf32>
        %unpack3A_110 = tpu.unpack_subelements %bitcast3A_108, 1 {pack_format = #tpu.pack_format<interleaved>} : vector<32xbf16> -> vector<16xf32>
        %get3A_111 = arith.index_cast %scan3A_75 : i32 to index
        %get3A_112 = arith.constant 16 : index
        %get3A_113 = tpu.vector_load %arg17[%get3A_111, %get3A_112] {strides = array<i32>} : memref<32x128xf32, #tpu.memory_space<vmem>>, vector<16xf32>,
        %bitcast3A_114 = vector.bitcast %get3A_113 : vector<16xf32> to vector<32xbf16>
        %unpack3A_115 = tpu.unpack_subelements %bitcast3A_114, 0 {pack_format = #tpu.pack_format<interleaved>} : vector<32xbf16> -> vector<16xf32>
        %unpack3A_116 = tpu.unpack_subelements %bitcast3A_114, 1 {pack_format = #tpu.pack_format<interleaved>} : vector<32xbf16> -> vector<16xf32>
        %get3A_117 = arith.index_cast %scan3A_75 : i32 to index
        %get3A_118 = arith.constant 16 : index
        %get3A_119 = tpu.vector_load %arg19[%get3A_117, %get3A_118] {strides = array<i32>} : memref<32x64xf32, #tpu.memory_space<vmem>>, vector<16xf32>,
        %bitcast3A_120 = vector.bitcast %get3A_119 : vector<16xf32> to vector<32xbf16>
        %unpack3A_121 = tpu.unpack_subelements %bitcast3A_120, 0 {pack_format = #tpu.pack_format<interleaved>} : vector<32xbf16> -> vector<16xf32>
        %unpack3A_122 = tpu.unpack_subelements %bitcast3A_120, 1 {pack_format = #tpu.pack_format<interleaved>} : vector<32xbf16> -> vector<16xf32>
        %add3A_123 = arith.addf %unpack3A_115, %unpack3A_109 : vector<16xf32>
        %add3A_124 = arith.addf %add3A_123, %unpack3A_121 : vector<16xf32>
        %ge3A_125 = arith.constant 0.000000e+00 : f32
        %ge3A_126 = vector.broadcast %ge3A_125 : f32 to vector<16xf32>
        %ge3A_127 = arith.cmpf oge, %add3A_124, %ge3A_126 : vector<16xf32>
        %mul3A_128 = arith.mulf %get3A_1, %add3A_124 : vector<16xf32>
        %select_n3A_129 = arith.select %ge3A_127, %add3A_124, %mul3A_128 : vector<16xi1>, vector<16xf32>
        %exp3A_130 = math.exp %select_n3A_129 : vector<16xf32>
        %add3A_131 = arith.addf %unpack3A_116, %unpack3A_110 : vector<16xf32>
        %add3A_132 = arith.addf %add3A_131, %unpack3A_122 : vector<16xf32>
        %mul3A_133 = arith.mulf %exp3A_130, %add3A_132 : vector<16xf32>
        %swap3A_134 = arith.index_cast %scan3A_75 : i32 to index
        %swap3A_135 = arith.constant 16 : index
        %swap3A_136 = tpu.vector_load %arg20[%swap3A_134, %swap3A_135] {strides = array<i32>} : memref<32x128xf32, #tpu.memory_space<vmem>>, vector<16xf32>,
        tpu.vector_store %arg20[%swap3A_134, %swap3A_135], %mul3A_133 {strides = array<i32>} : memref<32x128xf32, #tpu.memory_space<vmem>>, vector<16xf32>,
        %swap3A_137 = arith.index_cast %scan3A_75 : i32 to index
        %swap3A_138 = arith.constant 80 : index
        %swap3A_139 = tpu.vector_load %arg20[%swap3A_137, %swap3A_138] {strides = array<i32>} : memref<32x128xf32, #tpu.memory_space<vmem>>, vector<16xf32>,
        tpu.vector_store %arg20[%swap3A_137, %swap3A_138], %exp3A_130 {strides = array<i32>} : memref<32x128xf32, #tpu.memory_space<vmem>>, vector<16xf32>,
        %get3A_140 = arith.index_cast %scan3A_75 : i32 to index
        %get3A_141 = arith.constant 32 : index
        %get3A_142 = tpu.vector_load %arg15[%get3A_140, %get3A_141] {strides = array<i32>} : memref<32x128xf32, #tpu.memory_space<vmem>>, vector<16xf32>,
        %bitcast3A_143 = vector.bitcast %get3A_142 : vector<16xf32> to vector<32xbf16>
        %unpack3A_144 = tpu.unpack_subelements %bitcast3A_143, 0 {pack_format = #tpu.pack_format<interleaved>} : vector<32xbf16> -> vector<16xf32>
        %unpack3A_145 = tpu.unpack_subelements %bitcast3A_143, 1 {pack_format = #tpu.pack_format<interleaved>} : vector<32xbf16> -> vector<16xf32>
        %get3A_146 = arith.index_cast %scan3A_75 : i32 to index
        %get3A_147 = arith.constant 32 : index
        %get3A_148 = tpu.vector_load %arg17[%get3A_146, %get3A_147] {strides = array<i32>} : memref<32x128xf32, #tpu.memory_space<vmem>>, vector<16xf32>,
        %bitcast3A_149 = vector.bitcast %get3A_148 : vector<16xf32> to vector<32xbf16>
        %unpack3A_150 = tpu.unpack_subelements %bitcast3A_149, 0 {pack_format = #tpu.pack_format<interleaved>} : vector<32xbf16> -> vector<16xf32>
        %unpack3A_151 = tpu.unpack_subelements %bitcast3A_149, 1 {pack_format = #tpu.pack_format<interleaved>} : vector<32xbf16> -> vector<16xf32>
        %get3A_152 = arith.index_cast %scan3A_75 : i32 to index
        %get3A_153 = arith.constant 32 : index
        %get3A_154 = tpu.vector_load %arg19[%get3A_152, %get3A_153] {strides = array<i32>} : memref<32x64xf32, #tpu.memory_space<vmem>>, vector<16xf32>,
        %bitcast3A_155 = vector.bitcast %get3A_154 : vector<16xf32> to vector<32xbf16>
        %unpack3A_156 = tpu.unpack_subelements %bitcast3A_155, 0 {pack_format = #tpu.pack_format<interleaved>} : vector<32xbf16> -> vector<16xf32>
        %unpack3A_157 = tpu.unpack_subelements %bitcast3A_155, 1 {pack_format = #tpu.pack_format<interleaved>} : vector<32xbf16> -> vector<16xf32>
        %add3A_158 = arith.addf %unpack3A_150, %unpack3A_144 : vector<16xf32>
        %add3A_159 = arith.addf %add3A_158, %unpack3A_156 : vector<16xf32>
        %ge3A_160 = arith.constant 0.000000e+00 : f32
        %ge3A_161 = vector.broadcast %ge3A_160 : f32 to vector<16xf32>
        %ge3A_162 = arith.cmpf oge, %add3A_159, %ge3A_161 : vector<16xf32>
        %mul3A_163 = arith.mulf %get3A_1, %add3A_159 : vector<16xf32>
        %select_n3A_164 = arith.select %ge3A_162, %add3A_159, %mul3A_163 : vector<16xi1>, vector<16xf32>
        %exp3A_165 = math.exp %select_n3A_164 : vector<16xf32>
        %add3A_166 = arith.addf %unpack3A_151, %unpack3A_145 : vector<16xf32>
        %add3A_167 = arith.addf %add3A_166, %unpack3A_157 : vector<16xf32>
        %mul3A_168 = arith.mulf %exp3A_165, %add3A_167 : vector<16xf32>
        %swap3A_169 = arith.index_cast %scan3A_75 : i32 to index
        %swap3A_170 = arith.constant 32 : index
        %swap3A_171 = tpu.vector_load %arg20[%swap3A_169, %swap3A_170] {strides = array<i32>} : memref<32x128xf32, #tpu.memory_space<vmem>>, vector<16xf32>,
        tpu.vector_store %arg20[%swap3A_169, %swap3A_170], %mul3A_168 {strides = array<i32>} : memref<32x128xf32, #tpu.memory_space<vmem>>, vector<16xf32>,
        %swap3A_172 = arith.index_cast %scan3A_75 : i32 to index
        %swap3A_173 = arith.constant 96 : index
        %swap3A_174 = tpu.vector_load %arg20[%swap3A_172, %swap3A_173] {strides = array<i32>} : memref<32x128xf32, #tpu.memory_space<vmem>>, vector<16xf32>,
        tpu.vector_store %arg20[%swap3A_172, %swap3A_173], %exp3A_165 {strides = array<i32>} : memref<32x128xf32, #tpu.memory_space<vmem>>, vector<16xf32>,
        %get3A_175 = arith.index_cast %scan3A_75 : i32 to index
        %get3A_176 = arith.constant 48 : index
        %get3A_177 = tpu.vector_load %arg15[%get3A_175, %get3A_176] {strides = array<i32>} : memref<32x128xf32, #tpu.memory_space<vmem>>, vector<16xf32>,
        %bitcast3A_178 = vector.bitcast %get3A_177 : vector<16xf32> to vector<32xbf16>
        %unpack3A_179 = tpu.unpack_subelements %bitcast3A_178, 0 {pack_format = #tpu.pack_format<interleaved>} : vector<32xbf16> -> vector<16xf32>
        %unpack3A_180 = tpu.unpack_subelements %bitcast3A_178, 1 {pack_format = #tpu.pack_format<interleaved>} : vector<32xbf16> -> vector<16xf32>
        %get3A_181 = arith.index_cast %scan3A_75 : i32 to index
        %get3A_182 = arith.constant 48 : index
        %get3A_183 = tpu.vector_load %arg17[%get3A_181, %get3A_182] {strides = array<i32>} : memref<32x128xf32, #tpu.memory_space<vmem>>, vector<16xf32>,
        %bitcast3A_184 = vector.bitcast %get3A_183 : vector<16xf32> to vector<32xbf16>
        %unpack3A_185 = tpu.unpack_subelements %bitcast3A_184, 0 {pack_format = #tpu.pack_format<interleaved>} : vector<32xbf16> -> vector<16xf32>
        %unpack3A_186 = tpu.unpack_subelements %bitcast3A_184, 1 {pack_format = #tpu.pack_format<interleaved>} : vector<32xbf16> -> vector<16xf32>
        %get3A_187 = arith.index_cast %scan3A_75 : i32 to index
        %get3A_188 = arith.constant 48 : index
        %get3A_189 = tpu.vector_load %arg19[%get3A_187, %get3A_188] {strides = array<i32>} : memref<32x64xf32, #tpu.memory_space<vmem>>, vector<16xf32>,
        %bitcast3A_190 = vector.bitcast %get3A_189 : vector<16xf32> to vector<32xbf16>
        %unpack3A_191 = tpu.unpack_subelements %bitcast3A_190, 0 {pack_format = #tpu.pack_format<interleaved>} : vector<32xbf16> -> vector<16xf32>
        %unpack3A_192 = tpu.unpack_subelements %bitcast3A_190, 1 {pack_format = #tpu.pack_format<interleaved>} : vector<32xbf16> -> vector<16xf32>
        %add3A_193 = arith.addf %unpack3A_185, %unpack3A_179 : vector<16xf32>
        %add3A_194 = arith.addf %add3A_193, %unpack3A_191 : vector<16xf32>
        %ge3A_195 = arith.constant 0.000000e+00 : f32
        %ge3A_196 = vector.broadcast %ge3A_195 : f32 to vector<16xf32>
        %ge3A_197 = arith.cmpf oge, %add3A_194, %ge3A_196 : vector<16xf32>
        %mul3A_198 = arith.mulf %get3A_1, %add3A_194 : vector<16xf32>
        %select_n3A_199 = arith.select %ge3A_197, %add3A_194, %mul3A_198 : vector<16xi1>, vector<16xf32>
        %exp3A_200 = math.exp %select_n3A_199 : vector<16xf32>
        %add3A_201 = arith.addf %unpack3A_186, %unpack3A_180 : vector<16xf32>
        %add3A_202 = arith.addf %add3A_201, %unpack3A_192 : vector<16xf32>
        %mul3A_203 = arith.mulf %exp3A_200, %add3A_202 : vector<16xf32>
        %swap3A_204 = arith.index_cast %scan3A_75 : i32 to index
        %swap3A_205 = arith.constant 48 : index
        %swap3A_206 = tpu.vector_load %arg20[%swap3A_204, %swap3A_205] {strides = array<i32>} : memref<32x128xf32, #tpu.memory_space<vmem>>, vector<16xf32>,
        tpu.vector_store %arg20[%swap3A_204, %swap3A_205], %mul3A_203 {strides = array<i32>} : memref<32x128xf32, #tpu.memory_space<vmem>>, vector<16xf32>,
        %swap3A_207 = arith.index_cast %scan3A_75 : i32 to index
        %swap3A_208 = arith.constant 112 : index
        %swap3A_209 = tpu.vector_load %arg20[%swap3A_207, %swap3A_208] {strides = array<i32>} : memref<32x128xf32, #tpu.memory_space<vmem>>, vector<16xf32>,
        tpu.vector_store %arg20[%swap3A_207, %swap3A_208], %exp3A_200 {strides = array<i32>} : memref<32x128xf32, #tpu.memory_space<vmem>>, vector<16xf32>,
      }
      %scan3A_74 = arith.constant 32 : i32
      "tpu.region"() ({
        %run_scoped3A = tpu.sem_alloc : memref<!tpu.dma_semaphore, #tpu.memory_space<semaphore_mem>>
        %dma_start3A_75 = arith.constant 0 : i32
        %dma_start3A_76 = arith.constant 0 : i32
        %dma_start3A_77 = tpu.memref_slice %arg22[%dma_start3A_75, %dma_start3A_76] : memref<10240x128xf32, #tpu.memory_space<vmem_shared>> -> memref<10240x128xf32, #tpu.memory_space<vmem_shared>>
        tpu.enqueue_indirect_dma source(%arg20 : memref<32x128xf32, #tpu.memory_space<vmem>>) target(%dma_start3A_77 : memref<10240x128xf32, #tpu.memory_space<vmem_shared>>) offsets(%arg13 : memref<32xi32, #tpu.memory_space<vmem>>) semaphore(%run_scoped3A : memref<!tpu.dma_semaphore, #tpu.memory_space<semaphore_mem>>) {add = true}
        %dma_wait3A_78 = arith.constant 0 : i32
        %dma_wait3A_79 = arith.constant 0 : i32
        %dma_wait3A_80 = tpu.memref_slice %arg22[%dma_wait3A_78, %dma_wait3A_79] : memref<10240x128xf32, #tpu.memory_space<vmem_shared>> -> memref<10240x128xf32, #tpu.memory_space<vmem_shared>>
        tpu.wait_indirect_dma semaphore(%run_scoped3A : memref<!tpu.dma_semaphore, #tpu.memory_space<semaphore_mem>>) src(%arg20 : memref<32x128xf32, #tpu.memory_space<vmem>>) dst(%dma_wait3A_80 : memref<10240x128xf32, #tpu.memory_space<vmem_shared>>)
        tpu.yield
      }) : () -> ()
    }
    %scan3A_10 = arith.constant 160 : i32
    %barrier3A_11 = arith.constant 0 : index
    tpu.barrier barrier_id(%barrier3A_11)
    "tpu.region"() ({
      %run_scoped3A = tpu.sem_alloc : memref<!tpu.dma_semaphore, #tpu.memory_space<semaphore_mem>>
      %dma_start3A = arith.constant 0 : i32
      %dma_start3A_12 = tpu.memref_slice %arg9[%arg0, %mul3A_0, %dma_start3A] : memref<2x10240x128xf32, #tpu.memory_space<hbm>> -> memref<1x640x128xf32, #tpu.memory_space<hbm>>
      %dma_start3A_13 = tpu.memref_squeeze %dma_start3A_12 : memref<1x640x128xf32, #tpu.memory_space<hbm>> -> memref<640x128xf32, #tpu.memory_space<hbm>>
      %dma_start3A_14 = arith.constant 0 : i32
      %dma_start3A_15 = tpu.memref_slice %arg22[%mul3A_0, %dma_start3A_14] : memref<10240x128xf32, #tpu.memory_space<vmem_shared>> -> memref<640x128xf32, #tpu.memory_space<vmem_shared>>
      tpu.enqueue_dma source(%dma_start3A_15 : memref<640x128xf32, #tpu.memory_space<vmem_shared>>) target(%dma_start3A_13 : memref<640x128xf32, #tpu.memory_space<hbm>>) target_semaphore(%run_scoped3A : memref<!tpu.dma_semaphore, #tpu.memory_space<semaphore_mem>>)
      %dma_wait3A = arith.constant 0 : i32
      %dma_wait3A_16 = tpu.memref_slice %arg9[%arg0, %mul3A_0, %dma_wait3A] : memref<2x10240x128xf32, #tpu.memory_space<hbm>> -> memref<1x640x128xf32, #tpu.memory_space<hbm>>
      %dma_wait3A_17 = tpu.memref_squeeze %dma_wait3A_16 : memref<1x640x128xf32, #tpu.memory_space<hbm>> -> memref<640x128xf32, #tpu.memory_space<hbm>>
      %dma_wait3A_18 = arith.constant 0 : i32
      %dma_wait3A_19 = tpu.memref_slice %arg22[%mul3A_0, %dma_wait3A_18] : memref<10240x128xf32, #tpu.memory_space<vmem_shared>> -> memref<640x128xf32, #tpu.memory_space<vmem_shared>>
      tpu.wait_dma2 semaphore(%run_scoped3A : memref<!tpu.dma_semaphore, #tpu.memory_space<semaphore_mem>>) src(%dma_wait3A_19 : memref<640x128xf32, #tpu.memory_space<vmem_shared>>) dst(%dma_wait3A_17 : memref<640x128xf32, #tpu.memory_space<hbm>>)
      tpu.yield
    }) : () -> ()
    return
  }
}

#map = affine_map<(d0, d1) -> (0, 0)>
#map1 = affine_map<(d0, d1) -> (0)>
#map2 = affine_map<(d0, d1) -> (0, 0, 0)>
module attributes {stable_mosaic.version = 14 : i64} {
  func.func @body(%arg0: i32, %arg1: i32, %arg2: memref<10240x128xf32, #tpu.memory_space<hbm>>, %arg3: memref<10240x128xf32, #tpu.memory_space<hbm>>, %arg4: memref<327680x80xf32, #tpu.memory_space<hbm>>, %arg5: memref<327680xi32, #tpu.memory_space<hbm>>, %arg6: memref<327680xi32, #tpu.memory_space<hbm>>, %arg7: memref<10240x128xf32, #tpu.memory_space<hbm>>, %arg8: memref<16xf32, #tpu.memory_space<hbm>>, %arg9: memref<2x10240x128xf32, #tpu.memory_space<hbm>>, %arg10: memref<327680x16xf32, #tpu.memory_space<hbm>>, %arg11: memref<32xi32, #tpu.memory_space<vmem>>, %arg12: memref<32xi32, #tpu.memory_space<vmem>>, %arg13: memref<32xi32, #tpu.memory_space<vmem>>, %arg14: memref<32xi32, #tpu.memory_space<vmem>>, %arg15: memref<32x128xf32, #tpu.memory_space<vmem>>, %arg16: memref<32x128xf32, #tpu.memory_space<vmem>>, %arg17: memref<32x128xf32, #tpu.memory_space<vmem>>, %arg18: memref<32x128xf32, #tpu.memory_space<vmem>>, %arg19: memref<32x80xf32, #tpu.memory_space<vmem>>, %arg20: memref<32x80xf32, #tpu.memory_space<vmem>>, %arg21: memref<32x128xf32, #tpu.memory_space<vmem>>, %arg22: memref<16xf32, #tpu.memory_space<vmem>>, %arg23: memref<32x16xf32, #tpu.memory_space<vmem>>, %arg24: memref<10240x128xf32, #tpu.memory_space<vmem_shared>>, %arg25: memref<!tpu.dma_semaphore, #tpu.memory_space<semaphore_mem>>, %arg26: memref<!tpu.dma_semaphore, #tpu.memory_space<semaphore_mem>>, %arg27: memref<!tpu.dma_semaphore, #tpu.memory_space<semaphore_mem>>, %arg28: memref<!tpu.dma_semaphore, #tpu.memory_space<semaphore_mem>>, %arg29: memref<!tpu.dma_semaphore, #tpu.memory_space<semaphore_mem>>, %arg30: memref<!tpu.dma_semaphore, #tpu.memory_space<semaphore_mem>>) attributes {dimension_semantics = [#tpu.dimension_semantics<core_parallel>, #tpu.dimension_semantics<subcore_parallel>], iteration_bounds = array<i64: 2, 16>, scalar_prefetch = 0 : i64, scratch_operands = 20 : i64, tpu.core_type = #tpu.core_type<sc_vector_subcore>, window_params = [{transform_indices = #map}, {transform_indices = #map}, {transform_indices = #map}, {transform_indices = #map1}, {transform_indices = #map1}, {transform_indices = #map}, {transform_indices = #map1}, {transform_indices = #map2}, {transform_indices = #map}]} {
    %mul3A = arith.constant 640 : i32
    %mul3A_0 = arith.muli %arg1, %mul3A : i32
    "tpu.region"() ({
      %run_scoped3A = tpu.sem_alloc : memref<!tpu.dma_semaphore, #tpu.memory_space<semaphore_mem>>
      %dma_start3A = arith.constant 0 : i32
      %dma_start3A_12 = tpu.memref_slice %arg24[%mul3A_0, %dma_start3A] : memref<10240x128xf32, #tpu.memory_space<vmem_shared>> -> memref<640x128xf32, #tpu.memory_space<vmem_shared>>
      %dma_start3A_13 = arith.constant 0 : i32
      %dma_start3A_14 = tpu.memref_slice %arg7[%mul3A_0, %dma_start3A_13] : memref<10240x128xf32, #tpu.memory_space<hbm>> -> memref<640x128xf32, #tpu.memory_space<hbm>>
      tpu.enqueue_dma source(%dma_start3A_14 : memref<640x128xf32, #tpu.memory_space<hbm>>) target(%dma_start3A_12 : memref<640x128xf32, #tpu.memory_space<vmem_shared>>) target_semaphore(%run_scoped3A : memref<!tpu.dma_semaphore, #tpu.memory_space<semaphore_mem>>)
      %dma_wait3A = arith.constant 0 : i32
      %dma_wait3A_15 = tpu.memref_slice %arg24[%mul3A_0, %dma_wait3A] : memref<10240x128xf32, #tpu.memory_space<vmem_shared>> -> memref<640x128xf32, #tpu.memory_space<vmem_shared>>
      %dma_wait3A_16 = arith.constant 0 : i32
      %dma_wait3A_17 = tpu.memref_slice %arg7[%mul3A_0, %dma_wait3A_16] : memref<10240x128xf32, #tpu.memory_space<hbm>> -> memref<640x128xf32, #tpu.memory_space<hbm>>
      tpu.wait_dma2 semaphore(%run_scoped3A : memref<!tpu.dma_semaphore, #tpu.memory_space<semaphore_mem>>) src(%dma_wait3A_17 : memref<640x128xf32, #tpu.memory_space<hbm>>) dst(%dma_wait3A_15 : memref<640x128xf32, #tpu.memory_space<vmem_shared>>)
      tpu.yield
    }) : () -> ()
    "tpu.region"() ({
      %run_scoped3A = tpu.sem_alloc : memref<!tpu.dma_semaphore, #tpu.memory_space<semaphore_mem>>
      tpu.enqueue_dma source(%arg8 : memref<16xf32, #tpu.memory_space<hbm>>) target(%arg22 : memref<16xf32, #tpu.memory_space<vmem>>) target_semaphore(%run_scoped3A : memref<!tpu.dma_semaphore, #tpu.memory_space<semaphore_mem>>)
      tpu.wait_dma2 semaphore(%run_scoped3A : memref<!tpu.dma_semaphore, #tpu.memory_space<semaphore_mem>>) src(%arg8 : memref<16xf32, #tpu.memory_space<hbm>>) dst(%arg22 : memref<16xf32, #tpu.memory_space<vmem>>)
      tpu.yield
    }) : () -> ()
    %barrier3A = arith.constant 0 : index
    tpu.barrier barrier_id(%barrier3A)
    %get3A = arith.constant 0 : index
    %get3A_1 = tpu.vector_load %arg22[%get3A] {strides = array<i32>} : memref<16xf32, #tpu.memory_space<vmem>>, vector<16xf32>,
    %mul3A_2 = arith.constant 163840 : i32
    %mul3A_3 = arith.muli %arg0, %mul3A_2 : i32
    %mul3A_4 = arith.constant 10240 : i32
    %mul3A_5 = arith.muli %arg1, %mul3A_4 : i32
    %add3A = arith.addi %mul3A_3, %mul3A_5 : i32
    %scan3A = arith.constant 0 : i32
    %scan3A_6 = arith.constant 0 : i32
    %scan3A_7 = arith.constant 160 : i32
    %scan3A_8 = arith.addi %scan3A_6, %scan3A_7 : i32
    %scan3A_9 = arith.constant 1 : i32
    scf.for %scan3A_12 = %scan3A_6 to %scan3A_8 step %scan3A_9  : i32 {
      %mul3A_13 = arith.constant 2 : i32
      %mul3A_14 = arith.muli %mul3A_13, %scan3A_12 : i32
      %mul3A_15 = arith.constant 32 : i32
      %mul3A_16 = arith.muli %mul3A_14, %mul3A_15 : i32
      %add3A_17 = arith.addi %add3A, %mul3A_16 : i32
      "tpu.region"() ({
        %run_scoped3A = tpu.sem_alloc : memref<!tpu.dma_semaphore, #tpu.memory_space<semaphore_mem>>
        %dma_start3A_81 = tpu.memref_slice %arg5[%add3A_17] : memref<327680xi32, #tpu.memory_space<hbm>> -> memref<32xi32, #tpu.memory_space<hbm>>
        %dma_start3A_82 = tpu.memref_slice %arg5[%add3A_17] : memref<327680xi32, #tpu.memory_space<hbm>> -> memref<32xi32, #tpu.memory_space<hbm>>
        tpu.enqueue_dma source(%dma_start3A_82 : memref<32xi32, #tpu.memory_space<hbm>>) target(%arg11 : memref<32xi32, #tpu.memory_space<vmem>>) target_semaphore(%run_scoped3A : memref<!tpu.dma_semaphore, #tpu.memory_space<semaphore_mem>>)
        %dma_wait3A_83 = tpu.memref_slice %arg5[%add3A_17] : memref<327680xi32, #tpu.memory_space<hbm>> -> memref<32xi32, #tpu.memory_space<hbm>>
        %dma_wait3A_84 = tpu.memref_slice %arg5[%add3A_17] : memref<327680xi32, #tpu.memory_space<hbm>> -> memref<32xi32, #tpu.memory_space<hbm>>
        tpu.wait_dma2 semaphore(%run_scoped3A : memref<!tpu.dma_semaphore, #tpu.memory_space<semaphore_mem>>) src(%dma_wait3A_84 : memref<32xi32, #tpu.memory_space<hbm>>) dst(%arg11 : memref<32xi32, #tpu.memory_space<vmem>>)
        tpu.yield
      }) : () -> ()
      "tpu.region"() ({
        %run_scoped3A = tpu.sem_alloc : memref<!tpu.dma_semaphore, #tpu.memory_space<semaphore_mem>>
        %dma_start3A_81 = tpu.memref_slice %arg6[%add3A_17] : memref<327680xi32, #tpu.memory_space<hbm>> -> memref<32xi32, #tpu.memory_space<hbm>>
        %dma_start3A_82 = tpu.memref_slice %arg6[%add3A_17] : memref<327680xi32, #tpu.memory_space<hbm>> -> memref<32xi32, #tpu.memory_space<hbm>>
        tpu.enqueue_dma source(%dma_start3A_82 : memref<32xi32, #tpu.memory_space<hbm>>) target(%arg13 : memref<32xi32, #tpu.memory_space<vmem>>) target_semaphore(%run_scoped3A : memref<!tpu.dma_semaphore, #tpu.memory_space<semaphore_mem>>)
        %dma_wait3A_83 = tpu.memref_slice %arg6[%add3A_17] : memref<327680xi32, #tpu.memory_space<hbm>> -> memref<32xi32, #tpu.memory_space<hbm>>
        %dma_wait3A_84 = tpu.memref_slice %arg6[%add3A_17] : memref<327680xi32, #tpu.memory_space<hbm>> -> memref<32xi32, #tpu.memory_space<hbm>>
        tpu.wait_dma2 semaphore(%run_scoped3A : memref<!tpu.dma_semaphore, #tpu.memory_space<semaphore_mem>>) src(%dma_wait3A_84 : memref<32xi32, #tpu.memory_space<hbm>>) dst(%arg13 : memref<32xi32, #tpu.memory_space<vmem>>)
        tpu.yield
      }) : () -> ()
      %dma_start3A = arith.constant 0 : i32
      %dma_start3A_18 = arith.constant 0 : i32
      %dma_start3A_19 = tpu.memref_slice %arg3[%dma_start3A, %dma_start3A_18] : memref<10240x128xf32, #tpu.memory_space<hbm>> -> memref<10240x128xf32, #tpu.memory_space<hbm>>
      tpu.enqueue_indirect_dma source(%dma_start3A_19 : memref<10240x128xf32, #tpu.memory_space<hbm>>) target(%arg15 : memref<32x128xf32, #tpu.memory_space<vmem>>) offsets(%arg11 : memref<32xi32, #tpu.memory_space<vmem>>) semaphore(%arg25 : memref<!tpu.dma_semaphore, #tpu.memory_space<semaphore_mem>>)
      %dma_start3A_20 = arith.constant 0 : i32
      %dma_start3A_21 = arith.constant 0 : i32
      %dma_start3A_22 = tpu.memref_slice %arg2[%dma_start3A_20, %dma_start3A_21] : memref<10240x128xf32, #tpu.memory_space<hbm>> -> memref<10240x128xf32, #tpu.memory_space<hbm>>
      tpu.enqueue_indirect_dma source(%dma_start3A_22 : memref<10240x128xf32, #tpu.memory_space<hbm>>) target(%arg17 : memref<32x128xf32, #tpu.memory_space<vmem>>) offsets(%arg13 : memref<32xi32, #tpu.memory_space<vmem>>) semaphore(%arg27 : memref<!tpu.dma_semaphore, #tpu.memory_space<semaphore_mem>>)
      %dma_start3A_23 = arith.constant 0 : i32
      %dma_start3A_24 = tpu.memref_slice %arg4[%add3A_17, %dma_start3A_23] : memref<327680x80xf32, #tpu.memory_space<hbm>> -> memref<32x80xf32, #tpu.memory_space<hbm>>
      %dma_start3A_25 = arith.constant 0 : i32
      %dma_start3A_26 = tpu.memref_slice %arg4[%add3A_17, %dma_start3A_25] : memref<327680x80xf32, #tpu.memory_space<hbm>> -> memref<32x80xf32, #tpu.memory_space<hbm>>
      tpu.enqueue_dma source(%dma_start3A_26 : memref<32x80xf32, #tpu.memory_space<hbm>>) target(%arg19 : memref<32x80xf32, #tpu.memory_space<vmem>>) target_semaphore(%arg29 : memref<!tpu.dma_semaphore, #tpu.memory_space<semaphore_mem>>)
      %add3A_27 = arith.constant 1 : i32
      %add3A_28 = arith.addi %mul3A_14, %add3A_27 : i32
      %mul3A_29 = arith.constant 32 : i32
      %mul3A_30 = arith.muli %add3A_28, %mul3A_29 : i32
      %add3A_31 = arith.addi %add3A, %mul3A_30 : i32
      "tpu.region"() ({
        %run_scoped3A = tpu.sem_alloc : memref<!tpu.dma_semaphore, #tpu.memory_space<semaphore_mem>>
        %dma_start3A_81 = tpu.memref_slice %arg5[%add3A_31] : memref<327680xi32, #tpu.memory_space<hbm>> -> memref<32xi32, #tpu.memory_space<hbm>>
        %dma_start3A_82 = tpu.memref_slice %arg5[%add3A_31] : memref<327680xi32, #tpu.memory_space<hbm>> -> memref<32xi32, #tpu.memory_space<hbm>>
        tpu.enqueue_dma source(%dma_start3A_82 : memref<32xi32, #tpu.memory_space<hbm>>) target(%arg12 : memref<32xi32, #tpu.memory_space<vmem>>) target_semaphore(%run_scoped3A : memref<!tpu.dma_semaphore, #tpu.memory_space<semaphore_mem>>)
        %dma_wait3A_83 = tpu.memref_slice %arg5[%add3A_31] : memref<327680xi32, #tpu.memory_space<hbm>> -> memref<32xi32, #tpu.memory_space<hbm>>
        %dma_wait3A_84 = tpu.memref_slice %arg5[%add3A_31] : memref<327680xi32, #tpu.memory_space<hbm>> -> memref<32xi32, #tpu.memory_space<hbm>>
        tpu.wait_dma2 semaphore(%run_scoped3A : memref<!tpu.dma_semaphore, #tpu.memory_space<semaphore_mem>>) src(%dma_wait3A_84 : memref<32xi32, #tpu.memory_space<hbm>>) dst(%arg12 : memref<32xi32, #tpu.memory_space<vmem>>)
        tpu.yield
      }) : () -> ()
      "tpu.region"() ({
        %run_scoped3A = tpu.sem_alloc : memref<!tpu.dma_semaphore, #tpu.memory_space<semaphore_mem>>
        %dma_start3A_81 = tpu.memref_slice %arg6[%add3A_31] : memref<327680xi32, #tpu.memory_space<hbm>> -> memref<32xi32, #tpu.memory_space<hbm>>
        %dma_start3A_82 = tpu.memref_slice %arg6[%add3A_31] : memref<327680xi32, #tpu.memory_space<hbm>> -> memref<32xi32, #tpu.memory_space<hbm>>
        tpu.enqueue_dma source(%dma_start3A_82 : memref<32xi32, #tpu.memory_space<hbm>>) target(%arg14 : memref<32xi32, #tpu.memory_space<vmem>>) target_semaphore(%run_scoped3A : memref<!tpu.dma_semaphore, #tpu.memory_space<semaphore_mem>>)
        %dma_wait3A_83 = tpu.memref_slice %arg6[%add3A_31] : memref<327680xi32, #tpu.memory_space<hbm>> -> memref<32xi32, #tpu.memory_space<hbm>>
        %dma_wait3A_84 = tpu.memref_slice %arg6[%add3A_31] : memref<327680xi32, #tpu.memory_space<hbm>> -> memref<32xi32, #tpu.memory_space<hbm>>
        tpu.wait_dma2 semaphore(%run_scoped3A : memref<!tpu.dma_semaphore, #tpu.memory_space<semaphore_mem>>) src(%dma_wait3A_84 : memref<32xi32, #tpu.memory_space<hbm>>) dst(%arg14 : memref<32xi32, #tpu.memory_space<vmem>>)
        tpu.yield
      }) : () -> ()
      %dma_start3A_32 = arith.constant 0 : i32
      %dma_start3A_33 = arith.constant 0 : i32
      %dma_start3A_34 = tpu.memref_slice %arg3[%dma_start3A_32, %dma_start3A_33] : memref<10240x128xf32, #tpu.memory_space<hbm>> -> memref<10240x128xf32, #tpu.memory_space<hbm>>
      tpu.enqueue_indirect_dma source(%dma_start3A_34 : memref<10240x128xf32, #tpu.memory_space<hbm>>) target(%arg16 : memref<32x128xf32, #tpu.memory_space<vmem>>) offsets(%arg12 : memref<32xi32, #tpu.memory_space<vmem>>) semaphore(%arg26 : memref<!tpu.dma_semaphore, #tpu.memory_space<semaphore_mem>>)
      %dma_start3A_35 = arith.constant 0 : i32
      %dma_start3A_36 = arith.constant 0 : i32
      %dma_start3A_37 = tpu.memref_slice %arg2[%dma_start3A_35, %dma_start3A_36] : memref<10240x128xf32, #tpu.memory_space<hbm>> -> memref<10240x128xf32, #tpu.memory_space<hbm>>
      tpu.enqueue_indirect_dma source(%dma_start3A_37 : memref<10240x128xf32, #tpu.memory_space<hbm>>) target(%arg18 : memref<32x128xf32, #tpu.memory_space<vmem>>) offsets(%arg14 : memref<32xi32, #tpu.memory_space<vmem>>) semaphore(%arg28 : memref<!tpu.dma_semaphore, #tpu.memory_space<semaphore_mem>>)
      %dma_start3A_38 = arith.constant 0 : i32
      %dma_start3A_39 = tpu.memref_slice %arg4[%add3A_31, %dma_start3A_38] : memref<327680x80xf32, #tpu.memory_space<hbm>> -> memref<32x80xf32, #tpu.memory_space<hbm>>
      %dma_start3A_40 = arith.constant 0 : i32
      %dma_start3A_41 = tpu.memref_slice %arg4[%add3A_31, %dma_start3A_40] : memref<327680x80xf32, #tpu.memory_space<hbm>> -> memref<32x80xf32, #tpu.memory_space<hbm>>
      tpu.enqueue_dma source(%dma_start3A_41 : memref<32x80xf32, #tpu.memory_space<hbm>>) target(%arg20 : memref<32x80xf32, #tpu.memory_space<vmem>>) target_semaphore(%arg30 : memref<!tpu.dma_semaphore, #tpu.memory_space<semaphore_mem>>)
      %dma_wait3A = arith.constant 0 : i32
      %dma_wait3A_42 = arith.constant 0 : i32
      %dma_wait3A_43 = tpu.memref_slice %arg3[%dma_wait3A, %dma_wait3A_42] : memref<10240x128xf32, #tpu.memory_space<hbm>> -> memref<10240x128xf32, #tpu.memory_space<hbm>>
      tpu.wait_indirect_dma semaphore(%arg25 : memref<!tpu.dma_semaphore, #tpu.memory_space<semaphore_mem>>) src(%dma_wait3A_43 : memref<10240x128xf32, #tpu.memory_space<hbm>>) dst(%arg15 : memref<32x128xf32, #tpu.memory_space<vmem>>)
      %dma_wait3A_44 = arith.constant 0 : i32
      %dma_wait3A_45 = arith.constant 0 : i32
      %dma_wait3A_46 = tpu.memref_slice %arg2[%dma_wait3A_44, %dma_wait3A_45] : memref<10240x128xf32, #tpu.memory_space<hbm>> -> memref<10240x128xf32, #tpu.memory_space<hbm>>
      tpu.wait_indirect_dma semaphore(%arg27 : memref<!tpu.dma_semaphore, #tpu.memory_space<semaphore_mem>>) src(%dma_wait3A_46 : memref<10240x128xf32, #tpu.memory_space<hbm>>) dst(%arg17 : memref<32x128xf32, #tpu.memory_space<vmem>>)
      %dma_wait3A_47 = arith.constant 0 : i32
      %dma_wait3A_48 = tpu.memref_slice %arg4[%add3A_17, %dma_wait3A_47] : memref<327680x80xf32, #tpu.memory_space<hbm>> -> memref<32x80xf32, #tpu.memory_space<hbm>>
      %dma_wait3A_49 = arith.constant 0 : i32
      %dma_wait3A_50 = tpu.memref_slice %arg4[%add3A_17, %dma_wait3A_49] : memref<327680x80xf32, #tpu.memory_space<hbm>> -> memref<32x80xf32, #tpu.memory_space<hbm>>
      tpu.wait_dma2 semaphore(%arg29 : memref<!tpu.dma_semaphore, #tpu.memory_space<semaphore_mem>>) src(%dma_wait3A_50 : memref<32x80xf32, #tpu.memory_space<hbm>>) dst(%arg19 : memref<32x80xf32, #tpu.memory_space<vmem>>)
      %scan3A_51 = arith.constant 0 : i32
      %scan3A_52 = arith.constant 0 : i32
      %scan3A_53 = arith.constant 32 : i32
      %scan3A_54 = arith.addi %scan3A_52, %scan3A_53 : i32
      %scan3A_55 = arith.constant 1 : i32
      scf.for %scan3A_81 = %scan3A_52 to %scan3A_54 step %scan3A_55  : i32 {
        %get3A_82 = arith.index_cast %scan3A_81 : i32 to index
        %get3A_83 = arith.constant 0 : index
        %get3A_84 = tpu.vector_load %arg15[%get3A_82, %get3A_83] {strides = array<i32>} : memref<32x128xf32, #tpu.memory_space<vmem>>, vector<16xf32>,
        %bitcast3A = vector.bitcast %get3A_84 : vector<16xf32> to vector<32xbf16>
        %unpack3A = tpu.unpack_subelements %bitcast3A, 0 {pack_format = #tpu.pack_format<interleaved>} : vector<32xbf16> -> vector<16xf32>
        %unpack3A_85 = tpu.unpack_subelements %bitcast3A, 1 {pack_format = #tpu.pack_format<interleaved>} : vector<32xbf16> -> vector<16xf32>
        %get3A_86 = arith.index_cast %scan3A_81 : i32 to index
        %get3A_87 = arith.constant 0 : index
        %get3A_88 = tpu.vector_load %arg17[%get3A_86, %get3A_87] {strides = array<i32>} : memref<32x128xf32, #tpu.memory_space<vmem>>, vector<16xf32>,
        %bitcast3A_89 = vector.bitcast %get3A_88 : vector<16xf32> to vector<32xbf16>
        %unpack3A_90 = tpu.unpack_subelements %bitcast3A_89, 0 {pack_format = #tpu.pack_format<interleaved>} : vector<32xbf16> -> vector<16xf32>
        %unpack3A_91 = tpu.unpack_subelements %bitcast3A_89, 1 {pack_format = #tpu.pack_format<interleaved>} : vector<32xbf16> -> vector<16xf32>
        %get3A_92 = arith.index_cast %scan3A_81 : i32 to index
        %get3A_93 = arith.constant 0 : index
        %get3A_94 = tpu.vector_load %arg19[%get3A_92, %get3A_93] {strides = array<i32>} : memref<32x80xf32, #tpu.memory_space<vmem>>, vector<16xf32>,
        %bitcast3A_95 = vector.bitcast %get3A_94 : vector<16xf32> to vector<32xbf16>
        %unpack3A_96 = tpu.unpack_subelements %bitcast3A_95, 0 {pack_format = #tpu.pack_format<interleaved>} : vector<32xbf16> -> vector<16xf32>
        %unpack3A_97 = tpu.unpack_subelements %bitcast3A_95, 1 {pack_format = #tpu.pack_format<interleaved>} : vector<32xbf16> -> vector<16xf32>
        %add3A_98 = arith.addf %unpack3A_90, %unpack3A : vector<16xf32>
        %add3A_99 = arith.addf %add3A_98, %unpack3A_96 : vector<16xf32>
        %ge3A = arith.constant 0.000000e+00 : f32
        %ge3A_100 = vector.broadcast %ge3A : f32 to vector<16xf32>
        %ge3A_101 = arith.cmpf oge, %add3A_99, %ge3A_100 : vector<16xf32>
        %mul3A_102 = arith.mulf %get3A_1, %add3A_99 : vector<16xf32>
        %select_n3A = arith.select %ge3A_101, %add3A_99, %mul3A_102 : vector<16xi1>, vector<16xf32>
        %exp3A = math.exp %select_n3A : vector<16xf32>
        %add3A_103 = arith.addf %unpack3A_91, %unpack3A_85 : vector<16xf32>
        %add3A_104 = arith.addf %add3A_103, %unpack3A_97 : vector<16xf32>
        %mul3A_105 = arith.mulf %exp3A, %add3A_104 : vector<16xf32>
        %swap3A = arith.index_cast %scan3A_81 : i32 to index
        %swap3A_106 = arith.constant 0 : index
        %swap3A_107 = tpu.vector_load %arg21[%swap3A, %swap3A_106] {strides = array<i32>} : memref<32x128xf32, #tpu.memory_space<vmem>>, vector<16xf32>,
        tpu.vector_store %arg21[%swap3A, %swap3A_106], %mul3A_105 {strides = array<i32>} : memref<32x128xf32, #tpu.memory_space<vmem>>, vector<16xf32>,
        %swap3A_108 = arith.index_cast %scan3A_81 : i32 to index
        %swap3A_109 = arith.constant 64 : index
        %swap3A_110 = tpu.vector_load %arg21[%swap3A_108, %swap3A_109] {strides = array<i32>} : memref<32x128xf32, #tpu.memory_space<vmem>>, vector<16xf32>,
        tpu.vector_store %arg21[%swap3A_108, %swap3A_109], %exp3A {strides = array<i32>} : memref<32x128xf32, #tpu.memory_space<vmem>>, vector<16xf32>,
        %get3A_111 = arith.index_cast %scan3A_81 : i32 to index
        %get3A_112 = arith.constant 16 : index
        %get3A_113 = tpu.vector_load %arg15[%get3A_111, %get3A_112] {strides = array<i32>} : memref<32x128xf32, #tpu.memory_space<vmem>>, vector<16xf32>,
        %bitcast3A_114 = vector.bitcast %get3A_113 : vector<16xf32> to vector<32xbf16>
        %unpack3A_115 = tpu.unpack_subelements %bitcast3A_114, 0 {pack_format = #tpu.pack_format<interleaved>} : vector<32xbf16> -> vector<16xf32>
        %unpack3A_116 = tpu.unpack_subelements %bitcast3A_114, 1 {pack_format = #tpu.pack_format<interleaved>} : vector<32xbf16> -> vector<16xf32>
        %get3A_117 = arith.index_cast %scan3A_81 : i32 to index
        %get3A_118 = arith.constant 16 : index
        %get3A_119 = tpu.vector_load %arg17[%get3A_117, %get3A_118] {strides = array<i32>} : memref<32x128xf32, #tpu.memory_space<vmem>>, vector<16xf32>,
        %bitcast3A_120 = vector.bitcast %get3A_119 : vector<16xf32> to vector<32xbf16>
        %unpack3A_121 = tpu.unpack_subelements %bitcast3A_120, 0 {pack_format = #tpu.pack_format<interleaved>} : vector<32xbf16> -> vector<16xf32>
        %unpack3A_122 = tpu.unpack_subelements %bitcast3A_120, 1 {pack_format = #tpu.pack_format<interleaved>} : vector<32xbf16> -> vector<16xf32>
        %get3A_123 = arith.index_cast %scan3A_81 : i32 to index
        %get3A_124 = arith.constant 16 : index
        %get3A_125 = tpu.vector_load %arg19[%get3A_123, %get3A_124] {strides = array<i32>} : memref<32x80xf32, #tpu.memory_space<vmem>>, vector<16xf32>,
        %bitcast3A_126 = vector.bitcast %get3A_125 : vector<16xf32> to vector<32xbf16>
        %unpack3A_127 = tpu.unpack_subelements %bitcast3A_126, 0 {pack_format = #tpu.pack_format<interleaved>} : vector<32xbf16> -> vector<16xf32>
        %unpack3A_128 = tpu.unpack_subelements %bitcast3A_126, 1 {pack_format = #tpu.pack_format<interleaved>} : vector<32xbf16> -> vector<16xf32>
        %add3A_129 = arith.addf %unpack3A_121, %unpack3A_115 : vector<16xf32>
        %add3A_130 = arith.addf %add3A_129, %unpack3A_127 : vector<16xf32>
        %ge3A_131 = arith.constant 0.000000e+00 : f32
        %ge3A_132 = vector.broadcast %ge3A_131 : f32 to vector<16xf32>
        %ge3A_133 = arith.cmpf oge, %add3A_130, %ge3A_132 : vector<16xf32>
        %mul3A_134 = arith.mulf %get3A_1, %add3A_130 : vector<16xf32>
        %select_n3A_135 = arith.select %ge3A_133, %add3A_130, %mul3A_134 : vector<16xi1>, vector<16xf32>
        %exp3A_136 = math.exp %select_n3A_135 : vector<16xf32>
        %add3A_137 = arith.addf %unpack3A_122, %unpack3A_116 : vector<16xf32>
        %add3A_138 = arith.addf %add3A_137, %unpack3A_128 : vector<16xf32>
        %mul3A_139 = arith.mulf %exp3A_136, %add3A_138 : vector<16xf32>
        %swap3A_140 = arith.index_cast %scan3A_81 : i32 to index
        %swap3A_141 = arith.constant 16 : index
        %swap3A_142 = tpu.vector_load %arg21[%swap3A_140, %swap3A_141] {strides = array<i32>} : memref<32x128xf32, #tpu.memory_space<vmem>>, vector<16xf32>,
        tpu.vector_store %arg21[%swap3A_140, %swap3A_141], %mul3A_139 {strides = array<i32>} : memref<32x128xf32, #tpu.memory_space<vmem>>, vector<16xf32>,
        %swap3A_143 = arith.index_cast %scan3A_81 : i32 to index
        %swap3A_144 = arith.constant 80 : index
        %swap3A_145 = tpu.vector_load %arg21[%swap3A_143, %swap3A_144] {strides = array<i32>} : memref<32x128xf32, #tpu.memory_space<vmem>>, vector<16xf32>,
        tpu.vector_store %arg21[%swap3A_143, %swap3A_144], %exp3A_136 {strides = array<i32>} : memref<32x128xf32, #tpu.memory_space<vmem>>, vector<16xf32>,
        %get3A_146 = arith.index_cast %scan3A_81 : i32 to index
        %get3A_147 = arith.constant 32 : index
        %get3A_148 = tpu.vector_load %arg15[%get3A_146, %get3A_147] {strides = array<i32>} : memref<32x128xf32, #tpu.memory_space<vmem>>, vector<16xf32>,
        %bitcast3A_149 = vector.bitcast %get3A_148 : vector<16xf32> to vector<32xbf16>
        %unpack3A_150 = tpu.unpack_subelements %bitcast3A_149, 0 {pack_format = #tpu.pack_format<interleaved>} : vector<32xbf16> -> vector<16xf32>
        %unpack3A_151 = tpu.unpack_subelements %bitcast3A_149, 1 {pack_format = #tpu.pack_format<interleaved>} : vector<32xbf16> -> vector<16xf32>
        %get3A_152 = arith.index_cast %scan3A_81 : i32 to index
        %get3A_153 = arith.constant 32 : index
        %get3A_154 = tpu.vector_load %arg17[%get3A_152, %get3A_153] {strides = array<i32>} : memref<32x128xf32, #tpu.memory_space<vmem>>, vector<16xf32>,
        %bitcast3A_155 = vector.bitcast %get3A_154 : vector<16xf32> to vector<32xbf16>
        %unpack3A_156 = tpu.unpack_subelements %bitcast3A_155, 0 {pack_format = #tpu.pack_format<interleaved>} : vector<32xbf16> -> vector<16xf32>
        %unpack3A_157 = tpu.unpack_subelements %bitcast3A_155, 1 {pack_format = #tpu.pack_format<interleaved>} : vector<32xbf16> -> vector<16xf32>
        %get3A_158 = arith.index_cast %scan3A_81 : i32 to index
        %get3A_159 = arith.constant 32 : index
        %get3A_160 = tpu.vector_load %arg19[%get3A_158, %get3A_159] {strides = array<i32>} : memref<32x80xf32, #tpu.memory_space<vmem>>, vector<16xf32>,
        %bitcast3A_161 = vector.bitcast %get3A_160 : vector<16xf32> to vector<32xbf16>
        %unpack3A_162 = tpu.unpack_subelements %bitcast3A_161, 0 {pack_format = #tpu.pack_format<interleaved>} : vector<32xbf16> -> vector<16xf32>
        %unpack3A_163 = tpu.unpack_subelements %bitcast3A_161, 1 {pack_format = #tpu.pack_format<interleaved>} : vector<32xbf16> -> vector<16xf32>
        %add3A_164 = arith.addf %unpack3A_156, %unpack3A_150 : vector<16xf32>
        %add3A_165 = arith.addf %add3A_164, %unpack3A_162 : vector<16xf32>
        %ge3A_166 = arith.constant 0.000000e+00 : f32
        %ge3A_167 = vector.broadcast %ge3A_166 : f32 to vector<16xf32>
        %ge3A_168 = arith.cmpf oge, %add3A_165, %ge3A_167 : vector<16xf32>
        %mul3A_169 = arith.mulf %get3A_1, %add3A_165 : vector<16xf32>
        %select_n3A_170 = arith.select %ge3A_168, %add3A_165, %mul3A_169 : vector<16xi1>, vector<16xf32>
        %exp3A_171 = math.exp %select_n3A_170 : vector<16xf32>
        %add3A_172 = arith.addf %unpack3A_157, %unpack3A_151 : vector<16xf32>
        %add3A_173 = arith.addf %add3A_172, %unpack3A_163 : vector<16xf32>
        %mul3A_174 = arith.mulf %exp3A_171, %add3A_173 : vector<16xf32>
        %swap3A_175 = arith.index_cast %scan3A_81 : i32 to index
        %swap3A_176 = arith.constant 32 : index
        %swap3A_177 = tpu.vector_load %arg21[%swap3A_175, %swap3A_176] {strides = array<i32>} : memref<32x128xf32, #tpu.memory_space<vmem>>, vector<16xf32>,
        tpu.vector_store %arg21[%swap3A_175, %swap3A_176], %mul3A_174 {strides = array<i32>} : memref<32x128xf32, #tpu.memory_space<vmem>>, vector<16xf32>,
        %swap3A_178 = arith.index_cast %scan3A_81 : i32 to index
        %swap3A_179 = arith.constant 96 : index
        %swap3A_180 = tpu.vector_load %arg21[%swap3A_178, %swap3A_179] {strides = array<i32>} : memref<32x128xf32, #tpu.memory_space<vmem>>, vector<16xf32>,
        tpu.vector_store %arg21[%swap3A_178, %swap3A_179], %exp3A_171 {strides = array<i32>} : memref<32x128xf32, #tpu.memory_space<vmem>>, vector<16xf32>,
        %get3A_181 = arith.index_cast %scan3A_81 : i32 to index
        %get3A_182 = arith.constant 48 : index
        %get3A_183 = tpu.vector_load %arg15[%get3A_181, %get3A_182] {strides = array<i32>} : memref<32x128xf32, #tpu.memory_space<vmem>>, vector<16xf32>,
        %bitcast3A_184 = vector.bitcast %get3A_183 : vector<16xf32> to vector<32xbf16>
        %unpack3A_185 = tpu.unpack_subelements %bitcast3A_184, 0 {pack_format = #tpu.pack_format<interleaved>} : vector<32xbf16> -> vector<16xf32>
        %unpack3A_186 = tpu.unpack_subelements %bitcast3A_184, 1 {pack_format = #tpu.pack_format<interleaved>} : vector<32xbf16> -> vector<16xf32>
        %get3A_187 = arith.index_cast %scan3A_81 : i32 to index
        %get3A_188 = arith.constant 48 : index
        %get3A_189 = tpu.vector_load %arg17[%get3A_187, %get3A_188] {strides = array<i32>} : memref<32x128xf32, #tpu.memory_space<vmem>>, vector<16xf32>,
        %bitcast3A_190 = vector.bitcast %get3A_189 : vector<16xf32> to vector<32xbf16>
        %unpack3A_191 = tpu.unpack_subelements %bitcast3A_190, 0 {pack_format = #tpu.pack_format<interleaved>} : vector<32xbf16> -> vector<16xf32>
        %unpack3A_192 = tpu.unpack_subelements %bitcast3A_190, 1 {pack_format = #tpu.pack_format<interleaved>} : vector<32xbf16> -> vector<16xf32>
        %get3A_193 = arith.index_cast %scan3A_81 : i32 to index
        %get3A_194 = arith.constant 48 : index
        %get3A_195 = tpu.vector_load %arg19[%get3A_193, %get3A_194] {strides = array<i32>} : memref<32x80xf32, #tpu.memory_space<vmem>>, vector<16xf32>,
        %bitcast3A_196 = vector.bitcast %get3A_195 : vector<16xf32> to vector<32xbf16>
        %unpack3A_197 = tpu.unpack_subelements %bitcast3A_196, 0 {pack_format = #tpu.pack_format<interleaved>} : vector<32xbf16> -> vector<16xf32>
        %unpack3A_198 = tpu.unpack_subelements %bitcast3A_196, 1 {pack_format = #tpu.pack_format<interleaved>} : vector<32xbf16> -> vector<16xf32>
        %add3A_199 = arith.addf %unpack3A_191, %unpack3A_185 : vector<16xf32>
        %add3A_200 = arith.addf %add3A_199, %unpack3A_197 : vector<16xf32>
        %ge3A_201 = arith.constant 0.000000e+00 : f32
        %ge3A_202 = vector.broadcast %ge3A_201 : f32 to vector<16xf32>
        %ge3A_203 = arith.cmpf oge, %add3A_200, %ge3A_202 : vector<16xf32>
        %mul3A_204 = arith.mulf %get3A_1, %add3A_200 : vector<16xf32>
        %select_n3A_205 = arith.select %ge3A_203, %add3A_200, %mul3A_204 : vector<16xi1>, vector<16xf32>
        %exp3A_206 = math.exp %select_n3A_205 : vector<16xf32>
        %add3A_207 = arith.addf %unpack3A_192, %unpack3A_186 : vector<16xf32>
        %add3A_208 = arith.addf %add3A_207, %unpack3A_198 : vector<16xf32>
        %mul3A_209 = arith.mulf %exp3A_206, %add3A_208 : vector<16xf32>
        %swap3A_210 = arith.index_cast %scan3A_81 : i32 to index
        %swap3A_211 = arith.constant 48 : index
        %swap3A_212 = tpu.vector_load %arg21[%swap3A_210, %swap3A_211] {strides = array<i32>} : memref<32x128xf32, #tpu.memory_space<vmem>>, vector<16xf32>,
        tpu.vector_store %arg21[%swap3A_210, %swap3A_211], %mul3A_209 {strides = array<i32>} : memref<32x128xf32, #tpu.memory_space<vmem>>, vector<16xf32>,
        %swap3A_213 = arith.index_cast %scan3A_81 : i32 to index
        %swap3A_214 = arith.constant 112 : index
        %swap3A_215 = tpu.vector_load %arg21[%swap3A_213, %swap3A_214] {strides = array<i32>} : memref<32x128xf32, #tpu.memory_space<vmem>>, vector<16xf32>,
        tpu.vector_store %arg21[%swap3A_213, %swap3A_214], %exp3A_206 {strides = array<i32>} : memref<32x128xf32, #tpu.memory_space<vmem>>, vector<16xf32>,
        %get3A_216 = arith.index_cast %scan3A_81 : i32 to index
        %get3A_217 = arith.constant 64 : index
        %get3A_218 = tpu.vector_load %arg15[%get3A_216, %get3A_217] {strides = array<i32>} : memref<32x128xf32, #tpu.memory_space<vmem>>, vector<16xf32>,
        %bitcast3A_219 = vector.bitcast %get3A_218 : vector<16xf32> to vector<32xbf16>
        %unpack3A_220 = tpu.unpack_subelements %bitcast3A_219, 0 {pack_format = #tpu.pack_format<interleaved>} : vector<32xbf16> -> vector<16xf32>
        %unpack3A_221 = tpu.unpack_subelements %bitcast3A_219, 1 {pack_format = #tpu.pack_format<interleaved>} : vector<32xbf16> -> vector<16xf32>
        %get3A_222 = arith.index_cast %scan3A_81 : i32 to index
        %get3A_223 = arith.constant 64 : index
        %get3A_224 = tpu.vector_load %arg17[%get3A_222, %get3A_223] {strides = array<i32>} : memref<32x128xf32, #tpu.memory_space<vmem>>, vector<16xf32>,
        %bitcast3A_225 = vector.bitcast %get3A_224 : vector<16xf32> to vector<32xbf16>
        %unpack3A_226 = tpu.unpack_subelements %bitcast3A_225, 0 {pack_format = #tpu.pack_format<interleaved>} : vector<32xbf16> -> vector<16xf32>
        %unpack3A_227 = tpu.unpack_subelements %bitcast3A_225, 1 {pack_format = #tpu.pack_format<interleaved>} : vector<32xbf16> -> vector<16xf32>
        %get3A_228 = arith.index_cast %scan3A_81 : i32 to index
        %get3A_229 = arith.constant 64 : index
        %get3A_230 = tpu.vector_load %arg19[%get3A_228, %get3A_229] {strides = array<i32>} : memref<32x80xf32, #tpu.memory_space<vmem>>, vector<16xf32>,
        %bitcast3A_231 = vector.bitcast %get3A_230 : vector<16xf32> to vector<32xbf16>
        %unpack3A_232 = tpu.unpack_subelements %bitcast3A_231, 0 {pack_format = #tpu.pack_format<interleaved>} : vector<32xbf16> -> vector<16xf32>
        %unpack3A_233 = tpu.unpack_subelements %bitcast3A_231, 1 {pack_format = #tpu.pack_format<interleaved>} : vector<32xbf16> -> vector<16xf32>
        %add3A_234 = arith.addf %unpack3A_220, %unpack3A_226 : vector<16xf32>
        %add3A_235 = arith.addf %add3A_234, %unpack3A_232 : vector<16xf32>
        %swap3A_236 = arith.index_cast %scan3A_81 : i32 to index
        %swap3A_237 = arith.constant 0 : index
        %swap3A_238 = tpu.vector_load %arg23[%swap3A_236, %swap3A_237] {strides = array<i32>} : memref<32x16xf32, #tpu.memory_space<vmem>>, vector<16xf32>,
        tpu.vector_store %arg23[%swap3A_236, %swap3A_237], %add3A_235 {strides = array<i32>} : memref<32x16xf32, #tpu.memory_space<vmem>>, vector<16xf32>,
      }
      %scan3A_56 = arith.constant 32 : i32
      "tpu.region"() ({
        %run_scoped3A = tpu.sem_alloc : memref<!tpu.dma_semaphore, #tpu.memory_space<semaphore_mem>>
        %dma_start3A_81 = arith.constant 0 : i32
        %dma_start3A_82 = arith.constant 0 : i32
        %dma_start3A_83 = tpu.memref_slice %arg24[%dma_start3A_81, %dma_start3A_82] : memref<10240x128xf32, #tpu.memory_space<vmem_shared>> -> memref<10240x128xf32, #tpu.memory_space<vmem_shared>>
        tpu.enqueue_indirect_dma source(%arg21 : memref<32x128xf32, #tpu.memory_space<vmem>>) target(%dma_start3A_83 : memref<10240x128xf32, #tpu.memory_space<vmem_shared>>) offsets(%arg13 : memref<32xi32, #tpu.memory_space<vmem>>) semaphore(%run_scoped3A : memref<!tpu.dma_semaphore, #tpu.memory_space<semaphore_mem>>) {add = true}
        %dma_wait3A_84 = arith.constant 0 : i32
        %dma_wait3A_85 = arith.constant 0 : i32
        %dma_wait3A_86 = tpu.memref_slice %arg24[%dma_wait3A_84, %dma_wait3A_85] : memref<10240x128xf32, #tpu.memory_space<vmem_shared>> -> memref<10240x128xf32, #tpu.memory_space<vmem_shared>>
        tpu.wait_indirect_dma semaphore(%run_scoped3A : memref<!tpu.dma_semaphore, #tpu.memory_space<semaphore_mem>>) src(%arg21 : memref<32x128xf32, #tpu.memory_space<vmem>>) dst(%dma_wait3A_86 : memref<10240x128xf32, #tpu.memory_space<vmem_shared>>)
        tpu.yield
      }) : () -> ()
      %mul3A_57 = arith.constant 32 : i32
      %mul3A_58 = arith.muli %mul3A_14, %mul3A_57 : i32
      %add3A_59 = arith.addi %add3A, %mul3A_58 : i32
      "tpu.region"() ({
        %run_scoped3A = tpu.sem_alloc : memref<!tpu.dma_semaphore, #tpu.memory_space<semaphore_mem>>
        %dma_start3A_81 = arith.constant 0 : i32
        %dma_start3A_82 = tpu.memref_slice %arg10[%add3A_59, %dma_start3A_81] : memref<327680x16xf32, #tpu.memory_space<hbm>> -> memref<32x16xf32, #tpu.memory_space<hbm>>
        %dma_start3A_83 = arith.constant 0 : i32
        %dma_start3A_84 = tpu.memref_slice %arg10[%add3A_59, %dma_start3A_83] : memref<327680x16xf32, #tpu.memory_space<hbm>> -> memref<32x16xf32, #tpu.memory_space<hbm>>
        tpu.enqueue_dma source(%arg23 : memref<32x16xf32, #tpu.memory_space<vmem>>) target(%dma_start3A_84 : memref<32x16xf32, #tpu.memory_space<hbm>>) target_semaphore(%run_scoped3A : memref<!tpu.dma_semaphore, #tpu.memory_space<semaphore_mem>>)
        %dma_wait3A_85 = arith.constant 0 : i32
        %dma_wait3A_86 = tpu.memref_slice %arg10[%add3A_59, %dma_wait3A_85] : memref<327680x16xf32, #tpu.memory_space<hbm>> -> memref<32x16xf32, #tpu.memory_space<hbm>>
        %dma_wait3A_87 = arith.constant 0 : i32
        %dma_wait3A_88 = tpu.memref_slice %arg10[%add3A_59, %dma_wait3A_87] : memref<327680x16xf32, #tpu.memory_space<hbm>> -> memref<32x16xf32, #tpu.memory_space<hbm>>
        tpu.wait_dma2 semaphore(%run_scoped3A : memref<!tpu.dma_semaphore, #tpu.memory_space<semaphore_mem>>) src(%arg23 : memref<32x16xf32, #tpu.memory_space<vmem>>) dst(%dma_wait3A_88 : memref<32x16xf32, #tpu.memory_space<hbm>>)
        tpu.yield
      }) : () -> ()
      %add3A_60 = arith.constant 1 : i32
      %add3A_61 = arith.addi %mul3A_14, %add3A_60 : i32
      %dma_wait3A_62 = arith.constant 0 : i32
      %dma_wait3A_63 = arith.constant 0 : i32
      %dma_wait3A_64 = tpu.memref_slice %arg3[%dma_wait3A_62, %dma_wait3A_63] : memref<10240x128xf32, #tpu.memory_space<hbm>> -> memref<10240x128xf32, #tpu.memory_space<hbm>>
      tpu.wait_indirect_dma semaphore(%arg26 : memref<!tpu.dma_semaphore, #tpu.memory_space<semaphore_mem>>) src(%dma_wait3A_64 : memref<10240x128xf32, #tpu.memory_space<hbm>>) dst(%arg16 : memref<32x128xf32, #tpu.memory_space<vmem>>)
      %dma_wait3A_65 = arith.constant 0 : i32
      %dma_wait3A_66 = arith.constant 0 : i32
      %dma_wait3A_67 = tpu.memref_slice %arg2[%dma_wait3A_65, %dma_wait3A_66] : memref<10240x128xf32, #tpu.memory_space<hbm>> -> memref<10240x128xf32, #tpu.memory_space<hbm>>
      tpu.wait_indirect_dma semaphore(%arg28 : memref<!tpu.dma_semaphore, #tpu.memory_space<semaphore_mem>>) src(%dma_wait3A_67 : memref<10240x128xf32, #tpu.memory_space<hbm>>) dst(%arg18 : memref<32x128xf32, #tpu.memory_space<vmem>>)
      %dma_wait3A_68 = arith.constant 0 : i32
      %dma_wait3A_69 = tpu.memref_slice %arg4[%add3A_31, %dma_wait3A_68] : memref<327680x80xf32, #tpu.memory_space<hbm>> -> memref<32x80xf32, #tpu.memory_space<hbm>>
      %dma_wait3A_70 = arith.constant 0 : i32
      %dma_wait3A_71 = tpu.memref_slice %arg4[%add3A_31, %dma_wait3A_70] : memref<327680x80xf32, #tpu.memory_space<hbm>> -> memref<32x80xf32, #tpu.memory_space<hbm>>
      tpu.wait_dma2 semaphore(%arg30 : memref<!tpu.dma_semaphore, #tpu.memory_space<semaphore_mem>>) src(%dma_wait3A_71 : memref<32x80xf32, #tpu.memory_space<hbm>>) dst(%arg20 : memref<32x80xf32, #tpu.memory_space<vmem>>)
      %scan3A_72 = arith.constant 0 : i32
      %scan3A_73 = arith.constant 0 : i32
      %scan3A_74 = arith.constant 32 : i32
      %scan3A_75 = arith.addi %scan3A_73, %scan3A_74 : i32
      %scan3A_76 = arith.constant 1 : i32
      scf.for %scan3A_81 = %scan3A_73 to %scan3A_75 step %scan3A_76  : i32 {
        %get3A_82 = arith.index_cast %scan3A_81 : i32 to index
        %get3A_83 = arith.constant 0 : index
        %get3A_84 = tpu.vector_load %arg16[%get3A_82, %get3A_83] {strides = array<i32>} : memref<32x128xf32, #tpu.memory_space<vmem>>, vector<16xf32>,
        %bitcast3A = vector.bitcast %get3A_84 : vector<16xf32> to vector<32xbf16>
        %unpack3A = tpu.unpack_subelements %bitcast3A, 0 {pack_format = #tpu.pack_format<interleaved>} : vector<32xbf16> -> vector<16xf32>
        %unpack3A_85 = tpu.unpack_subelements %bitcast3A, 1 {pack_format = #tpu.pack_format<interleaved>} : vector<32xbf16> -> vector<16xf32>
        %get3A_86 = arith.index_cast %scan3A_81 : i32 to index
        %get3A_87 = arith.constant 0 : index
        %get3A_88 = tpu.vector_load %arg18[%get3A_86, %get3A_87] {strides = array<i32>} : memref<32x128xf32, #tpu.memory_space<vmem>>, vector<16xf32>,
        %bitcast3A_89 = vector.bitcast %get3A_88 : vector<16xf32> to vector<32xbf16>
        %unpack3A_90 = tpu.unpack_subelements %bitcast3A_89, 0 {pack_format = #tpu.pack_format<interleaved>} : vector<32xbf16> -> vector<16xf32>
        %unpack3A_91 = tpu.unpack_subelements %bitcast3A_89, 1 {pack_format = #tpu.pack_format<interleaved>} : vector<32xbf16> -> vector<16xf32>
        %get3A_92 = arith.index_cast %scan3A_81 : i32 to index
        %get3A_93 = arith.constant 0 : index
        %get3A_94 = tpu.vector_load %arg20[%get3A_92, %get3A_93] {strides = array<i32>} : memref<32x80xf32, #tpu.memory_space<vmem>>, vector<16xf32>,
        %bitcast3A_95 = vector.bitcast %get3A_94 : vector<16xf32> to vector<32xbf16>
        %unpack3A_96 = tpu.unpack_subelements %bitcast3A_95, 0 {pack_format = #tpu.pack_format<interleaved>} : vector<32xbf16> -> vector<16xf32>
        %unpack3A_97 = tpu.unpack_subelements %bitcast3A_95, 1 {pack_format = #tpu.pack_format<interleaved>} : vector<32xbf16> -> vector<16xf32>
        %add3A_98 = arith.addf %unpack3A_90, %unpack3A : vector<16xf32>
        %add3A_99 = arith.addf %add3A_98, %unpack3A_96 : vector<16xf32>
        %ge3A = arith.constant 0.000000e+00 : f32
        %ge3A_100 = vector.broadcast %ge3A : f32 to vector<16xf32>
        %ge3A_101 = arith.cmpf oge, %add3A_99, %ge3A_100 : vector<16xf32>
        %mul3A_102 = arith.mulf %get3A_1, %add3A_99 : vector<16xf32>
        %select_n3A = arith.select %ge3A_101, %add3A_99, %mul3A_102 : vector<16xi1>, vector<16xf32>
        %exp3A = math.exp %select_n3A : vector<16xf32>
        %add3A_103 = arith.addf %unpack3A_91, %unpack3A_85 : vector<16xf32>
        %add3A_104 = arith.addf %add3A_103, %unpack3A_97 : vector<16xf32>
        %mul3A_105 = arith.mulf %exp3A, %add3A_104 : vector<16xf32>
        %swap3A = arith.index_cast %scan3A_81 : i32 to index
        %swap3A_106 = arith.constant 0 : index
        %swap3A_107 = tpu.vector_load %arg21[%swap3A, %swap3A_106] {strides = array<i32>} : memref<32x128xf32, #tpu.memory_space<vmem>>, vector<16xf32>,
        tpu.vector_store %arg21[%swap3A, %swap3A_106], %mul3A_105 {strides = array<i32>} : memref<32x128xf32, #tpu.memory_space<vmem>>, vector<16xf32>,
        %swap3A_108 = arith.index_cast %scan3A_81 : i32 to index
        %swap3A_109 = arith.constant 64 : index
        %swap3A_110 = tpu.vector_load %arg21[%swap3A_108, %swap3A_109] {strides = array<i32>} : memref<32x128xf32, #tpu.memory_space<vmem>>, vector<16xf32>,
        tpu.vector_store %arg21[%swap3A_108, %swap3A_109], %exp3A {strides = array<i32>} : memref<32x128xf32, #tpu.memory_space<vmem>>, vector<16xf32>,
        %get3A_111 = arith.index_cast %scan3A_81 : i32 to index
        %get3A_112 = arith.constant 16 : index
        %get3A_113 = tpu.vector_load %arg16[%get3A_111, %get3A_112] {strides = array<i32>} : memref<32x128xf32, #tpu.memory_space<vmem>>, vector<16xf32>,
        %bitcast3A_114 = vector.bitcast %get3A_113 : vector<16xf32> to vector<32xbf16>
        %unpack3A_115 = tpu.unpack_subelements %bitcast3A_114, 0 {pack_format = #tpu.pack_format<interleaved>} : vector<32xbf16> -> vector<16xf32>
        %unpack3A_116 = tpu.unpack_subelements %bitcast3A_114, 1 {pack_format = #tpu.pack_format<interleaved>} : vector<32xbf16> -> vector<16xf32>
        %get3A_117 = arith.index_cast %scan3A_81 : i32 to index
        %get3A_118 = arith.constant 16 : index
        %get3A_119 = tpu.vector_load %arg18[%get3A_117, %get3A_118] {strides = array<i32>} : memref<32x128xf32, #tpu.memory_space<vmem>>, vector<16xf32>,
        %bitcast3A_120 = vector.bitcast %get3A_119 : vector<16xf32> to vector<32xbf16>
        %unpack3A_121 = tpu.unpack_subelements %bitcast3A_120, 0 {pack_format = #tpu.pack_format<interleaved>} : vector<32xbf16> -> vector<16xf32>
        %unpack3A_122 = tpu.unpack_subelements %bitcast3A_120, 1 {pack_format = #tpu.pack_format<interleaved>} : vector<32xbf16> -> vector<16xf32>
        %get3A_123 = arith.index_cast %scan3A_81 : i32 to index
        %get3A_124 = arith.constant 16 : index
        %get3A_125 = tpu.vector_load %arg20[%get3A_123, %get3A_124] {strides = array<i32>} : memref<32x80xf32, #tpu.memory_space<vmem>>, vector<16xf32>,
        %bitcast3A_126 = vector.bitcast %get3A_125 : vector<16xf32> to vector<32xbf16>
        %unpack3A_127 = tpu.unpack_subelements %bitcast3A_126, 0 {pack_format = #tpu.pack_format<interleaved>} : vector<32xbf16> -> vector<16xf32>
        %unpack3A_128 = tpu.unpack_subelements %bitcast3A_126, 1 {pack_format = #tpu.pack_format<interleaved>} : vector<32xbf16> -> vector<16xf32>
        %add3A_129 = arith.addf %unpack3A_121, %unpack3A_115 : vector<16xf32>
        %add3A_130 = arith.addf %add3A_129, %unpack3A_127 : vector<16xf32>
        %ge3A_131 = arith.constant 0.000000e+00 : f32
        %ge3A_132 = vector.broadcast %ge3A_131 : f32 to vector<16xf32>
        %ge3A_133 = arith.cmpf oge, %add3A_130, %ge3A_132 : vector<16xf32>
        %mul3A_134 = arith.mulf %get3A_1, %add3A_130 : vector<16xf32>
        %select_n3A_135 = arith.select %ge3A_133, %add3A_130, %mul3A_134 : vector<16xi1>, vector<16xf32>
        %exp3A_136 = math.exp %select_n3A_135 : vector<16xf32>
        %add3A_137 = arith.addf %unpack3A_122, %unpack3A_116 : vector<16xf32>
        %add3A_138 = arith.addf %add3A_137, %unpack3A_128 : vector<16xf32>
        %mul3A_139 = arith.mulf %exp3A_136, %add3A_138 : vector<16xf32>
        %swap3A_140 = arith.index_cast %scan3A_81 : i32 to index
        %swap3A_141 = arith.constant 16 : index
        %swap3A_142 = tpu.vector_load %arg21[%swap3A_140, %swap3A_141] {strides = array<i32>} : memref<32x128xf32, #tpu.memory_space<vmem>>, vector<16xf32>,
        tpu.vector_store %arg21[%swap3A_140, %swap3A_141], %mul3A_139 {strides = array<i32>} : memref<32x128xf32, #tpu.memory_space<vmem>>, vector<16xf32>,
        %swap3A_143 = arith.index_cast %scan3A_81 : i32 to index
        %swap3A_144 = arith.constant 80 : index
        %swap3A_145 = tpu.vector_load %arg21[%swap3A_143, %swap3A_144] {strides = array<i32>} : memref<32x128xf32, #tpu.memory_space<vmem>>, vector<16xf32>,
        tpu.vector_store %arg21[%swap3A_143, %swap3A_144], %exp3A_136 {strides = array<i32>} : memref<32x128xf32, #tpu.memory_space<vmem>>, vector<16xf32>,
        %get3A_146 = arith.index_cast %scan3A_81 : i32 to index
        %get3A_147 = arith.constant 32 : index
        %get3A_148 = tpu.vector_load %arg16[%get3A_146, %get3A_147] {strides = array<i32>} : memref<32x128xf32, #tpu.memory_space<vmem>>, vector<16xf32>,
        %bitcast3A_149 = vector.bitcast %get3A_148 : vector<16xf32> to vector<32xbf16>
        %unpack3A_150 = tpu.unpack_subelements %bitcast3A_149, 0 {pack_format = #tpu.pack_format<interleaved>} : vector<32xbf16> -> vector<16xf32>
        %unpack3A_151 = tpu.unpack_subelements %bitcast3A_149, 1 {pack_format = #tpu.pack_format<interleaved>} : vector<32xbf16> -> vector<16xf32>
        %get3A_152 = arith.index_cast %scan3A_81 : i32 to index
        %get3A_153 = arith.constant 32 : index
        %get3A_154 = tpu.vector_load %arg18[%get3A_152, %get3A_153] {strides = array<i32>} : memref<32x128xf32, #tpu.memory_space<vmem>>, vector<16xf32>,
        %bitcast3A_155 = vector.bitcast %get3A_154 : vector<16xf32> to vector<32xbf16>
        %unpack3A_156 = tpu.unpack_subelements %bitcast3A_155, 0 {pack_format = #tpu.pack_format<interleaved>} : vector<32xbf16> -> vector<16xf32>
        %unpack3A_157 = tpu.unpack_subelements %bitcast3A_155, 1 {pack_format = #tpu.pack_format<interleaved>} : vector<32xbf16> -> vector<16xf32>
        %get3A_158 = arith.index_cast %scan3A_81 : i32 to index
        %get3A_159 = arith.constant 32 : index
        %get3A_160 = tpu.vector_load %arg20[%get3A_158, %get3A_159] {strides = array<i32>} : memref<32x80xf32, #tpu.memory_space<vmem>>, vector<16xf32>,
        %bitcast3A_161 = vector.bitcast %get3A_160 : vector<16xf32> to vector<32xbf16>
        %unpack3A_162 = tpu.unpack_subelements %bitcast3A_161, 0 {pack_format = #tpu.pack_format<interleaved>} : vector<32xbf16> -> vector<16xf32>
        %unpack3A_163 = tpu.unpack_subelements %bitcast3A_161, 1 {pack_format = #tpu.pack_format<interleaved>} : vector<32xbf16> -> vector<16xf32>
        %add3A_164 = arith.addf %unpack3A_156, %unpack3A_150 : vector<16xf32>
        %add3A_165 = arith.addf %add3A_164, %unpack3A_162 : vector<16xf32>
        %ge3A_166 = arith.constant 0.000000e+00 : f32
        %ge3A_167 = vector.broadcast %ge3A_166 : f32 to vector<16xf32>
        %ge3A_168 = arith.cmpf oge, %add3A_165, %ge3A_167 : vector<16xf32>
        %mul3A_169 = arith.mulf %get3A_1, %add3A_165 : vector<16xf32>
        %select_n3A_170 = arith.select %ge3A_168, %add3A_165, %mul3A_169 : vector<16xi1>, vector<16xf32>
        %exp3A_171 = math.exp %select_n3A_170 : vector<16xf32>
        %add3A_172 = arith.addf %unpack3A_157, %unpack3A_151 : vector<16xf32>
        %add3A_173 = arith.addf %add3A_172, %unpack3A_163 : vector<16xf32>
        %mul3A_174 = arith.mulf %exp3A_171, %add3A_173 : vector<16xf32>
        %swap3A_175 = arith.index_cast %scan3A_81 : i32 to index
        %swap3A_176 = arith.constant 32 : index
        %swap3A_177 = tpu.vector_load %arg21[%swap3A_175, %swap3A_176] {strides = array<i32>} : memref<32x128xf32, #tpu.memory_space<vmem>>, vector<16xf32>,
        tpu.vector_store %arg21[%swap3A_175, %swap3A_176], %mul3A_174 {strides = array<i32>} : memref<32x128xf32, #tpu.memory_space<vmem>>, vector<16xf32>,
        %swap3A_178 = arith.index_cast %scan3A_81 : i32 to index
        %swap3A_179 = arith.constant 96 : index
        %swap3A_180 = tpu.vector_load %arg21[%swap3A_178, %swap3A_179] {strides = array<i32>} : memref<32x128xf32, #tpu.memory_space<vmem>>, vector<16xf32>,
        tpu.vector_store %arg21[%swap3A_178, %swap3A_179], %exp3A_171 {strides = array<i32>} : memref<32x128xf32, #tpu.memory_space<vmem>>, vector<16xf32>,
        %get3A_181 = arith.index_cast %scan3A_81 : i32 to index
        %get3A_182 = arith.constant 48 : index
        %get3A_183 = tpu.vector_load %arg16[%get3A_181, %get3A_182] {strides = array<i32>} : memref<32x128xf32, #tpu.memory_space<vmem>>, vector<16xf32>,
        %bitcast3A_184 = vector.bitcast %get3A_183 : vector<16xf32> to vector<32xbf16>
        %unpack3A_185 = tpu.unpack_subelements %bitcast3A_184, 0 {pack_format = #tpu.pack_format<interleaved>} : vector<32xbf16> -> vector<16xf32>
        %unpack3A_186 = tpu.unpack_subelements %bitcast3A_184, 1 {pack_format = #tpu.pack_format<interleaved>} : vector<32xbf16> -> vector<16xf32>
        %get3A_187 = arith.index_cast %scan3A_81 : i32 to index
        %get3A_188 = arith.constant 48 : index
        %get3A_189 = tpu.vector_load %arg18[%get3A_187, %get3A_188] {strides = array<i32>} : memref<32x128xf32, #tpu.memory_space<vmem>>, vector<16xf32>,
        %bitcast3A_190 = vector.bitcast %get3A_189 : vector<16xf32> to vector<32xbf16>
        %unpack3A_191 = tpu.unpack_subelements %bitcast3A_190, 0 {pack_format = #tpu.pack_format<interleaved>} : vector<32xbf16> -> vector<16xf32>
        %unpack3A_192 = tpu.unpack_subelements %bitcast3A_190, 1 {pack_format = #tpu.pack_format<interleaved>} : vector<32xbf16> -> vector<16xf32>
        %get3A_193 = arith.index_cast %scan3A_81 : i32 to index
        %get3A_194 = arith.constant 48 : index
        %get3A_195 = tpu.vector_load %arg20[%get3A_193, %get3A_194] {strides = array<i32>} : memref<32x80xf32, #tpu.memory_space<vmem>>, vector<16xf32>,
        %bitcast3A_196 = vector.bitcast %get3A_195 : vector<16xf32> to vector<32xbf16>
        %unpack3A_197 = tpu.unpack_subelements %bitcast3A_196, 0 {pack_format = #tpu.pack_format<interleaved>} : vector<32xbf16> -> vector<16xf32>
        %unpack3A_198 = tpu.unpack_subelements %bitcast3A_196, 1 {pack_format = #tpu.pack_format<interleaved>} : vector<32xbf16> -> vector<16xf32>
        %add3A_199 = arith.addf %unpack3A_191, %unpack3A_185 : vector<16xf32>
        %add3A_200 = arith.addf %add3A_199, %unpack3A_197 : vector<16xf32>
        %ge3A_201 = arith.constant 0.000000e+00 : f32
        %ge3A_202 = vector.broadcast %ge3A_201 : f32 to vector<16xf32>
        %ge3A_203 = arith.cmpf oge, %add3A_200, %ge3A_202 : vector<16xf32>
        %mul3A_204 = arith.mulf %get3A_1, %add3A_200 : vector<16xf32>
        %select_n3A_205 = arith.select %ge3A_203, %add3A_200, %mul3A_204 : vector<16xi1>, vector<16xf32>
        %exp3A_206 = math.exp %select_n3A_205 : vector<16xf32>
        %add3A_207 = arith.addf %unpack3A_192, %unpack3A_186 : vector<16xf32>
        %add3A_208 = arith.addf %add3A_207, %unpack3A_198 : vector<16xf32>
        %mul3A_209 = arith.mulf %exp3A_206, %add3A_208 : vector<16xf32>
        %swap3A_210 = arith.index_cast %scan3A_81 : i32 to index
        %swap3A_211 = arith.constant 48 : index
        %swap3A_212 = tpu.vector_load %arg21[%swap3A_210, %swap3A_211] {strides = array<i32>} : memref<32x128xf32, #tpu.memory_space<vmem>>, vector<16xf32>,
        tpu.vector_store %arg21[%swap3A_210, %swap3A_211], %mul3A_209 {strides = array<i32>} : memref<32x128xf32, #tpu.memory_space<vmem>>, vector<16xf32>,
        %swap3A_213 = arith.index_cast %scan3A_81 : i32 to index
        %swap3A_214 = arith.constant 112 : index
        %swap3A_215 = tpu.vector_load %arg21[%swap3A_213, %swap3A_214] {strides = array<i32>} : memref<32x128xf32, #tpu.memory_space<vmem>>, vector<16xf32>,
        tpu.vector_store %arg21[%swap3A_213, %swap3A_214], %exp3A_206 {strides = array<i32>} : memref<32x128xf32, #tpu.memory_space<vmem>>, vector<16xf32>,
        %get3A_216 = arith.index_cast %scan3A_81 : i32 to index
        %get3A_217 = arith.constant 64 : index
        %get3A_218 = tpu.vector_load %arg16[%get3A_216, %get3A_217] {strides = array<i32>} : memref<32x128xf32, #tpu.memory_space<vmem>>, vector<16xf32>,
        %bitcast3A_219 = vector.bitcast %get3A_218 : vector<16xf32> to vector<32xbf16>
        %unpack3A_220 = tpu.unpack_subelements %bitcast3A_219, 0 {pack_format = #tpu.pack_format<interleaved>} : vector<32xbf16> -> vector<16xf32>
        %unpack3A_221 = tpu.unpack_subelements %bitcast3A_219, 1 {pack_format = #tpu.pack_format<interleaved>} : vector<32xbf16> -> vector<16xf32>
        %get3A_222 = arith.index_cast %scan3A_81 : i32 to index
        %get3A_223 = arith.constant 64 : index
        %get3A_224 = tpu.vector_load %arg18[%get3A_222, %get3A_223] {strides = array<i32>} : memref<32x128xf32, #tpu.memory_space<vmem>>, vector<16xf32>,
        %bitcast3A_225 = vector.bitcast %get3A_224 : vector<16xf32> to vector<32xbf16>
        %unpack3A_226 = tpu.unpack_subelements %bitcast3A_225, 0 {pack_format = #tpu.pack_format<interleaved>} : vector<32xbf16> -> vector<16xf32>
        %unpack3A_227 = tpu.unpack_subelements %bitcast3A_225, 1 {pack_format = #tpu.pack_format<interleaved>} : vector<32xbf16> -> vector<16xf32>
        %get3A_228 = arith.index_cast %scan3A_81 : i32 to index
        %get3A_229 = arith.constant 64 : index
        %get3A_230 = tpu.vector_load %arg20[%get3A_228, %get3A_229] {strides = array<i32>} : memref<32x80xf32, #tpu.memory_space<vmem>>, vector<16xf32>,
        %bitcast3A_231 = vector.bitcast %get3A_230 : vector<16xf32> to vector<32xbf16>
        %unpack3A_232 = tpu.unpack_subelements %bitcast3A_231, 0 {pack_format = #tpu.pack_format<interleaved>} : vector<32xbf16> -> vector<16xf32>
        %unpack3A_233 = tpu.unpack_subelements %bitcast3A_231, 1 {pack_format = #tpu.pack_format<interleaved>} : vector<32xbf16> -> vector<16xf32>
        %add3A_234 = arith.addf %unpack3A_220, %unpack3A_226 : vector<16xf32>
        %add3A_235 = arith.addf %add3A_234, %unpack3A_232 : vector<16xf32>
        %swap3A_236 = arith.index_cast %scan3A_81 : i32 to index
        %swap3A_237 = arith.constant 0 : index
        %swap3A_238 = tpu.vector_load %arg23[%swap3A_236, %swap3A_237] {strides = array<i32>} : memref<32x16xf32, #tpu.memory_space<vmem>>, vector<16xf32>,
        tpu.vector_store %arg23[%swap3A_236, %swap3A_237], %add3A_235 {strides = array<i32>} : memref<32x16xf32, #tpu.memory_space<vmem>>, vector<16xf32>,
      }
      %scan3A_77 = arith.constant 32 : i32
      "tpu.region"() ({
        %run_scoped3A = tpu.sem_alloc : memref<!tpu.dma_semaphore, #tpu.memory_space<semaphore_mem>>
        %dma_start3A_81 = arith.constant 0 : i32
        %dma_start3A_82 = arith.constant 0 : i32
        %dma_start3A_83 = tpu.memref_slice %arg24[%dma_start3A_81, %dma_start3A_82] : memref<10240x128xf32, #tpu.memory_space<vmem_shared>> -> memref<10240x128xf32, #tpu.memory_space<vmem_shared>>
        tpu.enqueue_indirect_dma source(%arg21 : memref<32x128xf32, #tpu.memory_space<vmem>>) target(%dma_start3A_83 : memref<10240x128xf32, #tpu.memory_space<vmem_shared>>) offsets(%arg14 : memref<32xi32, #tpu.memory_space<vmem>>) semaphore(%run_scoped3A : memref<!tpu.dma_semaphore, #tpu.memory_space<semaphore_mem>>) {add = true}
        %dma_wait3A_84 = arith.constant 0 : i32
        %dma_wait3A_85 = arith.constant 0 : i32
        %dma_wait3A_86 = tpu.memref_slice %arg24[%dma_wait3A_84, %dma_wait3A_85] : memref<10240x128xf32, #tpu.memory_space<vmem_shared>> -> memref<10240x128xf32, #tpu.memory_space<vmem_shared>>
        tpu.wait_indirect_dma semaphore(%run_scoped3A : memref<!tpu.dma_semaphore, #tpu.memory_space<semaphore_mem>>) src(%arg21 : memref<32x128xf32, #tpu.memory_space<vmem>>) dst(%dma_wait3A_86 : memref<10240x128xf32, #tpu.memory_space<vmem_shared>>)
        tpu.yield
      }) : () -> ()
      %mul3A_78 = arith.constant 32 : i32
      %mul3A_79 = arith.muli %add3A_61, %mul3A_78 : i32
      %add3A_80 = arith.addi %add3A, %mul3A_79 : i32
      "tpu.region"() ({
        %run_scoped3A = tpu.sem_alloc : memref<!tpu.dma_semaphore, #tpu.memory_space<semaphore_mem>>
        %dma_start3A_81 = arith.constant 0 : i32
        %dma_start3A_82 = tpu.memref_slice %arg10[%add3A_80, %dma_start3A_81] : memref<327680x16xf32, #tpu.memory_space<hbm>> -> memref<32x16xf32, #tpu.memory_space<hbm>>
        %dma_start3A_83 = arith.constant 0 : i32
        %dma_start3A_84 = tpu.memref_slice %arg10[%add3A_80, %dma_start3A_83] : memref<327680x16xf32, #tpu.memory_space<hbm>> -> memref<32x16xf32, #tpu.memory_space<hbm>>
        tpu.enqueue_dma source(%arg23 : memref<32x16xf32, #tpu.memory_space<vmem>>) target(%dma_start3A_84 : memref<32x16xf32, #tpu.memory_space<hbm>>) target_semaphore(%run_scoped3A : memref<!tpu.dma_semaphore, #tpu.memory_space<semaphore_mem>>)
        %dma_wait3A_85 = arith.constant 0 : i32
        %dma_wait3A_86 = tpu.memref_slice %arg10[%add3A_80, %dma_wait3A_85] : memref<327680x16xf32, #tpu.memory_space<hbm>> -> memref<32x16xf32, #tpu.memory_space<hbm>>
        %dma_wait3A_87 = arith.constant 0 : i32
        %dma_wait3A_88 = tpu.memref_slice %arg10[%add3A_80, %dma_wait3A_87] : memref<327680x16xf32, #tpu.memory_space<hbm>> -> memref<32x16xf32, #tpu.memory_space<hbm>>
        tpu.wait_dma2 semaphore(%run_scoped3A : memref<!tpu.dma_semaphore, #tpu.memory_space<semaphore_mem>>) src(%arg23 : memref<32x16xf32, #tpu.memory_space<vmem>>) dst(%dma_wait3A_88 : memref<32x16xf32, #tpu.memory_space<hbm>>)
        tpu.yield
      }) : () -> ()
    }
    %scan3A_10 = arith.constant 160 : i32
    %barrier3A_11 = arith.constant 0 : index
    tpu.barrier barrier_id(%barrier3A_11)
    "tpu.region"() ({
      %run_scoped3A = tpu.sem_alloc : memref<!tpu.dma_semaphore, #tpu.memory_space<semaphore_mem>>
      %dma_start3A = arith.constant 0 : i32
      %dma_start3A_12 = tpu.memref_slice %arg9[%arg0, %mul3A_0, %dma_start3A] : memref<2x10240x128xf32, #tpu.memory_space<hbm>> -> memref<1x640x128xf32, #tpu.memory_space<hbm>>
      %dma_start3A_13 = tpu.memref_squeeze %dma_start3A_12 : memref<1x640x128xf32, #tpu.memory_space<hbm>> -> memref<640x128xf32, #tpu.memory_space<hbm>>
      %dma_start3A_14 = arith.constant 0 : i32
      %dma_start3A_15 = tpu.memref_slice %arg24[%mul3A_0, %dma_start3A_14] : memref<10240x128xf32, #tpu.memory_space<vmem_shared>> -> memref<640x128xf32, #tpu.memory_space<vmem_shared>>
      tpu.enqueue_dma source(%dma_start3A_15 : memref<640x128xf32, #tpu.memory_space<vmem_shared>>) target(%dma_start3A_13 : memref<640x128xf32, #tpu.memory_space<hbm>>) target_semaphore(%run_scoped3A : memref<!tpu.dma_semaphore, #tpu.memory_space<semaphore_mem>>)
      %dma_wait3A = arith.constant 0 : i32
      %dma_wait3A_16 = tpu.memref_slice %arg9[%arg0, %mul3A_0, %dma_wait3A] : memref<2x10240x128xf32, #tpu.memory_space<hbm>> -> memref<1x640x128xf32, #tpu.memory_space<hbm>>
      %dma_wait3A_17 = tpu.memref_squeeze %dma_wait3A_16 : memref<1x640x128xf32, #tpu.memory_space<hbm>> -> memref<640x128xf32, #tpu.memory_space<hbm>>
      %dma_wait3A_18 = arith.constant 0 : i32
      %dma_wait3A_19 = tpu.memref_slice %arg24[%mul3A_0, %dma_wait3A_18] : memref<10240x128xf32, #tpu.memory_space<vmem_shared>> -> memref<640x128xf32, #tpu.memory_space<vmem_shared>>
      tpu.wait_dma2 semaphore(%run_scoped3A : memref<!tpu.dma_semaphore, #tpu.memory_space<semaphore_mem>>) src(%dma_wait3A_19 : memref<640x128xf32, #tpu.memory_space<vmem_shared>>) dst(%dma_wait3A_17 : memref<640x128xf32, #tpu.memory_space<hbm>>)
      tpu.yield
    }) : () -> ()
    return
  }
}

module attributes {stable_mosaic.version = 14 : i64} {
  func.func @_edge_proj_body(%arg0: i32, %arg1: memref<1024x16xf32, #tpu.memory_space<vmem>>, %arg2: memref<16x80xf32, #tpu.memory_space<vmem>>, %arg3: memref<16x80xf32, #tpu.memory_space<vmem>>, %arg4: memref<16x64xf32, #tpu.memory_space<vmem>>, %arg5: memref<16x64xf32, #tpu.memory_space<vmem>>, %arg6: memref<1024x80xf32, #tpu.memory_space<vmem>>, %arg7: memref<1024x64xf32, #tpu.memory_space<vmem>>) attributes {dimension_semantics = [#tpu.dimension_semantics<arbitrary>], iteration_bounds = array<i64: 320>, scalar_prefetch = 0 : i64, scratch_operands = 0 : i64, tpu.core_type = #tpu.core_type<tc>, window_params = [{transform_indices = @transform_0, window_bounds = array<i64: 1024, 16>}, {pipeline_mode = #tpu.pipeline_mode<synchronous>, transform_indices = @transform_1, window_bounds = array<i64: 16, 80>}, {pipeline_mode = #tpu.pipeline_mode<synchronous>, transform_indices = @transform_2, window_bounds = array<i64: 16, 80>}, {pipeline_mode = #tpu.pipeline_mode<synchronous>, transform_indices = @transform_3, window_bounds = array<i64: 16, 64>}, {pipeline_mode = #tpu.pipeline_mode<synchronous>, transform_indices = @transform_4, window_bounds = array<i64: 16, 64>}, {transform_indices = @transform_5, window_bounds = array<i64: 1024, 80>}, {transform_indices = @transform_6, window_bounds = array<i64: 1024, 64>}]} {
    %get3A = arith.constant 0 : index
    %get3A_0 = arith.constant 0 : index
    %get3A_1 = vector.load %arg1[%get3A, %get3A_0] : memref<1024x16xf32, #tpu.memory_space<vmem>>, vector<1024x16xf32>
    %get3A_2 = arith.constant 0 : index
    %get3A_3 = arith.constant 0 : index
    %get3A_4 = vector.load %arg2[%get3A_2, %get3A_3] : memref<16x80xf32, #tpu.memory_space<vmem>>, vector<16x80xf32>
    %dot_general3A = arith.constant dense<0.000000e+00> : vector<1024x80xf32>
    %dot_general3A_5 = tpu.matmul %get3A_1, %get3A_4, %dot_general3A {dimension_numbers = #tpu.dot_dimension_numbers<[1], [0], [0], [1], [0, 0, 1, 1], [], []>, transpose_lhs_hint = false} : vector<1024x16xf32>, vector<16x80xf32>, vector<1024x80xf32> -> vector<1024x80xf32>
    %get3A_6 = arith.constant 0 : index
    %get3A_7 = arith.constant 0 : index
    %get3A_8 = vector.load %arg3[%get3A_6, %get3A_7] : memref<16x80xf32, #tpu.memory_space<vmem>>, vector<16x80xf32>
    %dot_general3A_9 = arith.constant dense<0.000000e+00> : vector<1024x80xf32>
    %dot_general3A_10 = tpu.matmul %get3A_1, %get3A_8, %dot_general3A_9 {dimension_numbers = #tpu.dot_dimension_numbers<[1], [0], [0], [1], [0, 0, 1, 1], [], []>, transpose_lhs_hint = false} : vector<1024x16xf32>, vector<16x80xf32>, vector<1024x80xf32> -> vector<1024x80xf32>
    %convert_element_type3A = arith.truncf %dot_general3A_5 : vector<1024x80xf32> to vector<1024x80xbf16>
    %bitcast_convert_type3A = tpu.bitcast %convert_element_type3A : vector<1024x80xbf16> -> vector<1024x80xi16>
    %convert_element_type3A_11 = arith.truncf %dot_general3A_10 : vector<1024x80xf32> to vector<1024x80xbf16>
    %bitcast_convert_type3A_12 = tpu.bitcast %convert_element_type3A_11 : vector<1024x80xbf16> -> vector<1024x80xi16>
    %convert_element_type3A_13 = arith.extui %bitcast_convert_type3A : vector<1024x80xi16> to vector<1024x80xi32>
    %convert_element_type3A_14 = arith.extui %bitcast_convert_type3A_12 : vector<1024x80xi16> to vector<1024x80xi32>
    %shift_left3A = arith.constant 16 : i32
    %shift_left3A_15 = vector.broadcast %shift_left3A : i32 to vector<1024x80xi32>
    %shift_left3A_16 = arith.shli %convert_element_type3A_14, %shift_left3A_15 : vector<1024x80xi32>
    %or3A = arith.ori %convert_element_type3A_13, %shift_left3A_16 : vector<1024x80xi32>
    %bitcast_convert_type3A_17 = tpu.bitcast %or3A : vector<1024x80xi32> -> vector<1024x80xf32>
    %swap3A = arith.constant 0 : index
    %swap3A_18 = arith.constant 0 : index
    %swap3A_19 = vector.load %arg6[%swap3A, %swap3A_18] : memref<1024x80xf32, #tpu.memory_space<vmem>>, vector<1024x80xf32>
    tpu.vector_store %arg6[%swap3A, %swap3A_18], %bitcast_convert_type3A_17 {strides = array<i32>} : memref<1024x80xf32, #tpu.memory_space<vmem>>, vector<1024x80xf32>,
    %get3A_20 = arith.constant 0 : index
    %get3A_21 = arith.constant 0 : index
    %get3A_22 = vector.load %arg4[%get3A_20, %get3A_21] : memref<16x64xf32, #tpu.memory_space<vmem>>, vector<16x64xf32>
    %dot_general3A_23 = arith.constant dense<0.000000e+00> : vector<1024x64xf32>
    %dot_general3A_24 = tpu.matmul %get3A_1, %get3A_22, %dot_general3A_23 {dimension_numbers = #tpu.dot_dimension_numbers<[1], [0], [0], [1], [0, 0, 1, 1], [], []>, transpose_lhs_hint = false} : vector<1024x16xf32>, vector<16x64xf32>, vector<1024x64xf32> -> vector<1024x64xf32>
    %get3A_25 = arith.constant 0 : index
    %get3A_26 = arith.constant 0 : index
    %get3A_27 = vector.load %arg5[%get3A_25, %get3A_26] : memref<16x64xf32, #tpu.memory_space<vmem>>, vector<16x64xf32>
    %dot_general3A_28 = arith.constant dense<0.000000e+00> : vector<1024x64xf32>
    %dot_general3A_29 = tpu.matmul %get3A_1, %get3A_27, %dot_general3A_28 {dimension_numbers = #tpu.dot_dimension_numbers<[1], [0], [0], [1], [0, 0, 1, 1], [], []>, transpose_lhs_hint = false} : vector<1024x16xf32>, vector<16x64xf32>, vector<1024x64xf32> -> vector<1024x64xf32>
    %convert_element_type3A_30 = arith.truncf %dot_general3A_24 : vector<1024x64xf32> to vector<1024x64xbf16>
    %bitcast_convert_type3A_31 = tpu.bitcast %convert_element_type3A_30 : vector<1024x64xbf16> -> vector<1024x64xi16>
    %convert_element_type3A_32 = arith.truncf %dot_general3A_29 : vector<1024x64xf32> to vector<1024x64xbf16>
    %bitcast_convert_type3A_33 = tpu.bitcast %convert_element_type3A_32 : vector<1024x64xbf16> -> vector<1024x64xi16>
    %convert_element_type3A_34 = arith.extui %bitcast_convert_type3A_31 : vector<1024x64xi16> to vector<1024x64xi32>
    %convert_element_type3A_35 = arith.extui %bitcast_convert_type3A_33 : vector<1024x64xi16> to vector<1024x64xi32>
    %shift_left3A_36 = arith.constant 16 : i32
    %shift_left3A_37 = vector.broadcast %shift_left3A_36 : i32 to vector<1024x64xi32>
    %shift_left3A_38 = arith.shli %convert_element_type3A_35, %shift_left3A_37 : vector<1024x64xi32>
    %or3A_39 = arith.ori %convert_element_type3A_34, %shift_left3A_38 : vector<1024x64xi32>
    %bitcast_convert_type3A_40 = tpu.bitcast %or3A_39 : vector<1024x64xi32> -> vector<1024x64xf32>
    %swap3A_41 = arith.constant 0 : index
    %swap3A_42 = arith.constant 0 : index
    %swap3A_43 = vector.load %arg7[%swap3A_41, %swap3A_42] : memref<1024x64xf32, #tpu.memory_space<vmem>>, vector<1024x64xf32>
    tpu.vector_store %arg7[%swap3A_41, %swap3A_42], %bitcast_convert_type3A_40 {strides = array<i32>} : memref<1024x64xf32, #tpu.memory_space<vmem>>, vector<1024x64xf32>,
    return
  }
  func.func @transform_0(%arg0: i32) -> (i32, i32) {
    %c0_i32 = arith.constant 0 : i32
    %c0_i32_0 = arith.constant 0 : i32
    return %arg0, %c0_i32 : i32, i32
  }
  func.func @transform_1(%arg0: i32) -> (i32, i32) {
    %c0_i32 = arith.constant 0 : i32
    %c0_i32_0 = arith.constant 0 : i32
    %c0_i32_1 = arith.constant 0 : i32
    return %c0_i32, %c0_i32_0 : i32, i32
  }
  func.func @transform_2(%arg0: i32) -> (i32, i32) {
    %c0_i32 = arith.constant 0 : i32
    %c0_i32_0 = arith.constant 0 : i32
    %c0_i32_1 = arith.constant 0 : i32
    return %c0_i32, %c0_i32_0 : i32, i32
  }
  func.func @transform_3(%arg0: i32) -> (i32, i32) {
    %c0_i32 = arith.constant 0 : i32
    %c0_i32_0 = arith.constant 0 : i32
    %c0_i32_1 = arith.constant 0 : i32
    return %c0_i32, %c0_i32_0 : i32, i32
  }
  func.func @transform_4(%arg0: i32) -> (i32, i32) {
    %c0_i32 = arith.constant 0 : i32
    %c0_i32_0 = arith.constant 0 : i32
    %c0_i32_1 = arith.constant 0 : i32
    return %c0_i32, %c0_i32_0 : i32, i32
  }
  func.func @transform_5(%arg0: i32) -> (i32, i32) {
    %c0_i32 = arith.constant 0 : i32
    %c0_i32_0 = arith.constant 0 : i32
    return %arg0, %c0_i32 : i32, i32
  }
  func.func @transform_6(%arg0: i32) -> (i32, i32) {
    %c0_i32 = arith.constant 0 : i32
    %c0_i32_0 = arith.constant 0 : i32
    return %arg0, %c0_i32 : i32, i32
  }
}

module attributes {stable_mosaic.version = 14 : i64} {
  func.func @_node_proj_body(%arg0: i32, %arg1: memref<640x128xf32, #tpu.memory_space<vmem>>, %arg2: memref<128x128xf32, #tpu.memory_space<vmem>>, %arg3: memref<128x128xf32, #tpu.memory_space<vmem>>, %arg4: memref<128x128xf32, #tpu.memory_space<vmem>>, %arg5: memref<128x128xf32, #tpu.memory_space<vmem>>, %arg6: memref<128x128xf32, #tpu.memory_space<vmem>>, %arg7: memref<128x128xf32, #tpu.memory_space<vmem>>, %arg8: memref<128x128xf32, #tpu.memory_space<vmem>>, %arg9: memref<128x128xf32, #tpu.memory_space<vmem>>, %arg10: memref<640x128xf32, #tpu.memory_space<vmem>>, %arg11: memref<640x128xf32, #tpu.memory_space<vmem>>, %arg12: memref<640x128xf32, #tpu.memory_space<vmem>>, %arg13: memref<640x128xf32, #tpu.memory_space<vmem>>) attributes {dimension_semantics = [#tpu.dimension_semantics<arbitrary>], iteration_bounds = array<i64: 16>, scalar_prefetch = 0 : i64, scratch_operands = 0 : i64, tpu.core_type = #tpu.core_type<tc>, window_params = [{transform_indices = @transform_0, window_bounds = array<i64: 640, 128>}, {pipeline_mode = #tpu.pipeline_mode<synchronous>, transform_indices = @transform_1, window_bounds = array<i64: 128, 128>}, {pipeline_mode = #tpu.pipeline_mode<synchronous>, transform_indices = @transform_2, window_bounds = array<i64: 128, 128>}, {pipeline_mode = #tpu.pipeline_mode<synchronous>, transform_indices = @transform_3, window_bounds = array<i64: 128, 128>}, {pipeline_mode = #tpu.pipeline_mode<synchronous>, transform_indices = @transform_4, window_bounds = array<i64: 128, 128>}, {pipeline_mode = #tpu.pipeline_mode<synchronous>, transform_indices = @transform_5, window_bounds = array<i64: 128, 128>}, {pipeline_mode = #tpu.pipeline_mode<synchronous>, transform_indices = @transform_6, window_bounds = array<i64: 128, 128>}, {pipeline_mode = #tpu.pipeline_mode<synchronous>, transform_indices = @transform_7, window_bounds = array<i64: 128, 128>}, {pipeline_mode = #tpu.pipeline_mode<synchronous>, transform_indices = @transform_8, window_bounds = array<i64: 128, 128>}, {transform_indices = @transform_9, window_bounds = array<i64: 640, 128>}, {transform_indices = @transform_10, window_bounds = array<i64: 640, 128>}, {transform_indices = @transform_11, window_bounds = array<i64: 640, 128>}, {transform_indices = @transform_12, window_bounds = array<i64: 640, 128>}]} {
    %get3A = arith.constant 0 : index
    %get3A_0 = arith.constant 0 : index
    %get3A_1 = vector.load %arg1[%get3A, %get3A_0] : memref<640x128xf32, #tpu.memory_space<vmem>>, vector<640x128xf32>
    %get3A_2 = arith.constant 0 : index
    %get3A_3 = arith.constant 0 : index
    %get3A_4 = vector.load %arg2[%get3A_2, %get3A_3] : memref<128x128xf32, #tpu.memory_space<vmem>>, vector<128x128xf32>
    %dot_general3A = arith.constant dense<0.000000e+00> : vector<640x128xf32>
    %dot_general3A_5 = tpu.matmul %get3A_1, %get3A_4, %dot_general3A {dimension_numbers = #tpu.dot_dimension_numbers<[1], [0], [0], [1], [0, 0, 1, 1], [], []>, transpose_lhs_hint = false} : vector<640x128xf32>, vector<128x128xf32>, vector<640x128xf32> -> vector<640x128xf32>
    %get3A_6 = arith.constant 0 : index
    %get3A_7 = arith.constant 0 : index
    %get3A_8 = vector.load %arg3[%get3A_6, %get3A_7] : memref<128x128xf32, #tpu.memory_space<vmem>>, vector<128x128xf32>
    %dot_general3A_9 = arith.constant dense<0.000000e+00> : vector<640x128xf32>
    %dot_general3A_10 = tpu.matmul %get3A_1, %get3A_8, %dot_general3A_9 {dimension_numbers = #tpu.dot_dimension_numbers<[1], [0], [0], [1], [0, 0, 1, 1], [], []>, transpose_lhs_hint = false} : vector<640x128xf32>, vector<128x128xf32>, vector<640x128xf32> -> vector<640x128xf32>
    %convert_element_type3A = arith.truncf %dot_general3A_5 : vector<640x128xf32> to vector<640x128xbf16>
    %bitcast_convert_type3A = tpu.bitcast %convert_element_type3A : vector<640x128xbf16> -> vector<640x128xi16>
    %convert_element_type3A_11 = arith.truncf %dot_general3A_10 : vector<640x128xf32> to vector<640x128xbf16>
    %bitcast_convert_type3A_12 = tpu.bitcast %convert_element_type3A_11 : vector<640x128xbf16> -> vector<640x128xi16>
    %convert_element_type3A_13 = arith.extui %bitcast_convert_type3A : vector<640x128xi16> to vector<640x128xi32>
    %convert_element_type3A_14 = arith.extui %bitcast_convert_type3A_12 : vector<640x128xi16> to vector<640x128xi32>
    %shift_left3A = arith.constant 16 : i32
    %shift_left3A_15 = vector.broadcast %shift_left3A : i32 to vector<640x128xi32>
    %shift_left3A_16 = arith.shli %convert_element_type3A_14, %shift_left3A_15 : vector<640x128xi32>
    %or3A = arith.ori %convert_element_type3A_13, %shift_left3A_16 : vector<640x128xi32>
    %bitcast_convert_type3A_17 = tpu.bitcast %or3A : vector<640x128xi32> -> vector<640x128xf32>
    %swap3A = arith.constant 0 : index
    %swap3A_18 = arith.constant 0 : index
    %swap3A_19 = vector.load %arg10[%swap3A, %swap3A_18] : memref<640x128xf32, #tpu.memory_space<vmem>>, vector<640x128xf32>
    tpu.vector_store %arg10[%swap3A, %swap3A_18], %bitcast_convert_type3A_17 {strides = array<i32>} : memref<640x128xf32, #tpu.memory_space<vmem>>, vector<640x128xf32>,
    %get3A_20 = arith.constant 0 : index
    %get3A_21 = arith.constant 0 : index
    %get3A_22 = vector.load %arg4[%get3A_20, %get3A_21] : memref<128x128xf32, #tpu.memory_space<vmem>>, vector<128x128xf32>
    %dot_general3A_23 = arith.constant dense<0.000000e+00> : vector<640x128xf32>
    %dot_general3A_24 = tpu.matmul %get3A_1, %get3A_22, %dot_general3A_23 {dimension_numbers = #tpu.dot_dimension_numbers<[1], [0], [0], [1], [0, 0, 1, 1], [], []>, transpose_lhs_hint = false} : vector<640x128xf32>, vector<128x128xf32>, vector<640x128xf32> -> vector<640x128xf32>
    %get3A_25 = arith.constant 0 : index
    %get3A_26 = arith.constant 0 : index
    %get3A_27 = vector.load %arg5[%get3A_25, %get3A_26] : memref<128x128xf32, #tpu.memory_space<vmem>>, vector<128x128xf32>
    %dot_general3A_28 = arith.constant dense<0.000000e+00> : vector<640x128xf32>
    %dot_general3A_29 = tpu.matmul %get3A_1, %get3A_27, %dot_general3A_28 {dimension_numbers = #tpu.dot_dimension_numbers<[1], [0], [0], [1], [0, 0, 1, 1], [], []>, transpose_lhs_hint = false} : vector<640x128xf32>, vector<128x128xf32>, vector<640x128xf32> -> vector<640x128xf32>
    %convert_element_type3A_30 = arith.truncf %dot_general3A_24 : vector<640x128xf32> to vector<640x128xbf16>
    %bitcast_convert_type3A_31 = tpu.bitcast %convert_element_type3A_30 : vector<640x128xbf16> -> vector<640x128xi16>
    %convert_element_type3A_32 = arith.truncf %dot_general3A_29 : vector<640x128xf32> to vector<640x128xbf16>
    %bitcast_convert_type3A_33 = tpu.bitcast %convert_element_type3A_32 : vector<640x128xbf16> -> vector<640x128xi16>
    %convert_element_type3A_34 = arith.extui %bitcast_convert_type3A_31 : vector<640x128xi16> to vector<640x128xi32>
    %convert_element_type3A_35 = arith.extui %bitcast_convert_type3A_33 : vector<640x128xi16> to vector<640x128xi32>
    %shift_left3A_36 = arith.constant 16 : i32
    %shift_left3A_37 = vector.broadcast %shift_left3A_36 : i32 to vector<640x128xi32>
    %shift_left3A_38 = arith.shli %convert_element_type3A_35, %shift_left3A_37 : vector<640x128xi32>
    %or3A_39 = arith.ori %convert_element_type3A_34, %shift_left3A_38 : vector<640x128xi32>
    %bitcast_convert_type3A_40 = tpu.bitcast %or3A_39 : vector<640x128xi32> -> vector<640x128xf32>
    %swap3A_41 = arith.constant 0 : index
    %swap3A_42 = arith.constant 0 : index
    %swap3A_43 = vector.load %arg11[%swap3A_41, %swap3A_42] : memref<640x128xf32, #tpu.memory_space<vmem>>, vector<640x128xf32>
    tpu.vector_store %arg11[%swap3A_41, %swap3A_42], %bitcast_convert_type3A_40 {strides = array<i32>} : memref<640x128xf32, #tpu.memory_space<vmem>>, vector<640x128xf32>,
    %get3A_44 = arith.constant 0 : index
    %get3A_45 = arith.constant 0 : index
    %get3A_46 = vector.load %arg6[%get3A_44, %get3A_45] : memref<128x128xf32, #tpu.memory_space<vmem>>, vector<128x128xf32>
    %dot_general3A_47 = arith.constant dense<0.000000e+00> : vector<640x128xf32>
    %dot_general3A_48 = tpu.matmul %get3A_1, %get3A_46, %dot_general3A_47 {dimension_numbers = #tpu.dot_dimension_numbers<[1], [0], [0], [1], [0, 0, 1, 1], [], []>, transpose_lhs_hint = false} : vector<640x128xf32>, vector<128x128xf32>, vector<640x128xf32> -> vector<640x128xf32>
    %get3A_49 = arith.constant 0 : index
    %get3A_50 = arith.constant 0 : index
    %get3A_51 = vector.load %arg7[%get3A_49, %get3A_50] : memref<128x128xf32, #tpu.memory_space<vmem>>, vector<128x128xf32>
    %dot_general3A_52 = arith.constant dense<0.000000e+00> : vector<640x128xf32>
    %dot_general3A_53 = tpu.matmul %get3A_1, %get3A_51, %dot_general3A_52 {dimension_numbers = #tpu.dot_dimension_numbers<[1], [0], [0], [1], [0, 0, 1, 1], [], []>, transpose_lhs_hint = false} : vector<640x128xf32>, vector<128x128xf32>, vector<640x128xf32> -> vector<640x128xf32>
    %convert_element_type3A_54 = arith.truncf %dot_general3A_48 : vector<640x128xf32> to vector<640x128xbf16>
    %bitcast_convert_type3A_55 = tpu.bitcast %convert_element_type3A_54 : vector<640x128xbf16> -> vector<640x128xi16>
    %convert_element_type3A_56 = arith.truncf %dot_general3A_53 : vector<640x128xf32> to vector<640x128xbf16>
    %bitcast_convert_type3A_57 = tpu.bitcast %convert_element_type3A_56 : vector<640x128xbf16> -> vector<640x128xi16>
    %convert_element_type3A_58 = arith.extui %bitcast_convert_type3A_55 : vector<640x128xi16> to vector<640x128xi32>
    %convert_element_type3A_59 = arith.extui %bitcast_convert_type3A_57 : vector<640x128xi16> to vector<640x128xi32>
    %shift_left3A_60 = arith.constant 16 : i32
    %shift_left3A_61 = vector.broadcast %shift_left3A_60 : i32 to vector<640x128xi32>
    %shift_left3A_62 = arith.shli %convert_element_type3A_59, %shift_left3A_61 : vector<640x128xi32>
    %or3A_63 = arith.ori %convert_element_type3A_58, %shift_left3A_62 : vector<640x128xi32>
    %bitcast_convert_type3A_64 = tpu.bitcast %or3A_63 : vector<640x128xi32> -> vector<640x128xf32>
    %swap3A_65 = arith.constant 0 : index
    %swap3A_66 = arith.constant 0 : index
    %swap3A_67 = vector.load %arg12[%swap3A_65, %swap3A_66] : memref<640x128xf32, #tpu.memory_space<vmem>>, vector<640x128xf32>
    tpu.vector_store %arg12[%swap3A_65, %swap3A_66], %bitcast_convert_type3A_64 {strides = array<i32>} : memref<640x128xf32, #tpu.memory_space<vmem>>, vector<640x128xf32>,
    %get3A_68 = arith.constant 0 : index
    %get3A_69 = arith.constant 0 : index
    %get3A_70 = vector.load %arg8[%get3A_68, %get3A_69] : memref<128x128xf32, #tpu.memory_space<vmem>>, vector<128x128xf32>
    %dot_general3A_71 = arith.constant dense<0.000000e+00> : vector<640x128xf32>
    %dot_general3A_72 = tpu.matmul %get3A_1, %get3A_70, %dot_general3A_71 {dimension_numbers = #tpu.dot_dimension_numbers<[1], [0], [0], [1], [0, 0, 1, 1], [], []>, transpose_lhs_hint = false} : vector<640x128xf32>, vector<128x128xf32>, vector<640x128xf32> -> vector<640x128xf32>
    %get3A_73 = arith.constant 0 : index
    %get3A_74 = arith.constant 0 : index
    %get3A_75 = vector.load %arg9[%get3A_73, %get3A_74] : memref<128x128xf32, #tpu.memory_space<vmem>>, vector<128x128xf32>
    %dot_general3A_76 = arith.constant dense<0.000000e+00> : vector<640x128xf32>
    %dot_general3A_77 = tpu.matmul %get3A_1, %get3A_75, %dot_general3A_76 {dimension_numbers = #tpu.dot_dimension_numbers<[1], [0], [0], [1], [0, 0, 1, 1], [], []>, transpose_lhs_hint = false} : vector<640x128xf32>, vector<128x128xf32>, vector<640x128xf32> -> vector<640x128xf32>
    %convert_element_type3A_78 = arith.truncf %dot_general3A_72 : vector<640x128xf32> to vector<640x128xbf16>
    %bitcast_convert_type3A_79 = tpu.bitcast %convert_element_type3A_78 : vector<640x128xbf16> -> vector<640x128xi16>
    %convert_element_type3A_80 = arith.truncf %dot_general3A_77 : vector<640x128xf32> to vector<640x128xbf16>
    %bitcast_convert_type3A_81 = tpu.bitcast %convert_element_type3A_80 : vector<640x128xbf16> -> vector<640x128xi16>
    %convert_element_type3A_82 = arith.extui %bitcast_convert_type3A_79 : vector<640x128xi16> to vector<640x128xi32>
    %convert_element_type3A_83 = arith.extui %bitcast_convert_type3A_81 : vector<640x128xi16> to vector<640x128xi32>
    %shift_left3A_84 = arith.constant 16 : i32
    %shift_left3A_85 = vector.broadcast %shift_left3A_84 : i32 to vector<640x128xi32>
    %shift_left3A_86 = arith.shli %convert_element_type3A_83, %shift_left3A_85 : vector<640x128xi32>
    %or3A_87 = arith.ori %convert_element_type3A_82, %shift_left3A_86 : vector<640x128xi32>
    %bitcast_convert_type3A_88 = tpu.bitcast %or3A_87 : vector<640x128xi32> -> vector<640x128xf32>
    %swap3A_89 = arith.constant 0 : index
    %swap3A_90 = arith.constant 0 : index
    %swap3A_91 = vector.load %arg13[%swap3A_89, %swap3A_90] : memref<640x128xf32, #tpu.memory_space<vmem>>, vector<640x128xf32>
    tpu.vector_store %arg13[%swap3A_89, %swap3A_90], %bitcast_convert_type3A_88 {strides = array<i32>} : memref<640x128xf32, #tpu.memory_space<vmem>>, vector<640x128xf32>,
    return
  }
  func.func @transform_0(%arg0: i32) -> (i32, i32) {
    %c0_i32 = arith.constant 0 : i32
    %c0_i32_0 = arith.constant 0 : i32
    return %arg0, %c0_i32 : i32, i32
  }
  func.func @transform_1(%arg0: i32) -> (i32, i32) {
    %c0_i32 = arith.constant 0 : i32
    %c0_i32_0 = arith.constant 0 : i32
    %c0_i32_1 = arith.constant 0 : i32
    return %c0_i32, %c0_i32_0 : i32, i32
  }
  func.func @transform_2(%arg0: i32) -> (i32, i32) {
    %c0_i32 = arith.constant 0 : i32
    %c0_i32_0 = arith.constant 0 : i32
    %c0_i32_1 = arith.constant 0 : i32
    return %c0_i32, %c0_i32_0 : i32, i32
  }
  func.func @transform_3(%arg0: i32) -> (i32, i32) {
    %c0_i32 = arith.constant 0 : i32
    %c0_i32_0 = arith.constant 0 : i32
    %c0_i32_1 = arith.constant 0 : i32
    return %c0_i32, %c0_i32_0 : i32, i32
  }
  func.func @transform_4(%arg0: i32) -> (i32, i32) {
    %c0_i32 = arith.constant 0 : i32
    %c0_i32_0 = arith.constant 0 : i32
    %c0_i32_1 = arith.constant 0 : i32
    return %c0_i32, %c0_i32_0 : i32, i32
  }
  func.func @transform_5(%arg0: i32) -> (i32, i32) {
    %c0_i32 = arith.constant 0 : i32
    %c0_i32_0 = arith.constant 0 : i32
    %c0_i32_1 = arith.constant 0 : i32
    return %c0_i32, %c0_i32_0 : i32, i32
  }
  func.func @transform_6(%arg0: i32) -> (i32, i32) {
    %c0_i32 = arith.constant 0 : i32
    %c0_i32_0 = arith.constant 0 : i32
    %c0_i32_1 = arith.constant 0 : i32
    return %c0_i32, %c0_i32_0 : i32, i32
  }
  func.func @transform_7(%arg0: i32) -> (i32, i32) {
    %c0_i32 = arith.constant 0 : i32
    %c0_i32_0 = arith.constant 0 : i32
    %c0_i32_1 = arith.constant 0 : i32
    return %c0_i32, %c0_i32_0 : i32, i32
  }
  func.func @transform_8(%arg0: i32) -> (i32, i32) {
    %c0_i32 = arith.constant 0 : i32
    %c0_i32_0 = arith.constant 0 : i32
    %c0_i32_1 = arith.constant 0 : i32
    return %c0_i32, %c0_i32_0 : i32, i32
  }
  func.func @transform_9(%arg0: i32) -> (i32, i32) {
    %c0_i32 = arith.constant 0 : i32
    %c0_i32_0 = arith.constant 0 : i32
    return %arg0, %c0_i32 : i32, i32
  }
  func.func @transform_10(%arg0: i32) -> (i32, i32) {
    %c0_i32 = arith.constant 0 : i32
    %c0_i32_0 = arith.constant 0 : i32
    return %arg0, %c0_i32 : i32, i32
  }
  func.func @transform_11(%arg0: i32) -> (i32, i32) {
    %c0_i32 = arith.constant 0 : i32
    %c0_i32_0 = arith.constant 0 : i32
    return %arg0, %c0_i32 : i32, i32
  }
  func.func @transform_12(%arg0: i32) -> (i32, i32) {
    %c0_i32 = arith.constant 0 : i32
    %c0_i32_0 = arith.constant 0 : i32
    return %arg0, %c0_i32 : i32, i32
  }
}

module attributes {stable_mosaic.version = 14 : i64} {
  func.func @_combine_body(%arg0: i32, %arg1: memref<2x640x128xf32, #tpu.memory_space<vmem>>, %arg2: memref<2x640x128xf32, #tpu.memory_space<vmem>>, %arg3: memref<1x128xf32, #tpu.memory_space<vmem>>, %arg4: memref<640x128xf32, #tpu.memory_space<vmem>>) attributes {dimension_semantics = [#tpu.dimension_semantics<arbitrary>], iteration_bounds = array<i64: 16>, scalar_prefetch = 0 : i64, scratch_operands = 0 : i64, tpu.core_type = #tpu.core_type<tc>, window_params = [{transform_indices = @transform_0, window_bounds = array<i64: 2, 640, 128>}, {transform_indices = @transform_1, window_bounds = array<i64: 2, 640, 128>}, {pipeline_mode = #tpu.pipeline_mode<synchronous>, transform_indices = @transform_2, window_bounds = array<i64: 1, 128>}, {transform_indices = @transform_3, window_bounds = array<i64: 640, 128>}]} {
    %get3A = arith.constant 0 : index
    %get3A_0 = arith.constant 0 : index
    %get3A_1 = arith.constant 0 : index
    %get3A_2 = vector.load %arg1[%get3A, %get3A_0, %get3A_1] : memref<2x640x128xf32, #tpu.memory_space<vmem>>, vector<1x640x128xf32>
    %get3A_3 = vector.shape_cast %get3A_2 : vector<1x640x128xf32> to vector<640x128xf32>
    %get3A_4 = arith.constant 1 : index
    %get3A_5 = arith.constant 0 : index
    %get3A_6 = arith.constant 0 : index
    %get3A_7 = vector.load %arg1[%get3A_4, %get3A_5, %get3A_6] : memref<2x640x128xf32, #tpu.memory_space<vmem>>, vector<1x640x128xf32>
    %get3A_8 = vector.shape_cast %get3A_7 : vector<1x640x128xf32> to vector<640x128xf32>
    %add3A = arith.addf %get3A_3, %get3A_8 : vector<640x128xf32>
    %get3A_9 = arith.constant 0 : index
    %get3A_10 = arith.constant 0 : index
    %get3A_11 = arith.constant 0 : index
    %get3A_12 = vector.load %arg2[%get3A_9, %get3A_10, %get3A_11] : memref<2x640x128xf32, #tpu.memory_space<vmem>>, vector<1x640x128xf32>
    %get3A_13 = vector.shape_cast %get3A_12 : vector<1x640x128xf32> to vector<640x128xf32>
    %get3A_14 = arith.constant 1 : index
    %get3A_15 = arith.constant 0 : index
    %get3A_16 = arith.constant 0 : index
    %get3A_17 = vector.load %arg2[%get3A_14, %get3A_15, %get3A_16] : memref<2x640x128xf32, #tpu.memory_space<vmem>>, vector<1x640x128xf32>
    %get3A_18 = vector.shape_cast %get3A_17 : vector<1x640x128xf32> to vector<640x128xf32>
    %add3A_19 = arith.addf %get3A_13, %get3A_18 : vector<640x128xf32>
    %get3A_20 = arith.constant 0 : index
    %get3A_21 = arith.constant 0 : index
    %get3A_22 = vector.load %arg3[%get3A_20, %get3A_21] : memref<1x128xf32, #tpu.memory_space<vmem>>, vector<1x128xf32>
    %get3A_23 = vector.shape_cast %get3A_22 : vector<1x128xf32> to vector<128xf32>
    %slice3A = vector.extract_strided_slice %add3A {offsets = [0, 64], sizes = [640, 64], strides = [1, 1]} : vector<640x128xf32> to vector<640x64xf32>
    %gt3A = arith.constant 0.000000e+00 : f32
    %gt3A_24 = vector.broadcast %gt3A : f32 to vector<640x64xf32>
    %gt3A_25 = arith.cmpf ogt, %slice3A, %gt3A_24 : vector<640x64xf32>
    %slice3A_26 = vector.extract_strided_slice %add3A {offsets = [0, 0], sizes = [640, 64], strides = [1, 1]} : vector<640x128xf32> to vector<640x64xf32>
    %slice3A_27 = vector.extract_strided_slice %add3A {offsets = [0, 64], sizes = [640, 64], strides = [1, 1]} : vector<640x128xf32> to vector<640x64xf32>
    %div3A = arith.divf %slice3A_26, %slice3A_27 : vector<640x64xf32>
    %slice3A_28 = vector.extract_strided_slice %get3A_23 {offsets = [0], sizes = [64], strides = [1]} : vector<128xf32> to vector<64xf32>
    %broadcast_in_dim3A = vector.shape_cast %slice3A_28 : vector<64xf32> to vector<1x64xf32>
    %add3A_29 = vector.broadcast %broadcast_in_dim3A : vector<1x64xf32> to vector<640x64xf32>
    %add3A_30 = arith.addf %div3A, %add3A_29 : vector<640x64xf32>
    %jit3A = arith.constant 0.000000e+00 : f32
    %broadcast_in_dim3A_31 = vector.broadcast %jit3A : f32 to vector<640x64xf32>
    %select_n3A = arith.select %gt3A_25, %add3A_30, %broadcast_in_dim3A_31 : vector<640x64xi1>, vector<640x64xf32>
    %slice3A_32 = vector.extract_strided_slice %add3A_19 {offsets = [0, 64], sizes = [640, 64], strides = [1, 1]} : vector<640x128xf32> to vector<640x64xf32>
    %gt3A_33 = arith.constant 0.000000e+00 : f32
    %gt3A_34 = vector.broadcast %gt3A_33 : f32 to vector<640x64xf32>
    %gt3A_35 = arith.cmpf ogt, %slice3A_32, %gt3A_34 : vector<640x64xf32>
    %slice3A_36 = vector.extract_strided_slice %add3A_19 {offsets = [0, 0], sizes = [640, 64], strides = [1, 1]} : vector<640x128xf32> to vector<640x64xf32>
    %slice3A_37 = vector.extract_strided_slice %add3A_19 {offsets = [0, 64], sizes = [640, 64], strides = [1, 1]} : vector<640x128xf32> to vector<640x64xf32>
    %div3A_38 = arith.divf %slice3A_36, %slice3A_37 : vector<640x64xf32>
    %slice3A_39 = vector.extract_strided_slice %get3A_23 {offsets = [64], sizes = [64], strides = [1]} : vector<128xf32> to vector<64xf32>
    %broadcast_in_dim3A_40 = vector.shape_cast %slice3A_39 : vector<64xf32> to vector<1x64xf32>
    %add3A_41 = vector.broadcast %broadcast_in_dim3A_40 : vector<1x64xf32> to vector<640x64xf32>
    %add3A_42 = arith.addf %div3A_38, %add3A_41 : vector<640x64xf32>
    %jit3A_43 = arith.constant 0.000000e+00 : f32
    %broadcast_in_dim3A_44 = vector.broadcast %jit3A_43 : f32 to vector<640x64xf32>
    %select_n3A_45 = arith.select %gt3A_35, %add3A_42, %broadcast_in_dim3A_44 : vector<640x64xi1>, vector<640x64xf32>
    %concatenate3A = tpu.concatenate %select_n3A, %select_n3A_45 in 1 : vector<640x64xf32>, vector<640x64xf32> -> vector<640x128xf32>
    %swap3A = arith.constant 0 : index
    %swap3A_46 = arith.constant 0 : index
    %swap3A_47 = vector.load %arg4[%swap3A, %swap3A_46] : memref<640x128xf32, #tpu.memory_space<vmem>>, vector<640x128xf32>
    tpu.vector_store %arg4[%swap3A, %swap3A_46], %concatenate3A {strides = array<i32>} : memref<640x128xf32, #tpu.memory_space<vmem>>, vector<640x128xf32>,
    return
  }
  func.func @transform_0(%arg0: i32) -> (i32, i32, i32) {
    %c0_i32 = arith.constant 0 : i32
    %c0_i32_0 = arith.constant 0 : i32
    %c0_i32_1 = arith.constant 0 : i32
    return %c0_i32, %arg0, %c0_i32_0 : i32, i32, i32
  }
  func.func @transform_1(%arg0: i32) -> (i32, i32, i32) {
    %c0_i32 = arith.constant 0 : i32
    %c0_i32_0 = arith.constant 0 : i32
    %c0_i32_1 = arith.constant 0 : i32
    return %c0_i32, %arg0, %c0_i32_0 : i32, i32, i32
  }
  func.func @transform_2(%arg0: i32) -> (i32, i32) {
    %c0_i32 = arith.constant 0 : i32
    %c0_i32_0 = arith.constant 0 : i32
    %c0_i32_1 = arith.constant 0 : i32
    return %c0_i32, %c0_i32_0 : i32, i32
  }
  func.func @transform_3(%arg0: i32) -> (i32, i32) {
    %c0_i32 = arith.constant 0 : i32
    %c0_i32_0 = arith.constant 0 : i32
    return %arg0, %c0_i32 : i32, i32
  }
}

</mosaic_0001>

<sc_bundles>
// kernel: _impl.10.cloned.1.call-start
scs
__scs_entry_jumppad:
0x0: {  	(pc) =	sbr.rel $0x88, $3  }
0x1: {  	(tag) =	ssettag $0x0;
	lr =	simm.s32 $0x1  }
0x2: {  	[smem:$0x3F98] =	sst lr;
	_ =	strace $0xD0000000  }
0x3: {  	_ = 	snop  }
0x4: {  	_ = 	snop  }
0x5: {  	_ = 	snop  }
0x6: {  	_ = 	snop  }
0x7: {  	_ = 	snop  }
__scs_overlays_trampoline_lowered:
0x8: {  	[smem:$0x3FA7] =	sst s0  }
0x9: {  	[smem:$0x3FA8] =	sst s1  }
0xa: {  	[smem:$0x3FA9] =	sst s2  }
0xb: {  	[smem:$0x3FAA] =	sst s3  }
0xc: {  	[smem:$0x3FAB] =	sst s4  }
0xd: {  	[smem:$0x3FAC] =	sst s5  }
0xe: {  	[smem:$0x3FAD] =	sst s6  }
0xf: {  	[smem:$0x3FAE] =	sst s7  }
0x10: {  	[smem:$0x3FAF] =	sst s8  }
0x11: {  	[smem:$0x3FB0] =	sst s9;
	s0 =	simm.s32 @!p0 $0x0  }
0x12: {  	s1 =	sld [smem:$0x3F96];
	s0 =	simm.s32 @p0 $0x1  }
0x13: {  	[smem:$0x3FB1] =	sst s0;
	s0 =	simm.s32 @!p1 $0x0  }
0x14: {  	s2 =	sld [smem:$0x3F95];
	s0 =	simm.s32 @p1 $0x1  }
0x15: {  	[smem:$0x3FB2] =	sst s0;
	s0 =	simm.s32 @!p2 $0x0  }
0x16: {  	s3 =	sld [smem:$0x3FDB];
	s0 =	simm.s32 @p2 $0x1  }
0x17: {  	s4 =	simm.s32 $0x1BF5;
	[smem:$0x3FB4] =	sst s0  }
0x18: {  	s0 =	sld [smem:$0x3F97];
	_ =	swait.ge [sflag:s4], $0x0  }
0x19: {  	s7 =	sld [smem:$0x3F98]  }
0x1a: {  	s8 =	sadd.s32 $0xFFFFE003, lr  }
0x1b: {  	s9 =	sadd.s32 $0xFFFFFEF7, lr;
	s5 =	simm.s32 $0xFFFFFFFF;
	p2 =	slt.u32 s8, $0xFFFFF086  }
0x1c: {  	p1 =	slt.u32 s9, $0xF7A;
	s5 =	simm.s32 @!p2 $0x0  }
0x1d: {  	s5 =	simm.s32 @p1 $0x1;
	p0 =	seq.s32 s7, s2  }
0x1e: {  	s7 =	smul.u32 @!p0 $0xF7A, s2;
	p2 =	seq.s32 @!p0 s5, $0x0  }
0x1f: {  	s9 =	smul.u32 $0xF7A, s1;
	s8 =	simm.s32 @!p0 $0x1BF5;
	p2 =	por !p2, p0  }
0x20: {  	[sflag:s8] =	ssyncset.s32 @!p0 $0xFFFFF086;
	s6 =	sadd.s32 @!p0 s3, s7;
	s7 =	simm.s32 @!p0 $0x108  }
0x21: {  	s3 =	sadd.s32 s3, s9;
	s6 =	sadd.s32 @!p0 $0x88, s6;
	s7 =	simm.s32 @p2 $0x1082  }
0x22: {  	[simem:s7], [sflag:s8] =	dma.local @!p0 [hbm:s6], $0xF7A  }
0x23: {  	s9 =	sor.u32 $0xD0000000, s2;
	s6 =	simm.s32 $0x108;
	_ =	swait.ge @!p0 [sflag:s8], $0x0  }
0x24: {  	s3 =	sadd.s32 $0x88, s3;
	s6 =	simm.s32 @!p1 $0x1082;
	[sflag:s4] =	ssyncset.s32 $0xFFFFF086  }
0x25: {  	[simem:s6], [sflag:s4] =	dma.local [hbm:s3], $0xF7A  }
0x26: {  	[smem:$0x3F98] =	sst s1;
	(tag) =	ssettag s2;
	_ =	strace s9  }
0x27: {  	s1 =	sld [smem:$0x3FA8]  }
0x28: {  	s2 =	sld [smem:$0x3FA9]  }
0x29: {  	s4 =	sld [smem:$0x3FAB]  }
0x2a: {  	p0 =	seq.s32 s5, $0x0;
	s5 =	sld [smem:$0x3FAC]  }
0x2b: {  	s6 =	sld [smem:$0x3FAD]  }
0x2c: {  	s7 =	sld [smem:$0x3FAE]  }
0x2d: {  	s3 =	simm.s32 $0x108;
	s8 =	sld [smem:$0x3FAF]  }
0x2e: {  	s3 =	simm.s32 @!p0 $0x1082;
	s9 =	sld [smem:$0x3FB0]  }
0x2f: {  	lr =	sadd.s32 s0, s3;
	s0 =	sld [smem:$0x3FA7]  }
0x30: {  	s3 =	sld [smem:$0x3FAA]  }
0x31: {  	[smem:$0x3FB3] =	sst s10  }
0x32: {  	s10 =	sld [smem:$0x3FB1];
	_ =	sdelay $0x3  }
0x33: {  	p0 =	seq.s32 s10, $0x1;
	s10 =	sld [smem:$0x3FB3];
	_ =	sdelay $0x3  }
0x34: {  	[smem:$0x3FB3] =	sst s10  }
0x35: {  	s10 =	sld [smem:$0x3FB2];
	_ =	sdelay $0x3  }
0x36: {  	p1 =	seq.s32 s10, $0x1;
	s10 =	sld [smem:$0x3FB3];
	_ =	sdelay $0x3  }
0x37: {  	[smem:$0x3FB3] =	sst s10  }
0x38: {  	s10 =	sld [smem:$0x3FB4]  }
0x39: {  	_ = 	snop;
	(pc) =	sbr.ind lr, $3  }
0x3a: {  	_ = 	snop  }
0x3b: {  	_ = 	snop  }
0x3c: {  	p2 =	seq.s32 s10, $0x1;
	s10 =	sld [smem:$0x3FB3]  }
0x3d: {  	_ =	shalt  }
0x3e: {  	_ =	shalt  }
0x3f: {  	_ =	shalt  }
0x40: {  	_ =	shalt  }
0x41: {  	_ =	shalt  }
0x42: {  	_ =	shalt  }
0x43: {  	_ =	shalt  }
0x44: {  	_ =	shalt  }
0x45: {  	_ =	shalt  }
0x46: {  	_ =	shalt  }
0x47: {  	_ =	shalt  }
0x48: {  	_ =	shalt  }
0x49: {  	_ =	shalt  }
0x4a: {  	_ =	shalt  }
0x4b: {  	_ =	shalt  }
0x4c: {  	_ =	shalt  }
0x4d: {  	_ =	shalt  }
0x4e: {  	_ =	shalt  }
0x4f: {  	_ =	shalt  }
0x50: {  	_ =	shalt  }
0x51: {  	_ =	shalt  }
0x52: {  	_ =	shalt  }
0x53: {  	_ =	shalt  }
0x54: {  	_ =	shalt  }
0x55: {  	_ =	shalt  }
0x56: {  	_ =	shalt  }
0x57: {  	_ =	shalt  }
0x58: {  	_ =	shalt  }
0x59: {  	_ =	shalt  }
0x5a: {  	_ =	shalt  }
0x5b: {  	_ =	shalt  }
0x5c: {  	_ =	shalt  }
0x5d: {  	_ =	shalt  }
0x5e: {  	_ =	shalt  }
0x5f: {  	_ =	shalt  }
0x60: {  	_ =	shalt  }
0x61: {  	_ =	shalt  }
0x62: {  	_ =	shalt  }
0x63: {  	_ =	shalt  }
0x64: {  	_ =	shalt  }
0x65: {  	_ =	shalt  }
0x66: {  	_ =	shalt  }
0x67: {  	_ =	shalt  }
0x68: {  	_ =	shalt  }
0x69: {  	_ =	shalt  }
0x6a: {  	_ =	shalt  }
0x6b: {  	_ =	shalt  }
0x6c: {  	_ =	shalt  }
0x6d: {  	_ =	shalt  }
0x6e: {  	_ =	shalt  }
0x6f: {  	_ =	shalt  }
0x70: {  	_ =	shalt  }
0x71: {  	_ =	shalt  }
0x72: {  	_ =	shalt  }
0x73: {  	_ =	shalt  }
0x74: {  	_ =	shalt  }
0x75: {  	_ =	shalt  }
0x76: {  	_ =	shalt  }
0x77: {  	_ =	shalt  }
0x78: {  	_ =	shalt  }
0x79: {  	_ =	shalt  }
0x7a: {  	_ =	shalt  }
0x7b: {  	_ =	shalt  }
0x7c: {  	_ =	shalt  }
0x7d: {  	_ =	shalt  }
0x7e: {  	_ =	shalt  }
0x7f: {  	_ =	shalt  }
0x80: {  	_ =	shalt  }
0x81: {  	_ =	shalt  }
0x82: {  	_ =	shalt  }
0x83: {  	_ =	shalt  }
0x84: {  	_ =	shalt  }
0x85: {  	_ =	shalt  }
0x86: {  	_ =	shalt  }
0x87: {  	_ =	shalt  }
.Lfunc_end0:
.L_simem_size_0:
called_computation.1_lowered:
.L_overlay_start_0:
0x88: {  	s2 =	sld [smem:$0x3FD9]  }
0x89: {  	s3 =	sld [smem:$0x3FFE];
	_ =	sdelay $0x1  }
0x8a: {  	s1 =	srdreg.scid  }
0x8b: {  	s0 =	sand.u32 $0x1, s1  }
0x8c: {  	s14 =	sshll.u32 s0, $0xA;
	s2 =	sadd.s32 s3, s2  }
0x8d: {  	s2 =	sadd.s32 s2, s14  }
0x8e: {  	[smem:$0x3FBF] =	sst s2  }
0x8f: {  	_ = 	snop  }
0x90: {  	s2 =	sld [smem:$0x3FD0];
	_ =	sdelay $0x2  }
0x91: {  	s15 =	simm.s32 $0xB;
	s4 =	simm.s32 $0x10  }
0x92: {  	[smem:s4], [sflag:s15] =	dma.local [hbm:s2], $0x1  }
0x93: {  	_ =	swait.eq [sflag:s15], $0x1  }
0x94: {  	[sflag:s15] =	ssyncset.done $0x0  }
0x95: {  	[sflag:s15] =	ssyncadd.s32 $0xFFFFFFFF  }
0x96: {  	s16 =	sld [smem:$0x10];
	(tm) =	ssettm $0x1  }
0x97: {  	s17 =	sld [smem:$0x3FFB];
	_ =	sdelay $0x3  }
0x98: {  	_ =	strace s17  }
0x99: {  	s3 =	sld [smem:$0x3FFC];
	_ =	sdelay $0x3  }
0x9a: {  	_ =	strace s3  }
0x9b: {  	s3 =	sld [smem:$0x3FFD];
	_ =	sdelay $0x3  }
0x9c: {  	_ =	strace s3  }
0x9d: {  	_ =	strace $0x8FFFFFFF  }
0x9e: {  	s18 =	sld [smem:$0x3FDB];
	_ =	sdelay $0x1  }
0x9f: {  	s19 =	simm.s32 $_scs_section_size  }
0xa0: {  	s5 =	simm.s32 $_size__tile_overlayer_lowered;
	s6 =	simm.s32 $_tile_overlayer_lowered  }
0xa1: {  	s22 =	simm.s32 $0x1BFF;
	s21 =	sshll.u32 s6, $0x1;
	s3 =	sadd.s32 s19, s18  }
0xa2: {  	s7 =	simm.s32 $0x0;
	s20 =	sshll.u32 s5, $0x1;
	s5 =	sadd.s32 s21, s3  }
0xa3: {  	[timem:s7], [sflag:s22] =	dma.local [hbm:s5], s20  }
0xa4: {  	_ =	swait.ge [sflag:s22], s20  }
0xa5: {  	s4 =	ssub.s32 $0x0, s20;
	[sflag:s22] =	ssyncset.done $0x0  }
0xa6: {  	[sflag:s22] =	ssyncadd.s32 s4;
	_ =	sdelay $0x1  }
0xa7: {  	s23 =	simm.s32 $0x1B8B  }
0xa8: {  	_ =	swait.ge [sflag:s23], $0x1  }
0xa9: {  	[sflag:s23] =	ssyncset.done $0x0  }
0xaa: {  	s25 =	simm.s32 $0x1B8E;
	s24 =	sld [smem:$0x3FFE];
	[sflag:s23] =	ssyncadd.s32 $0xFFFFFFFF  }
0xab: {  	s26 =	simm.s32 $execute0_lowered;
	[smem:$0x3FD2] =	sst s25  }
0xac: {  	s5 =	sshll.u32 s26, $0x1;
	_ =	strace $0x80000046;
	[dreg:$0x1] =	wrdreg $0xFFFFFFFF  }
0xad: {  	s28 =	simm.s32 $_size_execute0_lowered;
	s3 =	sadd.s32 s3, s5;
	[dreg:$0x0] =	wrdreg $0x0  }
0xae: {  	s5 =	sshll.u32 s28, $0x1;
	[dreg:$0x2] =	wrdreg s3  }
0xaf: {  	[dreg:$0x3] =	wrdreg s5  }
0xb0: {  	[dreg:$0x4] =	wrdreg $0xC0  }
0xb1: {  	_ =	task [dreg:s7], $0x5FFFF  }
0xb2: {  	[dreg:$0x1] =	wrdreg $0xFFFFFFFF  }
0xb3: {  	[dreg:$0x0] =	wrdreg $0x60  }
0xb4: {  	[dreg:$0x2] =	wrdreg s24  }
0xb5: {  	[dreg:$0x3] =	wrdreg s16  }
0xb6: {  	[dreg:$0x4] =	wrdreg $0x72800  }
0xb7: {  	[dreg:$0x5] =	wrdreg $0xA  }
0xb8: {  	_ =	task.clear_ibuf [dreg:s7], $0x6FFFF;
	_ =	strace $0x90000046  }
0xb9: {  	s29 =	simm.s32 $0xA;
	_ =	strace $0x80000048  }
0xba: {  	_ =	swait.ge [sflag:s29], $0x1  }
0xbb: {  	[sflag:s29] =	ssyncadd.s32 $0xFFFFFFFF  }
0xbc: {  	_ =	strace $0x90000048  }
0xbd: {  	_ =	sfence  }
0xbe: {  	s30 =	sld [smem:$0x0];
	_ =	sdelay $0x2  }
0xbf: {  	s31 =	sshll.u32 s1, $0xD;
	s1 =	sshrl.u32 s1, $0x2  }
0xc0: {  	s3 =	sand.u32 $0x4000, s31;
	s1 =	sadd.s32 s1, s30  }
0xc1: {  	s0 =	sor.u32 s3, s0;
	s1 =	sshll.u32 s1, $0x11  }
0xc2: {  	s0 =	sor.u32 s1, s0  }
0xc3: {  	s0 =	sadd.s32 $0x8F2B, s0  }
0xc4: {  	[sflag:s0] =	ssyncadd.remote.s32 $0x1  }
0xc5: {  	_ =	sfence.sel $0xFFFF  }
0xc6: {  	[dreg:$0x0] =	wrdreg $0xFFFFFFFF;
	(pc) =	sbr.abs _section_cstart, $3  }
0xc7: {  	[dreg:$0x1] =	wrdreg $0xFFFFFFFF  }
0xc8: {  	_ =	task.clear_ibuf [dreg:s7], $0x2FFFF;
	_ =	strace $0x9FFFFFFF  }
0xc9: {  	(tm) =	ssettm $0x7FFFFFFF  }
tec
execute0_lowered:
.L_overlay_start_1:
0x0: {  	(tag) =	ssettag $0x1  }
0x1: {  	s0 =	rddreg [dreg:$0x0]  }
0x2: {  	s1 =	rddreg [dreg:$0x1]  }
0x3: {  	s3 =	rddreg [dreg:$0x2];
	s2 =	simm.s32 $0x0  }
0x4: {  	s13 =	stileid.u32;
	s4 =	srdreg.scid;
	s16 =	simm.s32 $0x7  }
0x5: {  	s18 =	simm.s32 $0x100;
	s28 =	simm.s32 $0x5200;
	s29 =	simm.s32 $0x1  }
0x6: {  	s30 =	simm.s32 $0x3;
	s31 =	simm.s32 $0x5;
	s17 =	simm.s32 $0x6  }
0x7: {  	[smem:$0x7FF] =	sst s2;
	s19 =	smul.u32 $0x14000, s13;
	s5 =	sadd.s32 $0x12600, s0  }
0x8: {  	s4 =	sand.u32 $0x1, s4;
	s6 =	sadd.s32 $0x3A600, s0;
	s7 =	sadd.s32 $0x9EA600, s0  }
0x9: {  	s8 =	sadd.s32 $0x8600, s0;
	s11 =	sadd.s32 $0x3800, s0;
	s12 =	smul.u32 $0x50000, s13  }
0xa: {  	s24 =	sshll.u32 s13, $0x6;
	s25 =	smul.u32 $0x2800, s13;
	_ =	strace $0x80000047  }
0xb: {  	s10 =	smul.u32 $0x140000, s4;
	[dreg:$0x4] =	wrdreg s11;
	s20 =	ssub.s32 $0x2, s4  }
0xc: {  	s4 =	smul.u32 $0x28000, s4;
	s11 =	sor.u32 $0x1C07, s24;
	s24 =	simm.s32 $0x180  }
0xd: {  	s9 =	sshrl.u32 s19, $0x3;
	s21 =	sshrl.u32 s20, $0x1;
	s23 =	sshrl.u32 s12, $0x2  }
0xe: {  	[dreg:$0x6] =	wrdreg s11;
	s9 =	sadd.s32 s9, s0;
	s2 =	sadd.s32 s19, s10  }
0xf: {  	s22 =	ssub.s32 s20, s21;
	s10 =	sadd.s32 s23, s3;
	s12 =	sadd.s32 s25, s4  }
0x10: {  	s19 =	simm.s32 $0x20;
	s20 =	simm.s32 $0x200;
	s21 =	simm.s32 $0x2200  }
0x11: {  	s23 =	simm.s32 $0x80;
	s25 =	simm.s32 $0x1200;
	s4 =	simm.s32 $0x4  }
0x12: {  	s2 =	sshrl.u32 s2, $0x3;
	s9 =	sadd.s32 $0xB2600, s9;
	s26 =	smax.u32 s22, $0x1  }
0x13: {  	s13 =	sshrl.u32 s10, $0x3;
	s22 =	simm.s32 $0x4200;
	[dreg:$0x5] =	wrdreg s9  }
0x14: {  	s0 =	sadd.s32 s2, s0;
	[dreg:$0x8] =	wrdreg s26;
	s26 =	simm.s32 $0x3200  }
0x15: {  	s2 =	simm.s32 $0x2;
	[dreg:$0x9] =	wrdreg s13;
	s0 =	sadd.s32 $0xDA600, s0  }
0x16: {  	s9 =	simm.s32 $0x0;
	[dreg:$0x7] =	wrdreg s0;
	s0 =	simm.s32 $0x6200  }
.LBB2_1:
0x17: {  	s10 =	rddreg [dreg:$0x5]  }
0x18: {  	[spmem:s13], [sflag:s11] =	dma.local [hbm:s10], $0x2800  }
0x19: {  	_ =	swait.ge [sflag:s16], $0x2800  }
0x1a: {  	s15 =	simm.s32 $0x7200;
	[sflag:s16] =	ssyncset.done $0x0  }
0x1b: {  	s13 =	simm.s32 $0x0;
	s14 =	rddreg [dreg:$0x4];
	[sflag:s16] =	ssyncadd.s32 $0xFFFFD800  }
0x1c: {  	[tilespmem:s15], [sflag:$0x7] =	stream.linear.gather [hbm4b:s14+s13], $0x80, $0x38;
	[tilespmem:$0x1B280] =	vst v63  }
0x1d: {  	_ =	swait.ge [sflag:s16], $0x80  }
0x1e: {  	[sflag:s16] =	ssyncset.done $0x0  }
0x1f: {  	[sflag:s16] =	ssyncadd.s32 $0xFFFFFF80  }
0x20: {  	[bflag:$0x0] =	sbarrier.arrive $0xFFFF  }
0x21: {  	s10 =	simm.s32 $0x0;
	v0 =	vld [tilespmem:$0x7200]  }
.LBB2_2:
0x22: {  	s11 =	sshll.u32 s10, $0x6  }
0x23: {  	s11 =	sadd.s32 s12, s11  }
0x24: {  	s13 =	sshrl.u32 s11, $0x3  }
0x25: {  	s15 =	simm.s32 $0x0;
	s14 =	sadd.s32 s1, s13  }
0x26: {  	[tilespmem:s15], [sflag:$0x7] =	stream.linear.gather [hbm4b:s14+s15], $0x20, $0x38;
	[tilespmem:$0x1B280] =	vst v63  }
0x27: {  	_ =	swait.ge [sflag:s16], $0x20  }
0x28: {  	[sflag:s16] =	ssyncset.done $0x0  }
0x29: {  	s13 =	sadd.s32 s8, s13;
	[sflag:s16] =	ssyncadd.s32 $0xFFFFFFE0  }
0x2a: {  	[tilespmem:s18], [sflag:$0x7] =	stream.linear.gather [hbm4b:s13+s15], $0x20, $0x38;
	[tilespmem:$0x1B280] =	vst v63  }
0x2b: {  	_ =	swait.ge [sflag:s16], $0x20  }
0x2c: {  	[sflag:s16] =	ssyncset.done $0x0  }
0x2d: {  	[sflag:s16] =	ssyncadd.s32 $0xFFFFFFE0  }
0x2e: {  	[tilespmem:s20], [sflag:$0x1] =	stream.indirect.gather [hbm4b:s6+s19], $0x80, s15, s19, $0xb8;
	[tilespmem:$0x1B280] =	vst v63  }
0x2f: {  	s14 =	sshll.u32 s11, $0x4  }
0x30: {  	[tilespmem:s21], [sflag:$0x3] =	stream.indirect.gather [hbm4b:s5+s19], $0x80, s18, s19, $0xb8;
	[tilespmem:$0x1B280] =	vst v63  }
0x31: {  	s11 =	sadd.s32 $0x20, s11;
	s13 =	sadd.s32 s7, s14  }
0x32: {  	[tilespmem:s22], [sflag:$0x5] =	stream.linear.gather [hbm4b:s13+s15], $0x1000, $0x38;
	[tilespmem:$0x1B280] =	vst v63  }
0x33: {  	s13 =	sshrl.u32 s11, $0x3  }
0x34: {  	s14 =	sadd.s32 s1, s13  }
0x35: {  	[tilespmem:s23], [sflag:$0x7] =	stream.linear.gather [hbm4b:s14+s15], $0x20, $0x38;
	[tilespmem:$0x1B280] =	vst v63  }
0x36: {  	_ =	swait.ge [sflag:s16], $0x20  }
0x37: {  	[sflag:s16] =	ssyncset.done $0x0  }
0x38: {  	s13 =	sadd.s32 s8, s13;
	[sflag:s16] =	ssyncadd.s32 $0xFFFFFFE0  }
0x39: {  	[tilespmem:s24], [sflag:$0x7] =	stream.linear.gather [hbm4b:s13+s15], $0x20, $0x38;
	[tilespmem:$0x1B280] =	vst v63  }
0x3a: {  	_ =	swait.ge [sflag:s16], $0x20  }
0x3b: {  	[sflag:s16] =	ssyncset.done $0x0  }
0x3c: {  	[sflag:s16] =	ssyncadd.s32 $0xFFFFFFE0  }
0x3d: {  	[tilespmem:s25], [sflag:$0x2] =	stream.indirect.gather [hbm4b:s6+s19], $0x80, s23, s19, $0xb8;
	[tilespmem:$0x1B280] =	vst v63  }
0x3e: {  	s11 =	sshll.u32 s11, $0x4  }
0x3f: {  	[tilespmem:s26], [sflag:$0x4] =	stream.indirect.gather [hbm4b:s5+s19], $0x80, s24, s19, $0xb8;
	[tilespmem:$0x1B280] =	vst v63  }
0x40: {  	s11 =	sadd.s32 s7, s11  }
0x41: {  	[tilespmem:s28], [sflag:$0x6] =	stream.linear.gather [hbm4b:s11+s15], $0x1000, $0x38;
	[tilespmem:$0x1B280] =	vst v63  }
0x42: {  	_ =	swait.ge [sflag:s29], $0x1000  }
0x43: {  	[sflag:s29] =	ssyncset.done $0x0  }
0x44: {  	[sflag:s29] =	ssyncadd.s32 $0xFFFFF000  }
0x45: {  	_ =	swait.ge [sflag:s30], $0x1000  }
0x46: {  	[sflag:s30] =	ssyncset.done $0x0  }
0x47: {  	[sflag:s30] =	ssyncadd.s32 $0xFFFFF000  }
0x48: {  	_ =	swait.ge [sflag:s31], $0x1000  }
0x49: {  	[sflag:s31] =	ssyncset.done $0x0  }
0x4a: {  	s14 =	simm.s32 $0x0;
	[sflag:s31] =	ssyncadd.s32 $0xFFFFF000  }
0x4b: {  	v1 =	vld [tilespmem:s14+$0x230]  }
0x4c: {  	v2 =	vld [tilespmem:s14+$0x2230]  }
0x4d: {  	v3 =	vld [tilespmem:s14+$0x4230]  }
0x4e: {  	v4 =	vld [tilespmem:s14+$0x200]  }
0x4f: {  	v7 =	vld [tilespmem:s14+$0x2200]  }
0x50: {  	v9 =	vld [tilespmem:s14+$0x2210]  }
0x51: {  	v5 =	vunpack.i.l.bf16.f32 v1;
	v6 =	vunpack.i.l.bf16.f32 v2  }
0x52: {  	v5 =	vadd.f32 v6, v5  }
0x53: {  	v11 =	vld [tilespmem:s14+$0x4200];
	v8 =	vunpack.i.l.bf16.f32 v3  }
0x54: {  	v10 =	vunpack.i.u.bf16.f32 v4;
	v4 =	vunpack.i.l.bf16.f32 v4;
	v5 =	vadd.f32 v8, v5  }
0x55: {  	v14 =	vunpack.i.l.bf16.f32 v7;
	v7 =	vunpack.i.u.bf16.f32 v7;
	v15 =	vunpack.i.l.bf16.f32 v9;
	v6 =	vld [tilespmem:s14+$0x210]  }
0x56: {  	v13 =	vld [tilespmem:s14+$0x2220];
	v9 =	vunpack.i.u.bf16.f32 v9;
	v1 =	vunpack.i.u.bf16.f32 v1;
	v12 =	vmul.f32 v5, v0  }
0x57: {  	v2 =	vunpack.i.u.bf16.f32 v2;
	v4 =	vadd.f32 v14, v4;
	v8 =	vld [tilespmem:s14+$0x220];
	vm0 =	vge.f32 v5, $0.0e+00  }
0x58: {  	v17 =	vunpack.i.l.bf16.f32 v11;
	v14 =	vld [tilespmem:s14+$0x4210];
	v1 =	vadd.f32 v2, v1;
	v5 =	vsel vm0, v5, v12  }
0x59: {  	v16 =	vld [tilespmem:s14+$0x4220];
	v3 =	vunpack.i.u.bf16.f32 v3;
	v4 =	vadd.f32 v17, v4;
	v5 =	vmul.f32 $1.442695020e+00, v5  }
0x5a: {  	v7 =	vadd.f32 v7, v10;
	v1 =	vadd.f32 v3, v1;
	v12 =	vunpack.i.l.bf16.f32 v6  }
0x5b: {  	v17 =	vmul.f32 v4, v0;
	v12 =	vadd.f32 v15, v12;
	(erf) = vpow2.f32 v5  }
0x5c: {  	v15 =	vunpack.i.l.bf16.f32 v8;
	v5 =	vunpack.i.u.bf16.f32 v8;
	v8 =	vunpack.i.l.bf16.f32 v13  }
0x5d: {  	vm10 =	vge.f32 v4, $0.0e+00;
	v8 =	vadd.f32 v8, v15;
	v15 =	vunpack.i.l.bf16.f32 v14  }
0x5e: {  	v4 =	vsel vm10, v4, v17;
	v12 =	vadd.f32 v15, v12;
	v15 =	vunpack.i.l.bf16.f32 v16  }
0x5f: {  	s13 =	simm.s32 $0x80;
	v6 =	vunpack.i.u.bf16.f32 v6;
	v4 =	vmul.f32 $1.442695020e+00, v4;
	v8 =	vadd.f32 v15, v8  }
0x60: {  	v18 =	vld [tilespmem:s13+$0x2230];
	v9 =	vadd.f32 v9, v6;
	v13 =	vunpack.i.u.bf16.f32 v13;
	v10 =	vmul.f32 v12, v0  }
0x61: {  	v17 =	vld [tilespmem:s13+$0x230];
	v5 =	vadd.f32 v13, v5;
	vm1 =	vge.f32 v12, $0.0e+00;
	v15 =	vmul.f32 v8, v0  }
0x62: {  	v19 =	vld [tilespmem:s13+$0x200];
	(erf) = vpow2.f32 v4;
	vm11 =	vge.f32 v8, $0.0e+00;
	v10 =	vsel vm1, v12, v10  }
0x63: {  	v2 =	vld [tilespmem:s13+$0x4230];
	v4 =	vunpack.i.u.bf16.f32 v11;
	v6 =	vsel vm11, v8, v15;
	v8 =	vmul.f32 $1.442695020e+00, v10  }
0x64: {  	v11 =	vunpack.i.u.bf16.f32 v16;
	v10 =	vld [tilespmem:s13+$0x2200];
	v12 =	vmul.f32 $1.442695020e+00, v6;
	v6 =	vadd.f32 v4, v7;
	v3 =	vpop (erf)  }
0x65: {  	(erf) = vpow2.f32 v8;
	v8 =	vunpack.i.u.bf16.f32 v14;
	[tilespmem:s14+$0x6270] =	vst v3;
	v1 =	vmul.f32 v3, v1  }
0x66: {  	v4 =	vadd.f32 v8, v9;
	v8 =	vunpack.i.l.bf16.f32 v17;
	v9 =	vunpack.i.l.bf16.f32 v18;
	v3 =	vld [tilespmem:s13+$0x210]  }
0x67: {  	v7 =	vadd.f32 v11, v5;
	v13 =	vld [tilespmem:s13+$0x2210];
	v5 =	vadd.f32 v9, v8;
	[tilespmem:s14+$0x6230] =	vst v1  }
0x68: {  	v14 =	vunpack.i.l.bf16.f32 v2;
	(erf) = vpow2.f32 v12;
	v9 =	vunpack.i.l.bf16.f32 v19;
	v11 =	vld [tilespmem:s13+$0x220]  }
0x69: {  	v15 =	vunpack.i.u.bf16.f32 v10;
	v10 =	vunpack.i.l.bf16.f32 v10;
	v12 =	vld [tilespmem:s13+$0x2220];
	v14 =	vadd.f32 v14, v5  }
0x6a: {  	v8 =	vunpack.i.u.bf16.f32 v19;
	v1 =	vld [tilespmem:s13+$0x4200];
	v10 =	vadd.f32 v10, v9  }
0x6b: {  	v16 =	vmul.f32 v14, v0;
	v19 =	vunpack.i.u.bf16.f32 v3;
	v9 =	vunpack.i.l.bf16.f32 v3;
	v3 =	vld [tilespmem:s13+$0x4210]  }
0x6c: {  	v5 =	vld [tilespmem:s13+$0x4220];
	vm12 =	vge.f32 v14, $0.0e+00;
	v20 =	vunpack.i.u.bf16.f32 v13;
	v13 =	vunpack.i.l.bf16.f32 v13  }
0x6d: {  	v13 =	vadd.f32 v13, v9;
	v14 =	vsel vm12, v14, v16  }
0x6e: {  	v21 =	vunpack.i.l.bf16.f32 v11;
	v9 =	vunpack.i.u.bf16.f32 v11;
	v11 =	vunpack.i.l.bf16.f32 v12  }
0x6f: {  	v16 =	vunpack.i.l.bf16.f32 v1;
	v14 =	vmul.f32 $1.442695020e+00, v14;
	v21 =	vadd.f32 v11, v21  }
0x70: {  	v16 =	vadd.f32 v16, v10;
	v11 =	vunpack.i.u.bf16.f32 v12;
	v10 =	vunpack.i.l.bf16.f32 v3  }
0x71: {  	(erf) = vpow2.f32 v14;
	v12 =	vadd.f32 v10, v13;
	v10 =	vunpack.i.l.bf16.f32 v5  }
0x72: {  	v63 =	vunpack.i.u.bf16.f32 v18;
	v22 =	vmul.f32 v16, v0;
	v21 =	vadd.f32 v10, v21  }
0x73: {  	vm13 =	vge.f32 v16, $0.0e+00;
	v13 =	vpop (erf);
	v10 =	vadd.f32 v15, v8;
	v8 =	vmul.f32 v12, v0  }
0x74: {  	[tilespmem:s14+$0x6240] =	vst v13;
	v14 =	vpop (erf);
	v16 =	vsel vm13, v16, v22;
	vm14 =	vge.f32 v12, $0.0e+00;
	v62 =	vmul.f32 v21, v0  }
0x75: {  	[tilespmem:s14+$0x6250] =	vst v14;
	v15 =	vpop (erf);
	v16 =	vmul.f32 $1.442695020e+00, v16;
	vm15 =	vge.f32 v21, $0.0e+00;
	v23 =	vsel vm14, v12, v8  }
0x76: {  	s11 =	simm.s32 $0x100;
	[tilespmem:s14+$0x6260] =	vst v15;
	v12 =	vadd.f32 v20, v19;
	v20 =	vunpack.i.u.bf16.f32 v17;
	v19 =	vsel vm15, v21, v62  }
0x77: {  	s15 =	simm.s32 $0x600;
	v8 =	vld [tilespmem:s11+$0x230];
	v18 =	vmul.f32 $1.442695020e+00, v23;
	v17 =	vmul.f32 $1.442695020e+00, v19;
	v19 =	vadd.f32 v63, v20  }
.LBB2_3:
0x78: {  	p0 =	sne.s32 s15, $0x3E00;
	v20 =	vld [tilespmem:s11+$0x2230];
	v9 =	vadd.f32 v11, v9;
	v2 =	vunpack.i.u.bf16.f32 v2;
	(erf) = vpow2.f32 v16  }
0x79: {  	v1 =	vunpack.i.u.bf16.f32 v1;
	v11 =	vld [tilespmem:s11+$0x200];
	v16 =	vadd.f32 v2, v19;
	(erf) = vpow2.f32 v18  }
0x7a: {  	v3 =	vunpack.i.u.bf16.f32 v3;
	v5 =	vunpack.i.u.bf16.f32 v5;
	v2 =	vld [tilespmem:s11+$0x4230];
	(erf) = vpow2.f32 v17;
	v17 =	vpop (erf)  }
0x7b: {  	v1 =	vadd.f32 v1, v10;
	v3 =	vadd.f32 v3, v12;
	v18 =	vld [tilespmem:s11+$0x2200];
	v10 =	vmul.f32 v17, v16;
	[tilespmem:s13+$0x6270] =	vst v17  }
0x7c: {  	v5 =	vadd.f32 v5, v9;
	v9 =	vmul.f32 v13, v6;
	v13 =	vmul.f32 v14, v4;
	v12 =	vld [tilespmem:s11+$0x210]  }
0x7d: {  	v6 =	vmovc v1;
	v4 =	vmovc v3;
	v16 =	vunpack.i.l.bf16.f32 v8;
	v14 =	vld [tilespmem:s11+$0x2210];
	v17 =	vunpack.i.l.bf16.f32 v20;
	[tilespmem:s13+$0x6230] =	vst v10;
	v10 =	vmul.f32 v15, v7  }
0x7e: {  	v7 =	vmovc v5;
	v19 =	vunpack.i.u.bf16.f32 v11;
	v3 =	vunpack.i.l.bf16.f32 v11;
	v11 =	vld [tilespmem:s11+$0x220];
	v15 =	vadd.f32 v17, v16;
	[tilespmem:s14+$0x6200] =	vst v9  }
0x7f: {  	v16 =	vld [tilespmem:s11+$0x2220];
	v5 =	vunpack.i.l.bf16.f32 v2;
	[tilespmem:s14+$0x6210] =	vst v13  }
0x80: {  	v17 =	vunpack.i.u.bf16.f32 v18;
	v9 =	vunpack.i.l.bf16.f32 v18;
	v1 =	vld [tilespmem:s11+$0x4200];
	v18 =	vadd.f32 v5, v15;
	[tilespmem:s14+$0x6220] =	vst v10;
	s14 =	smov.u32 s13;
	s13 =	smov.u32 s11  }
0x81: {  	v10 =	vadd.f32 v9, v3;
	v21 =	vunpack.i.u.bf16.f32 v12;
	v9 =	vunpack.i.l.bf16.f32 v12;
	v3 =	vld [tilespmem:s13+$0x4210];
	v13 =	vpop (erf)  }
0x82: {  	v12 =	vunpack.i.u.bf16.f32 v14;
	v25 =	vunpack.i.l.bf16.f32 v14;
	v5 =	vld [tilespmem:s13+$0x4220];
	v22 =	vmul.f32 v18, v0;
	[tilespmem:s14+$0x6240] =	vst v13;
	v14 =	vpop (erf)  }
0x83: {  	vm0 =	vge.f32 v18, $0.0e+00;
	v23 =	vadd.f32 v25, v9;
	v24 =	vunpack.i.l.bf16.f32 v11;
	[tilespmem:s14+$0x6250] =	vst v14;
	v15 =	vpop (erf)  }
0x84: {  	v9 =	vunpack.i.u.bf16.f32 v11;
	v11 =	vunpack.i.l.bf16.f32 v16;
	v18 =	vsel vm0, v18, v22;
	[tilespmem:s14+$0x6260] =	vst v15  }
0x85: {  	v22 =	vunpack.i.l.bf16.f32 v1;
	v24 =	vadd.f32 v11, v24;
	v18 =	vmul.f32 $1.442695020e+00, v18  }
0x86: {  	v11 =	vunpack.i.u.bf16.f32 v16;
	v22 =	vadd.f32 v22, v10;
	v10 =	vunpack.i.l.bf16.f32 v3  }
0x87: {  	v23 =	vadd.f32 v10, v23;
	v10 =	vunpack.i.l.bf16.f32 v5;
	(erf) = vpow2.f32 v18  }
0x88: {  	vm0 =	vge.f32 v22, $0.0e+00;
	v16 =	vmul.f32 v22, v0;
	v18 =	vadd.f32 v10, v24  }
.Ltmp0:
0x89: {  	v10 =	vadd.f32 v17, v19;
	vm1 =	vge.f32 v23, $0.0e+00;
	v17 =	vmul.f32 v23, v0;
	(pc) =	sbr.rel @p0 .LBB2_3-.Ltmp0, $4  }
0x8a: {  	v16 =	vsel vm0, v22, v16;
	vm0 =	vge.f32 v18, $0.0e+00;
	v19 =	vmul.f32 v18, v0  }
0x8b: {  	v12 =	vadd.f32 v12, v21;
	v16 =	vmul.f32 $1.442695020e+00, v16;
	v17 =	vsel vm1, v23, v17  }
0x8c: {  	v20 =	vunpack.i.u.bf16.f32 v20;
	s11 =	sshra.s32 s15, $0x2;
	v21 =	vunpack.i.u.bf16.f32 v8;
	v19 =	vsel vm0, v18, v19  }
0x8d: {  	s15 =	sadd.s32 $0x200, s15;
	v18 =	vmul.f32 $1.442695020e+00, v17;
	v8 =	vld [tilespmem:s11+$0x230];
	v17 =	vmul.f32 $1.442695020e+00, v19;
	v19 =	vadd.f32 v20, v21  }
0x8e: {  	v20 =	vld [tilespmem:s11+$0x2230];
	v2 =	vunpack.i.u.bf16.f32 v2  }
0x8f: {  	v21 =	vld [tilespmem:s11+$0x200];
	v2 =	vadd.f32 v2, v19  }
0x90: {  	v22 =	vld [tilespmem:s11+$0x4230];
	v19 =	vpop (erf)  }
0x91: {  	v23 =	vld [tilespmem:s11+$0x2200];
	[tilespmem:s13+$0x6270] =	vst v19;
	v2 =	vmul.f32 v19, v2  }
0x92: {  	v6 =	vmul.f32 v13, v6;
	v19 =	vld [tilespmem:s11+$0x210]  }
0x93: {  	v4 =	vmul.f32 v14, v4;
	v24 =	vld [tilespmem:s11+$0x2210];
	[tilespmem:s13+$0x6230] =	vst v2  }
0x94: {  	v7 =	vmul.f32 v15, v7;
	v13 =	vunpack.i.l.bf16.f32 v8;
	v14 =	vunpack.i.l.bf16.f32 v20;
	v2 =	vld [tilespmem:s11+$0x220];
	[tilespmem:s14+$0x6200] =	vst v6  }
0x95: {  	(erf) = vpow2.f32 v16;
	v6 =	vld [tilespmem:s11+$0x2220];
	[tilespmem:s14+$0x6210] =	vst v4;
	v4 =	vadd.f32 v14, v13  }
0x96: {  	(erf) = vpow2.f32 v18;
	v14 =	vunpack.i.l.bf16.f32 v22;
	v13 =	vld [tilespmem:s11+$0x4200];
	[tilespmem:s14+$0x6220] =	vst v7  }
0x97: {  	v9 =	vadd.f32 v11, v9;
	(erf) = vpow2.f32 v17;
	v4 =	vadd.f32 v14, v4;
	v7 =	vld [tilespmem:s11+$0x4210]  }
0x98: {  	v15 =	vunpack.i.l.bf16.f32 v23;
	v14 =	vunpack.i.l.bf16.f32 v21;
	v17 =	vunpack.i.l.bf16.f32 v19  }
0x99: {  	v16 =	vld [tilespmem:s11+$0x4220];
	v18 =	vunpack.i.l.bf16.f32 v24;
	v14 =	vadd.f32 v15, v14;
	v25 =	vmul.f32 v4, v0  }
0x9a: {  	v15 =	vadd.f32 v18, v17;
	vm0 =	vge.f32 v4, $0.0e+00;
	v17 =	vunpack.i.l.bf16.f32 v2  }
0x9b: {  	v18 =	vunpack.i.l.bf16.f32 v6;
	v4 =	vsel vm0, v4, v25;
	v57 =	vunpack.i.l.bf16.f32 v13  }
0x9c: {  	v17 =	vadd.f32 v18, v17;
	v4 =	vmul.f32 $1.442695020e+00, v4;
	v18 =	vunpack.i.l.bf16.f32 v7  }
0x9d: {  	v14 =	vadd.f32 v57, v14;
	v15 =	vadd.f32 v18, v15  }
0x9e: {  	v1 =	vunpack.i.u.bf16.f32 v1;
	v58 =	vunpack.i.l.bf16.f32 v16;
	(erf) = vpow2.f32 v4  }
0x9f: {  	v4 =	vadd.f32 v58, v17;
	v17 =	vmul.f32 v14, v0;
	v18 =	vmul.f32 v15, v0  }
0xa0: {  	v3 =	vunpack.i.u.bf16.f32 v3;
	vm6 =	vge.f32 v14, $0.0e+00;
	vm7 =	vge.f32 v15, $0.0e+00  }
0xa1: {  	v25 =	vmul.f32 v4, v0;
	v14 =	vsel vm6, v14, v17;
	v15 =	vsel vm7, v15, v18  }
0xa2: {  	vm1 =	vge.f32 v4, $0.0e+00;
	v14 =	vmul.f32 $1.442695020e+00, v14;
	v15 =	vmul.f32 $1.442695020e+00, v15  }
0xa3: {  	v8 =	vunpack.i.u.bf16.f32 v8;
	v17 =	vunpack.i.u.bf16.f32 v20;
	v4 =	vsel vm1, v4, v25  }
0xa4: {  	v8 =	vadd.f32 v17, v8;
	v18 =	vpop (erf);
	v4 =	vmul.f32 $1.442695020e+00, v4;
	(erf) = vpow2.f32 v14  }
0xa5: {  	v1 =	vadd.f32 v1, v10;
	v14 =	vunpack.i.u.bf16.f32 v22;
	v11 =	vpop (erf);
	(erf) = vpow2.f32 v15  }
0xa6: {  	[tilespmem:s13+$0x6240] =	vst v18;
	v8 =	vadd.f32 v14, v8;
	v15 =	vpop (erf);
	(erf) = vpow2.f32 v4;
	v4 =	vunpack.i.u.bf16.f32 v5  }
0xa7: {  	v3 =	vadd.f32 v3, v12;
	v10 =	vunpack.i.u.bf16.f32 v23;
	[tilespmem:s13+$0x6250] =	vst v11;
	v5 =	vpop (erf);
	v4 =	vadd.f32 v4, v9  }
0xa8: {  	v12 =	vunpack.i.u.bf16.f32 v24;
	v1 =	vmul.f32 v18, v1;
	[tilespmem:s13+$0x6260] =	vst v15;
	v8 =	vmul.f32 v5, v8  }
0xa9: {  	v9 =	vunpack.i.u.bf16.f32 v21;
	[tilespmem:s11+$0x6270] =	vst v5;
	v5 =	vunpack.i.u.bf16.f32 v19;
	v4 =	vmul.f32 v15, v4  }
0xaa: {  	v3 =	vmul.f32 v11, v3;
	v5 =	vadd.f32 v12, v5;
	[tilespmem:s11+$0x6230] =	vst v8;
	v8 =	vadd.f32 v10, v9  }
0xab: {  	[tilespmem:s13+$0x6200] =	vst v1;
	v1 =	vunpack.i.u.bf16.f32 v6;
	v6 =	vunpack.i.u.bf16.f32 v13  }
0xac: {  	v2 =	vunpack.i.u.bf16.f32 v2;
	[tilespmem:s13+$0x6210] =	vst v3;
	v3 =	vadd.f32 v6, v8;
	v6 =	vunpack.i.u.bf16.f32 v16  }
0xad: {  	[tilespmem:s13+$0x6220] =	vst v4;
	v1 =	vadd.f32 v1, v2;
	v2 =	vunpack.i.u.bf16.f32 v7;
	v4 =	vpop (erf)  }
0xae: {  	v2 =	vadd.f32 v2, v5;
	[tilespmem:s11+$0x6240] =	vst v4;
	v5 =	vpop (erf)  }
0xaf: {  	v1 =	vadd.f32 v6, v1;
	v3 =	vmul.f32 v4, v3;
	[tilespmem:s11+$0x6250] =	vst v5;
	v6 =	vpop (erf)  }
0xb0: {  	v2 =	vmul.f32 v5, v2;
	[tilespmem:s11+$0x6260] =	vst v6  }
0xb1: {  	v1 =	vmul.f32 v6, v1;
	[tilespmem:s11+$0x6200] =	vst v3  }
0xb2: {  	[tilespmem:s11+$0x6210] =	vst v2  }
0xb3: {  	[tilespmem:s11+$0x6220] =	vst v1  }
0xb4: {  	[spmem:s3] =	stream.indirect.scatter.add.f32 [tilespmem:s0], [sflag:$0x7], $0x80, s18, s19, $0xb8;
	[tilespmem:$0x1B280] =	vst v63  }
0xb5: {  	_ =	swait.ge [sflag:s16], $0x1000  }
0xb6: {  	[sflag:s16] =	ssyncset.done $0x0  }
0xb7: {  	[sflag:s16] =	ssyncadd.s32 $0xFFFFF000  }
0xb8: {  	_ =	swait.ge [sflag:s2], $0x1000  }
0xb9: {  	[sflag:s2] =	ssyncset.done $0x0  }
0xba: {  	[sflag:s2] =	ssyncadd.s32 $0xFFFFF000  }
0xbb: {  	_ =	swait.ge [sflag:s4], $0x1000  }
0xbc: {  	[sflag:s4] =	ssyncset.done $0x0  }
0xbd: {  	[sflag:s4] =	ssyncadd.s32 $0xFFFFF000  }
0xbe: {  	_ =	swait.ge [sflag:s17], $0x1000  }
0xbf: {  	[sflag:s17] =	ssyncset.done $0x0  }
0xc0: {  	s14 =	simm.s32 $0x0;
	[sflag:s17] =	ssyncadd.s32 $0xFFFFF000  }
0xc1: {  	v1 =	vld [tilespmem:s14+$0x1230]  }
0xc2: {  	v2 =	vld [tilespmem:s14+$0x3230]  }
0xc3: {  	v3 =	vld [tilespmem:s14+$0x5230]  }
0xc4: {  	v4 =	vld [tilespmem:s14+$0x1200]  }
0xc5: {  	v7 =	vld [tilespmem:s14+$0x3200]  }
0xc6: {  	v9 =	vld [tilespmem:s14+$0x3210]  }
0xc7: {  	v5 =	vunpack.i.l.bf16.f32 v1;
	v6 =	vunpack.i.l.bf16.f32 v2  }
0xc8: {  	v5 =	vadd.f32 v6, v5  }
0xc9: {  	v11 =	vld [tilespmem:s14+$0x5200];
	v8 =	vunpack.i.l.bf16.f32 v3  }
0xca: {  	v10 =	vunpack.i.u.bf16.f32 v4;
	v4 =	vunpack.i.l.bf16.f32 v4;
	v5 =	vadd.f32 v8, v5  }
0xcb: {  	v14 =	vunpack.i.l.bf16.f32 v7;
	v7 =	vunpack.i.u.bf16.f32 v7;
	v15 =	vunpack.i.l.bf16.f32 v9;
	v6 =	vld [tilespmem:s14+$0x1210]  }
0xcc: {  	v13 =	vld [tilespmem:s14+$0x3220];
	v9 =	vunpack.i.u.bf16.f32 v9;
	v1 =	vunpack.i.u.bf16.f32 v1;
	v12 =	vmul.f32 v5, v0  }
0xcd: {  	v2 =	vunpack.i.u.bf16.f32 v2;
	v4 =	vadd.f32 v14, v4;
	v8 =	vld [tilespmem:s14+$0x1220];
	vm8 =	vge.f32 v5, $0.0e+00  }
0xce: {  	v17 =	vunpack.i.l.bf16.f32 v11;
	v14 =	vld [tilespmem:s14+$0x5210];
	v1 =	vadd.f32 v2, v1;
	v5 =	vsel vm8, v5, v12  }
0xcf: {  	v16 =	vld [tilespmem:s14+$0x5220];
	v3 =	vunpack.i.u.bf16.f32 v3;
	v4 =	vadd.f32 v17, v4;
	v5 =	vmul.f32 $1.442695020e+00, v5  }
0xd0: {  	v7 =	vadd.f32 v7, v10;
	v1 =	vadd.f32 v3, v1;
	v12 =	vunpack.i.l.bf16.f32 v6  }
0xd1: {  	v17 =	vmul.f32 v4, v0;
	v12 =	vadd.f32 v15, v12;
	(erf) = vpow2.f32 v5  }
0xd2: {  	v15 =	vunpack.i.l.bf16.f32 v8;
	v5 =	vunpack.i.u.bf16.f32 v8;
	v8 =	vunpack.i.l.bf16.f32 v13  }
0xd3: {  	vm9 =	vge.f32 v4, $0.0e+00;
	v8 =	vadd.f32 v8, v15;
	v15 =	vunpack.i.l.bf16.f32 v14  }
0xd4: {  	v4 =	vsel vm9, v4, v17;
	v12 =	vadd.f32 v15, v12;
	v15 =	vunpack.i.l.bf16.f32 v16  }
0xd5: {  	s13 =	simm.s32 $0x80;
	v6 =	vunpack.i.u.bf16.f32 v6;
	v4 =	vmul.f32 $1.442695020e+00, v4;
	v8 =	vadd.f32 v15, v8  }
0xd6: {  	v18 =	vld [tilespmem:s13+$0x3230];
	v9 =	vadd.f32 v9, v6;
	v13 =	vunpack.i.u.bf16.f32 v13;
	v10 =	vmul.f32 v12, v0  }
0xd7: {  	v17 =	vld [tilespmem:s13+$0x1230];
	v5 =	vadd.f32 v13, v5;
	vm10 =	vge.f32 v12, $0.0e+00;
	v15 =	vmul.f32 v8, v0  }
0xd8: {  	v19 =	vld [tilespmem:s13+$0x1200];
	(erf) = vpow2.f32 v4;
	vm11 =	vge.f32 v8, $0.0e+00;
	v10 =	vsel vm10, v12, v10  }
0xd9: {  	v2 =	vld [tilespmem:s13+$0x5230];
	v4 =	vunpack.i.u.bf16.f32 v11;
	v6 =	vsel vm11, v8, v15;
	v8 =	vmul.f32 $1.442695020e+00, v10  }
0xda: {  	v11 =	vunpack.i.u.bf16.f32 v16;
	v10 =	vld [tilespmem:s13+$0x3200];
	v12 =	vmul.f32 $1.442695020e+00, v6;
	v6 =	vadd.f32 v4, v7;
	v3 =	vpop (erf)  }
0xdb: {  	(erf) = vpow2.f32 v8;
	v8 =	vunpack.i.u.bf16.f32 v14;
	[tilespmem:s14+$0x6270] =	vst v3;
	v1 =	vmul.f32 v3, v1  }
0xdc: {  	v4 =	vadd.f32 v8, v9;
	v8 =	vunpack.i.l.bf16.f32 v17;
	v9 =	vunpack.i.l.bf16.f32 v18;
	v3 =	vld [tilespmem:s13+$0x1210]  }
0xdd: {  	v7 =	vadd.f32 v11, v5;
	v13 =	vld [tilespmem:s13+$0x3210];
	v5 =	vadd.f32 v9, v8;
	[tilespmem:s14+$0x6230] =	vst v1  }
0xde: {  	v14 =	vunpack.i.l.bf16.f32 v2;
	(erf) = vpow2.f32 v12;
	v9 =	vunpack.i.l.bf16.f32 v19;
	v11 =	vld [tilespmem:s13+$0x1220]  }
0xdf: {  	v15 =	vunpack.i.u.bf16.f32 v10;
	v10 =	vunpack.i.l.bf16.f32 v10;
	v12 =	vld [tilespmem:s13+$0x3220];
	v14 =	vadd.f32 v14, v5  }
0xe0: {  	v8 =	vunpack.i.u.bf16.f32 v19;
	v1 =	vld [tilespmem:s13+$0x5200];
	v10 =	vadd.f32 v10, v9  }
0xe1: {  	v16 =	vmul.f32 v14, v0;
	v19 =	vunpack.i.u.bf16.f32 v3;
	v9 =	vunpack.i.l.bf16.f32 v3;
	v3 =	vld [tilespmem:s13+$0x5210]  }
0xe2: {  	v5 =	vld [tilespmem:s13+$0x5220];
	vm12 =	vge.f32 v14, $0.0e+00;
	v20 =	vunpack.i.u.bf16.f32 v13;
	v13 =	vunpack.i.l.bf16.f32 v13  }
0xe3: {  	v13 =	vadd.f32 v13, v9;
	v14 =	vsel vm12, v14, v16  }
0xe4: {  	v59 =	vunpack.i.l.bf16.f32 v11;
	v9 =	vunpack.i.u.bf16.f32 v11;
	v11 =	vunpack.i.l.bf16.f32 v12  }
0xe5: {  	v16 =	vunpack.i.l.bf16.f32 v1;
	v14 =	vmul.f32 $1.442695020e+00, v14;
	v21 =	vadd.f32 v11, v59  }
0xe6: {  	v16 =	vadd.f32 v16, v10;
	v11 =	vunpack.i.u.bf16.f32 v12;
	v10 =	vunpack.i.l.bf16.f32 v3  }
0xe7: {  	(erf) = vpow2.f32 v14;
	v12 =	vadd.f32 v10, v13;
	v10 =	vunpack.i.l.bf16.f32 v5  }
0xe8: {  	v63 =	vunpack.i.u.bf16.f32 v18;
	v60 =	vmul.f32 v16, v0;
	v21 =	vadd.f32 v10, v21  }
0xe9: {  	vm13 =	vge.f32 v16, $0.0e+00;
	v13 =	vpop (erf);
	v10 =	vadd.f32 v15, v8;
	v8 =	vmul.f32 v12, v0  }
0xea: {  	[tilespmem:s14+$0x6240] =	vst v13;
	v14 =	vpop (erf);
	v16 =	vsel vm13, v16, v60;
	vm14 =	vge.f32 v12, $0.0e+00;
	v61 =	vmul.f32 v21, v0  }
0xeb: {  	[tilespmem:s14+$0x6250] =	vst v14;
	v15 =	vpop (erf);
	v16 =	vmul.f32 $1.442695020e+00, v16;
	vm15 =	vge.f32 v21, $0.0e+00;
	v62 =	vsel vm14, v12, v8  }
0xec: {  	s11 =	simm.s32 $0x100;
	[tilespmem:s14+$0x6260] =	vst v15;
	v12 =	vadd.f32 v20, v19;
	v20 =	vunpack.i.u.bf16.f32 v17;
	v19 =	vsel vm15, v21, v61  }
0xed: {  	s15 =	simm.s32 $0x600;
	v8 =	vld [tilespmem:s11+$0x1230];
	v18 =	vmul.f32 $1.442695020e+00, v62;
	v17 =	vmul.f32 $1.442695020e+00, v19;
	v19 =	vadd.f32 v63, v20  }
.LBB2_5:
0xee: {  	p0 =	sne.s32 s15, $0x3E00;
	v20 =	vld [tilespmem:s11+$0x3230];
	v9 =	vadd.f32 v11, v9;
	v2 =	vunpack.i.u.bf16.f32 v2;
	(erf) = vpow2.f32 v16  }
0xef: {  	v1 =	vunpack.i.u.bf16.f32 v1;
	v11 =	vld [tilespmem:s11+$0x1200];
	v16 =	vadd.f32 v2, v19;
	(erf) = vpow2.f32 v18  }
0xf0: {  	v3 =	vunpack.i.u.bf16.f32 v3;
	v5 =	vunpack.i.u.bf16.f32 v5;
	v2 =	vld [tilespmem:s11+$0x5230];
	(erf) = vpow2.f32 v17;
	v17 =	vpop (erf)  }
0xf1: {  	v1 =	vadd.f32 v1, v10;
	v3 =	vadd.f32 v3, v12;
	v18 =	vld [tilespmem:s11+$0x3200];
	v10 =	vmul.f32 v17, v16;
	[tilespmem:s13+$0x6270] =	vst v17  }
0xf2: {  	v5 =	vadd.f32 v5, v9;
	v9 =	vmul.f32 v13, v6;
	v13 =	vmul.f32 v14, v4;
	v12 =	vld [tilespmem:s11+$0x1210]  }
0xf3: {  	v6 =	vmovc v1;
	v4 =	vmovc v3;
	v16 =	vunpack.i.l.bf16.f32 v8;
	v14 =	vld [tilespmem:s11+$0x3210];
	v17 =	vunpack.i.l.bf16.f32 v20;
	[tilespmem:s13+$0x6230] =	vst v10;
	v10 =	vmul.f32 v15, v7  }
0xf4: {  	v7 =	vmovc v5;
	v19 =	vunpack.i.u.bf16.f32 v11;
	v3 =	vunpack.i.l.bf16.f32 v11;
	v11 =	vld [tilespmem:s11+$0x1220];
	v15 =	vadd.f32 v17, v16;
	[tilespmem:s14+$0x6200] =	vst v9  }
0xf5: {  	v16 =	vld [tilespmem:s11+$0x3220];
	v5 =	vunpack.i.l.bf16.f32 v2;
	[tilespmem:s14+$0x6210] =	vst v13  }
0xf6: {  	v17 =	vunpack.i.u.bf16.f32 v18;
	v9 =	vunpack.i.l.bf16.f32 v18;
	v1 =	vld [tilespmem:s11+$0x5200];
	v18 =	vadd.f32 v5, v15;
	[tilespmem:s14+$0x6220] =	vst v10;
	s14 =	smov.u32 s13;
	s13 =	smov.u32 s11  }
0xf7: {  	v10 =	vadd.f32 v9, v3;
	v21 =	vunpack.i.u.bf16.f32 v12;
	v9 =	vunpack.i.l.bf16.f32 v12;
	v3 =	vld [tilespmem:s13+$0x5210];
	v13 =	vpop (erf)  }
0xf8: {  	v12 =	vunpack.i.u.bf16.f32 v14;
	v25 =	vunpack.i.l.bf16.f32 v14;
	v5 =	vld [tilespmem:s13+$0x5220];
	v22 =	vmul.f32 v18, v0;
	[tilespmem:s14+$0x6240] =	vst v13;
	v14 =	vpop (erf)  }
0xf9: {  	vm0 =	vge.f32 v18, $0.0e+00;
	v23 =	vadd.f32 v25, v9;
	v24 =	vunpack.i.l.bf16.f32 v11;
	[tilespmem:s14+$0x6250] =	vst v14;
	v15 =	vpop (erf)  }
0xfa: {  	v9 =	vunpack.i.u.bf16.f32 v11;
	v11 =	vunpack.i.l.bf16.f32 v16;
	v18 =	vsel vm0, v18, v22;
	[tilespmem:s14+$0x6260] =	vst v15  }
0xfb: {  	v22 =	vunpack.i.l.bf16.f32 v1;
	v24 =	vadd.f32 v11, v24;
	v18 =	vmul.f32 $1.442695020e+00, v18  }
0xfc: {  	v11 =	vunpack.i.u.bf16.f32 v16;
	v22 =	vadd.f32 v22, v10;
	v10 =	vunpack.i.l.bf16.f32 v3  }
0xfd: {  	v23 =	vadd.f32 v10, v23;
	v10 =	vunpack.i.l.bf16.f32 v5;
	(erf) = vpow2.f32 v18  }
0xfe: {  	vm0 =	vge.f32 v22, $0.0e+00;
	v16 =	vmul.f32 v22, v0;
	v18 =	vadd.f32 v10, v24  }
.Ltmp1:
0xff: {  	v10 =	vadd.f32 v17, v19;
	vm1 =	vge.f32 v23, $0.0e+00;
	v17 =	vmul.f32 v23, v0;
	(pc) =	sbr.rel @p0 .LBB2_5-.Ltmp1, $4  }
0x100: {  	v16 =	vsel vm0, v22, v16;
	vm0 =	vge.f32 v18, $0.0e+00;
	v19 =	vmul.f32 v18, v0  }
0x101: {  	v12 =	vadd.f32 v12, v21;
	v16 =	vmul.f32 $1.442695020e+00, v16;
	v17 =	vsel vm1, v23, v17  }
0x102: {  	v20 =	vunpack.i.u.bf16.f32 v20;
	s11 =	sshra.s32 s15, $0x2;
	v21 =	vunpack.i.u.bf16.f32 v8;
	v19 =	vsel vm0, v18, v19  }
0x103: {  	s15 =	sadd.s32 $0x200, s15;
	v18 =	vmul.f32 $1.442695020e+00, v17;
	v8 =	vld [tilespmem:s11+$0x1230];
	v17 =	vmul.f32 $1.442695020e+00, v19;
	v19 =	vadd.f32 v20, v21  }
0x104: {  	v20 =	vld [tilespmem:s11+$0x3230];
	v2 =	vunpack.i.u.bf16.f32 v2  }
0x105: {  	v21 =	vld [tilespmem:s11+$0x1200];
	v2 =	vadd.f32 v2, v19  }
0x106: {  	v22 =	vld [tilespmem:s11+$0x5230];
	v62 =	vpop (erf)  }
0x107: {  	v23 =	vld [tilespmem:s11+$0x3200];
	[tilespmem:s13+$0x6270] =	vst v62;
	v2 =	vmul.f32 v62, v2  }
0x108: {  	v6 =	vmul.f32 v13, v6;
	v63 =	vld [tilespmem:s11+$0x1210]  }
0x109: {  	v4 =	vmul.f32 v14, v4;
	v24 =	vld [tilespmem:s11+$0x3210];
	v28 =	vunpack.i.l.bf16.f32 v8;
	[tilespmem:s13+$0x6230] =	vst v2;
	v29 =	vunpack.i.l.bf16.f32 v20  }
0x10a: {  	v7 =	vmul.f32 v15, v7;
	v2 =	vld [tilespmem:s11+$0x1220];
	[tilespmem:s14+$0x6200] =	vst v6;
	v30 =	vadd.f32 v29, v28  }
0x10b: {  	v32 =	vunpack.i.l.bf16.f32 v22;
	v6 =	vld [tilespmem:s11+$0x3220];
	[tilespmem:s14+$0x6210] =	vst v4  }
0x10c: {  	(erf) = vpow2.f32 v16;
	v31 =	vld [tilespmem:s11+$0x5200];
	[tilespmem:s14+$0x6220] =	vst v7;
	v4 =	vadd.f32 v32, v30  }
0x10d: {  	(erf) = vpow2.f32 v18;
	v33 =	vunpack.i.l.bf16.f32 v21;
	v34 =	vunpack.i.l.bf16.f32 v23;
	v7 =	vld [tilespmem:s11+$0x5210]  }
0x10e: {  	(erf) = vpow2.f32 v17;
	v14 =	vadd.f32 v34, v33;
	v35 =	vld [tilespmem:s11+$0x5220];
	v25 =	vmul.f32 v4, v0  }
0x10f: {  	v36 =	vunpack.i.l.bf16.f32 v63;
	v37 =	vunpack.i.l.bf16.f32 v24;
	vm0 =	vge.f32 v4, $0.0e+00  }
0x110: {  	v38 =	vadd.f32 v37, v36;
	v39 =	vunpack.i.l.bf16.f32 v2;
	v4 =	vsel vm0, v4, v25  }
0x111: {  	v40 =	vunpack.i.l.bf16.f32 v6;
	v41 =	vunpack.i.l.bf16.f32 v31;
	v4 =	vmul.f32 $1.442695020e+00, v4  }
0x112: {  	v17 =	vadd.f32 v40, v39;
	v14 =	vadd.f32 v41, v14;
	v42 =	vunpack.i.l.bf16.f32 v7  }
0x113: {  	v43 =	vunpack.i.l.bf16.f32 v35;
	v15 =	vadd.f32 v42, v38;
	(erf) = vpow2.f32 v4  }
0x114: {  	v44 =	vadd.f32 v43, v17;
	v45 =	vmul.f32 v14, v0  }
0x115: {  	v46 =	vunpack.i.u.bf16.f32 v8;
	vm14 =	vge.f32 v14, $0.0e+00;
	v18 =	vmul.f32 v15, v0  }
0x116: {  	v25 =	vmul.f32 v44, v0;
	vm15 =	vge.f32 v15, $0.0e+00;
	v14 =	vsel vm14, v14, v45  }
0x117: {  	vm1 =	vge.f32 v44, $0.0e+00;
	v15 =	vsel vm15, v15, v18;
	v14 =	vmul.f32 $1.442695020e+00, v14  }
0x118: {  	v47 =	vunpack.i.u.bf16.f32 v20;
	v4 =	vsel vm1, v44, v25;
	v15 =	vmul.f32 $1.442695020e+00, v15  }
0x119: {  	v8 =	vadd.f32 v47, v46;
	v48 =	vpop (erf);
	v4 =	vmul.f32 $1.442695020e+00, v4;
	(erf) = vpow2.f32 v14  }
0x11a: {  	v9 =	vadd.f32 v11, v9;
	v50 =	vunpack.i.u.bf16.f32 v22;
	v49 =	vpop (erf);
	(erf) = vpow2.f32 v15  }
0x11b: {  	v1 =	vunpack.i.u.bf16.f32 v1;
	v8 =	vadd.f32 v50, v8;
	[tilespmem:s13+$0x6240] =	vst v48;
	v51 =	vpop (erf);
	(erf) = vpow2.f32 v4  }
0x11c: {  	v3 =	vunpack.i.u.bf16.f32 v3;
	v52 =	vunpack.i.u.bf16.f32 v5;
	v1 =	vadd.f32 v1, v10;
	[tilespmem:s13+$0x6250] =	vst v49;
	v53 =	vpop (erf)  }
0x11d: {  	v3 =	vadd.f32 v3, v12;
	v54 =	vunpack.i.u.bf16.f32 v21;
	[tilespmem:s13+$0x6260] =	vst v51;
	v8 =	vmul.f32 v53, v8  }
0x11e: {  	v55 =	vunpack.i.u.bf16.f32 v23;
	v1 =	vmul.f32 v48, v1;
	v4 =	vadd.f32 v52, v9;
	[tilespmem:s11+$0x6270] =	vst v53  }
0x11f: {  	v56 =	vunpack.i.u.bf16.f32 v63;
	v57 =	vunpack.i.u.bf16.f32 v24;
	v3 =	vmul.f32 v49, v3;
	[tilespmem:s11+$0x6230] =	vst v8  }
0x120: {  	v58 =	vadd.f32 v55, v54;
	v5 =	vadd.f32 v57, v56;
	v4 =	vmul.f32 v51, v4;
	[tilespmem:s13+$0x6200] =	vst v1  }
0x121: {  	v2 =	vunpack.i.u.bf16.f32 v2;
	v59 =	vunpack.i.u.bf16.f32 v31;
	v1 =	vunpack.i.u.bf16.f32 v6;
	[tilespmem:s13+$0x6210] =	vst v3  }
0x122: {  	v3 =	vadd.f32 v59, v58;
	[tilespmem:s13+$0x6220] =	vst v4;
	v1 =	vadd.f32 v1, v2;
	v2 =	vunpack.i.u.bf16.f32 v7;
	v60 =	vpop (erf)  }
0x123: {  	v61 =	vunpack.i.u.bf16.f32 v35;
	v2 =	vadd.f32 v2, v5;
	[tilespmem:s11+$0x6240] =	vst v60;
	v62 =	vpop (erf)  }
0x124: {  	v1 =	vadd.f32 v61, v1;
	v3 =	vmul.f32 v60, v3;
	[tilespmem:s11+$0x6250] =	vst v62;
	v63 =	vpop (erf)  }
0x125: {  	v2 =	vmul.f32 v62, v2;
	[tilespmem:s11+$0x6260] =	vst v63  }
0x126: {  	s10 =	sadd.s32 $0x1, s10;
	v1 =	vmul.f32 v63, v1;
	[tilespmem:s11+$0x6200] =	vst v3  }
0x127: {  	p0 =	sne.s32 s10, $0xA0;
	[tilespmem:s11+$0x6210] =	vst v2  }
.Ltmp2:
0x128: {  	[tilespmem:s11+$0x6220] =	vst v1;
	(pc) =	sbr.rel @p0 .LBB2_2-.Ltmp2, $4  }
0x129: {  	[spmem:s3] =	stream.indirect.scatter.add.f32 [tilespmem:s0], [sflag:$0x7], $0x80, s24, s19, $0xb8;
	[tilespmem:$0x1B280] =	vst v63  }
0x12a: {  	_ =	swait.ge [sflag:s16], $0x1000  }
0x12b: {  	[sflag:s16] =	ssyncset.done $0x0  }
0x12c: {  	[sflag:s16] =	ssyncadd.s32 $0xFFFFF000  }
0x12d: {  	[bflag:$0x0] =	sbarrier.arrive $0xFFFF  }
0x12e: {  	s11 =	rddreg [dreg:$0x6]  }
0x12f: {  	s10 =	rddreg [dreg:$0x7]  }
0x130: {  	s13 =	rddreg [dreg:$0x9]  }
0x131: {  	[hbm:s10], [sflag:s11] =	dma.local [spmem:s13], $0x2800  }
0x132: {  	_ =	swait.ge [sflag:s16], $0x2800  }
0x133: {  	s9 =	sadd.s32 $0x1, s9;
	s15 =	rddreg [dreg:$0x8]  }
0x134: {  	p0 =	sne.s32 s9, s15  }
.Ltmp3:
0x135: {  	_ = 	snop;
	(pc) =	sbr.rel @p0 .LBB2_1-.Ltmp3, $3  }
0x136: {  	_ =	sdelay $0x1  }
0x137: {  	[sflag:s16] =	ssyncset.done $0x0  }
0x138: {  	[sflag:s16] =	ssyncadd.s32 $0xFFFFD800  }
0x139: {  	_ =	sfence.sel $0x180000  }
0x13a: {  	[bflag:$0x0] =	sbarrier.arrive $0xFFFF  }
0x13b: {  	_ =	strace $0x90000047  }
0x13c: {  	s0 =	stileid.u32;
	[bflag:$0x2] =	sbarrier.arrive $0xFFFF  }
0x13d: {  	p0 =	sne.s32 s0, $0x0;
	s0 =	rddreg [dreg:$0x3]  }
0x13e: {  	s0 =	sadd.s32 @!p0 $0x100000, s0  }
0x13f: {  	[sflag:s0] =	ssyncadd.tile.s32 @!p0 $0x1;
	_ =	shalt  }
.Lfunc_end2:
_tile_overlayer_lowered:
.L_overlay_start_2:
0x140: {  	(tag) =	ssettag $0x2  }
0x141: {  	s0 =	rddreg [dreg:$0x0];
	s2 =	stileid.u32  }
0x142: {  	s1 =	rddreg [dreg:$0x1];
	p0 =	sne.s32 s2, $0x0  }
0x143: {  	s3 =	rddreg [dreg:$0x2];
	[bflag:$0x3] =	sbarrier.arrive $0xFFFF;
	s2 =	simm.s32 @!p0 $0x1C07  }
0x144: {  	[timem:s3], [sflag:s2] =	dma.local @!p0 [hbm:s0], s1  }
0x145: {  	s0 =	simm.s32 @!p0 $0x7  }
0x146: {  	_ =	swait.ge @!p0 [sflag:s0], s1  }
0x147: {  	s1 =	ssub.s32 @!p0 $0x0, s1;
	[sflag:s0] =	ssyncset.done @!p0 $0x0  }
0x148: {  	[sflag:s0] =	ssyncadd.s32 @!p0 s1  }
0x149: {  	[bflag:$0x3] =	sbarrier.arrive $0xFFFF  }
0x14a: {  	_ =	shalt  }

// kernel: _impl.7.cloned.1.call-start
scs
__scs_entry_jumppad:
0x0: {  	(pc) =	sbr.rel $0x88, $3  }
0x1: {  	(tag) =	ssettag $0x0;
	lr =	simm.s32 $0x1  }
0x2: {  	[smem:$0x3F98] =	sst lr;
	_ =	strace $0xD0000000  }
0x3: {  	_ = 	snop  }
0x4: {  	_ = 	snop  }
0x5: {  	_ = 	snop  }
0x6: {  	_ = 	snop  }
0x7: {  	_ = 	snop  }
__scs_overlays_trampoline_lowered:
0x8: {  	[smem:$0x3FA7] =	sst s0  }
0x9: {  	[smem:$0x3FA8] =	sst s1  }
0xa: {  	[smem:$0x3FA9] =	sst s2  }
0xb: {  	[smem:$0x3FAA] =	sst s3  }
0xc: {  	[smem:$0x3FAB] =	sst s4  }
0xd: {  	[smem:$0x3FAC] =	sst s5  }
0xe: {  	[smem:$0x3FAD] =	sst s6  }
0xf: {  	[smem:$0x3FAE] =	sst s7  }
0x10: {  	[smem:$0x3FAF] =	sst s8  }
0x11: {  	[smem:$0x3FB0] =	sst s9;
	s0 =	simm.s32 @!p0 $0x0  }
0x12: {  	s1 =	sld [smem:$0x3F96];
	s0 =	simm.s32 @p0 $0x1  }
0x13: {  	[smem:$0x3FB1] =	sst s0;
	s0 =	simm.s32 @!p1 $0x0  }
0x14: {  	s2 =	sld [smem:$0x3F95];
	s0 =	simm.s32 @p1 $0x1  }
0x15: {  	[smem:$0x3FB2] =	sst s0;
	s0 =	simm.s32 @!p2 $0x0  }
0x16: {  	s3 =	sld [smem:$0x3FDB];
	s0 =	simm.s32 @p2 $0x1  }
0x17: {  	s4 =	simm.s32 $0x1BF5;
	[smem:$0x3FB4] =	sst s0  }
0x18: {  	s0 =	sld [smem:$0x3F97];
	_ =	swait.ge [sflag:s4], $0x0  }
0x19: {  	s7 =	sld [smem:$0x3F98]  }
0x1a: {  	s8 =	sadd.s32 $0xFFFFE003, lr  }
0x1b: {  	s9 =	sadd.s32 $0xFFFFFEF7, lr;
	s5 =	simm.s32 $0xFFFFFFFF;
	p2 =	slt.u32 s8, $0xFFFFF086  }
0x1c: {  	p1 =	slt.u32 s9, $0xF7A;
	s5 =	simm.s32 @!p2 $0x0  }
0x1d: {  	s5 =	simm.s32 @p1 $0x1;
	p0 =	seq.s32 s7, s2  }
0x1e: {  	s7 =	smul.u32 @!p0 $0xF7A, s2;
	p2 =	seq.s32 @!p0 s5, $0x0  }
0x1f: {  	s9 =	smul.u32 $0xF7A, s1;
	s8 =	simm.s32 @!p0 $0x1BF5;
	p2 =	por !p2, p0  }
0x20: {  	[sflag:s8] =	ssyncset.s32 @!p0 $0xFFFFF086;
	s6 =	sadd.s32 @!p0 s3, s7;
	s7 =	simm.s32 @!p0 $0x108  }
0x21: {  	s3 =	sadd.s32 s3, s9;
	s6 =	sadd.s32 @!p0 $0x88, s6;
	s7 =	simm.s32 @p2 $0x1082  }
0x22: {  	[simem:s7], [sflag:s8] =	dma.local @!p0 [hbm:s6], $0xF7A  }
0x23: {  	s9 =	sor.u32 $0xD0000000, s2;
	s6 =	simm.s32 $0x108;
	_ =	swait.ge @!p0 [sflag:s8], $0x0  }
0x24: {  	s3 =	sadd.s32 $0x88, s3;
	s6 =	simm.s32 @!p1 $0x1082;
	[sflag:s4] =	ssyncset.s32 $0xFFFFF086  }
0x25: {  	[simem:s6], [sflag:s4] =	dma.local [hbm:s3], $0xF7A  }
0x26: {  	[smem:$0x3F98] =	sst s1;
	(tag) =	ssettag s2;
	_ =	strace s9  }
0x27: {  	s1 =	sld [smem:$0x3FA8]  }
0x28: {  	s2 =	sld [smem:$0x3FA9]  }
0x29: {  	s4 =	sld [smem:$0x3FAB]  }
0x2a: {  	p0 =	seq.s32 s5, $0x0;
	s5 =	sld [smem:$0x3FAC]  }
0x2b: {  	s6 =	sld [smem:$0x3FAD]  }
0x2c: {  	s7 =	sld [smem:$0x3FAE]  }
0x2d: {  	s3 =	simm.s32 $0x108;
	s8 =	sld [smem:$0x3FAF]  }
0x2e: {  	s3 =	simm.s32 @!p0 $0x1082;
	s9 =	sld [smem:$0x3FB0]  }
0x2f: {  	lr =	sadd.s32 s0, s3;
	s0 =	sld [smem:$0x3FA7]  }
0x30: {  	s3 =	sld [smem:$0x3FAA]  }
0x31: {  	[smem:$0x3FB3] =	sst s10  }
0x32: {  	s10 =	sld [smem:$0x3FB1];
	_ =	sdelay $0x3  }
0x33: {  	p0 =	seq.s32 s10, $0x1;
	s10 =	sld [smem:$0x3FB3];
	_ =	sdelay $0x3  }
0x34: {  	[smem:$0x3FB3] =	sst s10  }
0x35: {  	s10 =	sld [smem:$0x3FB2];
	_ =	sdelay $0x3  }
0x36: {  	p1 =	seq.s32 s10, $0x1;
	s10 =	sld [smem:$0x3FB3];
	_ =	sdelay $0x3  }
0x37: {  	[smem:$0x3FB3] =	sst s10  }
0x38: {  	s10 =	sld [smem:$0x3FB4]  }
0x39: {  	_ = 	snop;
	(pc) =	sbr.ind lr, $3  }
0x3a: {  	_ = 	snop  }
0x3b: {  	_ = 	snop  }
0x3c: {  	p2 =	seq.s32 s10, $0x1;
	s10 =	sld [smem:$0x3FB3]  }
0x3d: {  	_ =	shalt  }
0x3e: {  	_ =	shalt  }
0x3f: {  	_ =	shalt  }
0x40: {  	_ =	shalt  }
0x41: {  	_ =	shalt  }
0x42: {  	_ =	shalt  }
0x43: {  	_ =	shalt  }
0x44: {  	_ =	shalt  }
0x45: {  	_ =	shalt  }
0x46: {  	_ =	shalt  }
0x47: {  	_ =	shalt  }
0x48: {  	_ =	shalt  }
0x49: {  	_ =	shalt  }
0x4a: {  	_ =	shalt  }
0x4b: {  	_ =	shalt  }
0x4c: {  	_ =	shalt  }
0x4d: {  	_ =	shalt  }
0x4e: {  	_ =	shalt  }
0x4f: {  	_ =	shalt  }
0x50: {  	_ =	shalt  }
0x51: {  	_ =	shalt  }
0x52: {  	_ =	shalt  }
0x53: {  	_ =	shalt  }
0x54: {  	_ =	shalt  }
0x55: {  	_ =	shalt  }
0x56: {  	_ =	shalt  }
0x57: {  	_ =	shalt  }
0x58: {  	_ =	shalt  }
0x59: {  	_ =	shalt  }
0x5a: {  	_ =	shalt  }
0x5b: {  	_ =	shalt  }
0x5c: {  	_ =	shalt  }
0x5d: {  	_ =	shalt  }
0x5e: {  	_ =	shalt  }
0x5f: {  	_ =	shalt  }
0x60: {  	_ =	shalt  }
0x61: {  	_ =	shalt  }
0x62: {  	_ =	shalt  }
0x63: {  	_ =	shalt  }
0x64: {  	_ =	shalt  }
0x65: {  	_ =	shalt  }
0x66: {  	_ =	shalt  }
0x67: {  	_ =	shalt  }
0x68: {  	_ =	shalt  }
0x69: {  	_ =	shalt  }
0x6a: {  	_ =	shalt  }
0x6b: {  	_ =	shalt  }
0x6c: {  	_ =	shalt  }
0x6d: {  	_ =	shalt  }
0x6e: {  	_ =	shalt  }
0x6f: {  	_ =	shalt  }
0x70: {  	_ =	shalt  }
0x71: {  	_ =	shalt  }
0x72: {  	_ =	shalt  }
0x73: {  	_ =	shalt  }
0x74: {  	_ =	shalt  }
0x75: {  	_ =	shalt  }
0x76: {  	_ =	shalt  }
0x77: {  	_ =	shalt  }
0x78: {  	_ =	shalt  }
0x79: {  	_ =	shalt  }
0x7a: {  	_ =	shalt  }
0x7b: {  	_ =	shalt  }
0x7c: {  	_ =	shalt  }
0x7d: {  	_ =	shalt  }
0x7e: {  	_ =	shalt  }
0x7f: {  	_ =	shalt  }
0x80: {  	_ =	shalt  }
0x81: {  	_ =	shalt  }
0x82: {  	_ =	shalt  }
0x83: {  	_ =	shalt  }
0x84: {  	_ =	shalt  }
0x85: {  	_ =	shalt  }
0x86: {  	_ =	shalt  }
0x87: {  	_ =	shalt  }
.Lfunc_end0:
.L_simem_size_0:
called_computation_lowered:
.L_overlay_start_0:
0x88: {  	s2 =	sld [smem:$0x3FD9]  }
0x89: {  	s3 =	sld [smem:$0x3FFE];
	_ =	sdelay $0x1  }
0x8a: {  	s1 =	srdreg.scid  }
0x8b: {  	s0 =	sand.u32 $0x1, s1  }
0x8c: {  	s15 =	sshll.u32 s0, $0xA;
	s2 =	sadd.s32 s3, s2  }
0x8d: {  	s2 =	sadd.s32 s2, s15  }
0x8e: {  	[smem:$0x3FBF] =	sst s2  }
0x8f: {  	_ = 	snop  }
0x90: {  	s2 =	sld [smem:$0x3FD0];
	_ =	sdelay $0x2  }
0x91: {  	s4 =	simm.s32 $0xB;
	s16 =	simm.s32 $0x10  }
0x92: {  	[smem:s16], [sflag:s4] =	dma.local [hbm:s2], $0x1  }
0x93: {  	_ =	swait.eq [sflag:s4], $0x1  }
0x94: {  	[sflag:s4] =	ssyncset.done $0x0  }
0x95: {  	s17 =	sld [smem:$0x10];
	[sflag:s4] =	ssyncadd.s32 $0xFFFFFFFF  }
0x96: {  	s18 =	sld [smem:$0x11];
	(tm) =	ssettm $0x1  }
0x97: {  	s19 =	sld [smem:$0x3FFB];
	_ =	sdelay $0x3  }
0x98: {  	_ =	strace s19  }
0x99: {  	s2 =	sld [smem:$0x3FFC];
	_ =	sdelay $0x3  }
0x9a: {  	_ =	strace s2  }
0x9b: {  	s2 =	sld [smem:$0x3FFD];
	_ =	sdelay $0x3  }
0x9c: {  	_ =	strace s2  }
0x9d: {  	_ =	strace $0x8FFFFFFF  }
0x9e: {  	s20 =	sld [smem:$0x3FDB];
	_ =	sdelay $0x1  }
0x9f: {  	s5 =	simm.s32 $_scs_section_size  }
0xa0: {  	s6 =	simm.s32 $_size__tile_overlayer_lowered;
	s7 =	simm.s32 $_tile_overlayer_lowered  }
0xa1: {  	s8 =	simm.s32 $0x1BFF;
	s21 =	sshll.u32 s7, $0x1;
	s5 =	sadd.s32 s5, s20  }
0xa2: {  	s22 =	simm.s32 $0x0;
	s6 =	sshll.u32 s6, $0x1;
	s7 =	sadd.s32 s21, s5  }
0xa3: {  	[timem:s22], [sflag:s8] =	dma.local [hbm:s7], s6  }
0xa4: {  	_ =	swait.ge [sflag:s8], s6  }
0xa5: {  	s6 =	ssub.s32 $0x0, s6;
	[sflag:s8] =	ssyncset.done $0x0  }
0xa6: {  	[sflag:s8] =	ssyncadd.s32 s6;
	_ =	sdelay $0x1  }
0xa7: {  	s23 =	simm.s32 $0x1B8B  }
0xa8: {  	_ =	swait.ge [sflag:s23], $0x1  }
0xa9: {  	[sflag:s23] =	ssyncset.done $0x0  }
0xaa: {  	[sflag:s23] =	ssyncadd.s32 $0xFFFFFFFF  }
0xab: {  	s6 =	sld [smem:$0x0]  }
0xac: {  	s7 =	sand.u32 $0xFFFFFFFE, s1  }
0xad: {  	p0 =	sne.s32 s1, s7  }
0xae: {  	s7 =	sshll.u32 @p0 s7, $0xE  }
0xaf: {  	s7 =	sadd.s32 @p0 $0x11B8D, s7;
	s8 =	sshll.u32 @p0 s6, $0x11  }
0xb0: {  	s7 =	sor.u32 @p0 s8, s7  }
0xb1: {  	[sflag:s7] =	ssyncadd.remote.s32 @p0 $0x1;
	_ =	sdelay $0x1  }
0xb2: {  	s7 =	simm.s32 @p0 $0x1B8D  }
0xb3: {  	_ =	swait.eq @p0 [sflag:s7], $0x1  }
0xb4: {  	[sflag:s7] =	ssyncadd.s32 @p0 $0xFFFFFFFF  }
0xb5: {  	s8 =	sshll.u32 @!p0 s1, $0xE  }
0xb6: {  	s8 =	sor.u32 @!p0 $0x4000, s8;
	s7 =	simm.s32 @!p0 $0x1B8D  }
0xb7: {  	s6 =	sshll.u32 @!p0 s6, $0x11;
	s8 =	sadd.s32 @!p0 $0x11B8D, s8;
	_ =	swait.eq @!p0 [sflag:s7], $0x1  }
0xb8: {  	s6 =	sor.u32 @!p0 s6, s8;
	[sflag:s7] =	ssyncadd.s32 @!p0 $0xFFFFFFFF  }
0xb9: {  	s25 =	simm.s32 $0x1B8E;
	s24 =	sld [smem:$0x3FFE];
	[sflag:s6] =	ssyncadd.remote.s32 @!p0 $0x1  }
0xba: {  	s26 =	simm.s32 $execute0_lowered;
	[smem:$0x3FD2] =	sst s25  }
0xbb: {  	s7 =	sshll.u32 s26, $0x1;
	_ =	strace $0x80000049;
	[dreg:$0x1] =	wrdreg $0xFFFFFFFF  }
0xbc: {  	s28 =	simm.s32 $_size_execute0_lowered;
	s5 =	sadd.s32 s5, s7;
	[dreg:$0x0] =	wrdreg $0x0  }
0xbd: {  	s7 =	sshll.u32 s28, $0x1;
	[dreg:$0x2] =	wrdreg s5  }
0xbe: {  	[dreg:$0x3] =	wrdreg s7  }
0xbf: {  	[dreg:$0x4] =	wrdreg $0xC0  }
0xc0: {  	_ =	task [dreg:s22], $0x5FFFF  }
0xc1: {  	[dreg:$0x1] =	wrdreg $0xFFFFFFFF  }
0xc2: {  	[dreg:$0x0] =	wrdreg $0x60  }
0xc3: {  	[dreg:$0x2] =	wrdreg s24  }
0xc4: {  	[dreg:$0x3] =	wrdreg s17  }
0xc5: {  	[dreg:$0x4] =	wrdreg s18  }
0xc6: {  	[dreg:$0x5] =	wrdreg $0x82800  }
0xc7: {  	[dreg:$0x6] =	wrdreg $0x9  }
0xc8: {  	_ =	task.clear_ibuf [dreg:s22], $0x7FFFF;
	_ =	strace $0x90000049  }
0xc9: {  	s29 =	simm.s32 $0x9;
	_ =	strace $0x8000004B  }
0xca: {  	_ =	swait.ge [sflag:s29], $0x1  }
0xcb: {  	[sflag:s29] =	ssyncadd.s32 $0xFFFFFFFF  }
0xcc: {  	_ =	strace $0x9000004B  }
0xcd: {  	_ =	sfence  }
0xce: {  	s30 =	sld [smem:$0x0];
	_ =	sdelay $0x2  }
0xcf: {  	s31 =	sshll.u32 s1, $0xD;
	s1 =	sshrl.u32 s1, $0x2  }
0xd0: {  	s4 =	sand.u32 $0x4000, s31;
	s1 =	sadd.s32 s1, s30  }
0xd1: {  	s0 =	sor.u32 s4, s0;
	s1 =	sshll.u32 s1, $0x11  }
0xd2: {  	s0 =	sor.u32 s1, s0  }
0xd3: {  	s0 =	sadd.s32 $0x8F2B, s0  }
0xd4: {  	[sflag:s0] =	ssyncadd.remote.s32 $0x1  }
0xd5: {  	_ =	sfence.sel $0xFFFF  }
0xd6: {  	[dreg:$0x0] =	wrdreg $0xFFFFFFFF;
	(pc) =	sbr.abs _section_cstart, $3  }
0xd7: {  	[dreg:$0x1] =	wrdreg $0xFFFFFFFF  }
0xd8: {  	_ =	task.clear_ibuf [dreg:s22], $0x2FFFF;
	_ =	strace $0x9FFFFFFF  }
0xd9: {  	(tm) =	ssettm $0x7FFFFFFF  }
tec
execute0_lowered:
.L_overlay_start_1:
0x0: {  	(tag) =	ssettag $0x1  }
0x1: {  	s0 =	rddreg [dreg:$0x0]  }
0x2: {  	s1 =	rddreg [dreg:$0x1]  }
0x3: {  	s2 =	rddreg [dreg:$0x2]  }
0x4: {  	s3 =	rddreg [dreg:$0x3];
	s4 =	simm.s32 $0x0;
	s15 =	stileid.u32  }
0x5: {  	s10 =	srdreg.scid;
	s17 =	simm.s32 $0x7;
	s19 =	simm.s32 $0x100  }
0x6: {  	s20 =	simm.s32 $0x20;
	s28 =	simm.s32 $0x3200;
	s29 =	simm.s32 $0x5200  }
0x7: {  	s30 =	simm.s32 $0x1;
	s31 =	simm.s32 $0x3;
	s18 =	simm.s32 $0x7280  }
0x8: {  	s16 =	simm.s32 $0x0;
	[smem:$0x7FF] =	sst s4;
	s22 =	smul.u32 $0x14000, s15  }
0x9: {  	s5 =	sadd.s32 $0x62600, s0;
	s6 =	sadd.s32 $0x8A600, s0;
	s7 =	sadd.s32 $0xEEA600, s0  }
0xa: {  	s8 =	sadd.s32 $0x8600, s0;
	s11 =	sadd.s32 $0x3800, s0;
	s12 =	smul.u32 $0x50000, s15  }
0xb: {  	s23 =	sand.u32 $0x1, s10;
	s10 =	sadd.s32 $0x12A600, s0;
	s25 =	smul.u32 $0x2800, s15  }
0xc: {  	s26 =	sshll.u32 s15, $0x6;
	_ =	strace $0x8000004A;
	s13 =	smul.u32 $0x28000, s23  }
0xd: {  	[dreg:$0x5] =	wrdreg s11;
	s24 =	ssub.s32 $0x2, s23;
	s11 =	smul.u32 $0x140000, s23  }
0xe: {  	s15 =	sor.u32 $0x1C07, s26;
	s26 =	simm.s32 $0x1200;
	s9 =	sshrl.u32 s22, $0x3  }
0xf: {  	s14 =	sshrl.u32 s24, $0x1;
	s12 =	sshrl.u32 s12, $0x2;
	[dreg:$0x7] =	wrdreg s15  }
0x10: {  	s9 =	sadd.s32 s9, s0;
	s0 =	ssub.s32 s24, s14;
	s12 =	sadd.s32 s12, s3  }
0x11: {  	s4 =	sadd.s32 s22, s11;
	s13 =	sadd.s32 s25, s13;
	s24 =	simm.s32 $0x80  }
0x12: {  	s25 =	simm.s32 $0x180;
	s11 =	simm.s32 $0x4;
	s9 =	sadd.s32 $0xB2600, s9  }
0x13: {  	s14 =	simm.s32 $0x6;
	s0 =	smax.u32 s0, $0x1;
	[dreg:$0x6] =	wrdreg s9  }
0x14: {  	s4 =	sshrl.u32 s4, $0x3;
	s12 =	sshrl.u32 s12, $0x3;
	[dreg:$0x9] =	wrdreg s0  }
0x15: {  	s2 =	sadd.s32 s2, s4;
	s0 =	simm.s32 $0x5;
	[dreg:$0xa] =	wrdreg s12  }
0x16: {  	s9 =	simm.s32 $0x2;
	[dreg:$0x8] =	wrdreg s2;
	s2 =	simm.s32 $0x6200  }
.LBB2_1:
0x17: {  	[dreg:$0xb] =	wrdreg s16  }
0x18: {  	s4 =	rddreg [dreg:$0x6]  }
0x19: {  	[spmem:s12], [sflag:s15] =	dma.local [hbm:s4], $0x2800  }
0x1a: {  	_ =	swait.ge [sflag:s17], $0x2800  }
0x1b: {  	s21 =	simm.s32 $0x0;
	[sflag:s17] =	ssyncset.done $0x0  }
0x1c: {  	s23 =	simm.s32 $0x7200;
	s22 =	rddreg [dreg:$0x5];
	[sflag:s17] =	ssyncadd.s32 $0xFFFFD800  }
0x1d: {  	[tilespmem:s23], [sflag:$0x7] =	stream.linear.gather [hbm4b:s22+s21], $0x80, $0x38;
	[tilespmem:$0x1C280] =	vst v63  }
0x1e: {  	_ =	swait.ge [sflag:s17], $0x80  }
0x1f: {  	[sflag:s17] =	ssyncset.done $0x0  }
0x20: {  	[sflag:s17] =	ssyncadd.s32 $0xFFFFFF80  }
0x21: {  	[bflag:$0x0] =	sbarrier.arrive $0xFFFF  }
0x22: {  	s12 =	simm.s32 $0x0;
	v0 =	vld [tilespmem:$0x7200]  }
.LBB2_2:
0x23: {  	s4 =	sshll.u32 s12, $0x6  }
0x24: {  	s4 =	sadd.s32 s13, s4  }
0x25: {  	s15 =	sshrl.u32 s4, $0x3  }
0x26: {  	s21 =	simm.s32 $0x0;
	s16 =	sadd.s32 s1, s15  }
0x27: {  	[tilespmem:s21], [sflag:$0x7] =	stream.linear.gather [hbm4b:s16+s21], $0x20, $0x38;
	[tilespmem:$0x1C280] =	vst v63  }
0x28: {  	_ =	swait.ge [sflag:s17], $0x20  }
0x29: {  	[sflag:s17] =	ssyncset.done $0x0  }
0x2a: {  	s15 =	sadd.s32 s8, s15;
	[sflag:s17] =	ssyncadd.s32 $0xFFFFFFE0  }
0x2b: {  	[tilespmem:s19], [sflag:$0x7] =	stream.linear.gather [hbm4b:s15+s21], $0x20, $0x38;
	[tilespmem:$0x1C280] =	vst v63  }
0x2c: {  	_ =	swait.ge [sflag:s17], $0x20  }
0x2d: {  	[sflag:s17] =	ssyncset.done $0x0  }
0x2e: {  	s16 =	simm.s32 $0x200;
	[sflag:s17] =	ssyncadd.s32 $0xFFFFFFE0  }
0x2f: {  	[tilespmem:s16], [sflag:$0x1] =	stream.indirect.gather [hbm4b:s6+s20], $0x80, s21, s20, $0xb8;
	[tilespmem:$0x1C280] =	vst v63  }
0x30: {  	s22 =	simm.s32 $0x2200;
	s15 =	sshll.u32 s4, $0x4;
	s4 =	sadd.s32 $0x20, s4  }
0x31: {  	[tilespmem:s22], [sflag:$0x3] =	stream.indirect.gather [hbm4b:s5+s20], $0x80, s19, s20, $0xb8;
	[tilespmem:$0x1C280] =	vst v63  }
0x32: {  	s23 =	sadd.s32 s7, s15;
	s16 =	sshrl.u32 s4, $0x3;
	s22 =	simm.s32 $0x4200  }
0x33: {  	[tilespmem:s22], [sflag:$0x5] =	stream.linear.gather [hbm4b:s23+s21], $0x1000, $0x38;
	[tilespmem:$0x1C280] =	vst v63  }
0x34: {  	s23 =	sadd.s32 s1, s16  }
0x35: {  	[tilespmem:s24], [sflag:$0x7] =	stream.linear.gather [hbm4b:s23+s21], $0x20, $0x38;
	[tilespmem:$0x1C280] =	vst v63  }
0x36: {  	_ =	swait.ge [sflag:s17], $0x20  }
0x37: {  	[sflag:s17] =	ssyncset.done $0x0  }
0x38: {  	s16 =	sadd.s32 s8, s16;
	[sflag:s17] =	ssyncadd.s32 $0xFFFFFFE0  }
0x39: {  	[tilespmem:s25], [sflag:$0x7] =	stream.linear.gather [hbm4b:s16+s21], $0x20, $0x38;
	[tilespmem:$0x1C280] =	vst v63  }
0x3a: {  	_ =	swait.ge [sflag:s17], $0x20  }
0x3b: {  	[sflag:s17] =	ssyncset.done $0x0  }
0x3c: {  	[sflag:s17] =	ssyncadd.s32 $0xFFFFFFE0  }
0x3d: {  	[tilespmem:s26], [sflag:$0x2] =	stream.indirect.gather [hbm4b:s6+s20], $0x80, s24, s20, $0xb8;
	[tilespmem:$0x1C280] =	vst v63  }
0x3e: {  	s16 =	sshll.u32 s4, $0x4  }
0x3f: {  	[tilespmem:s28], [sflag:$0x4] =	stream.indirect.gather [hbm4b:s5+s20], $0x80, s25, s20, $0xb8;
	[tilespmem:$0x1C280] =	vst v63  }
0x40: {  	s4 =	sadd.s32 s7, s16  }
0x41: {  	[tilespmem:s29], [sflag:$0x6] =	stream.linear.gather [hbm4b:s4+s21], $0x1000, $0x38;
	[tilespmem:$0x1C280] =	vst v63  }
0x42: {  	_ =	swait.ge [sflag:s30], $0x1000  }
0x43: {  	[sflag:s30] =	ssyncset.done $0x0  }
0x44: {  	[sflag:s30] =	ssyncadd.s32 $0xFFFFF000  }
0x45: {  	_ =	swait.ge [sflag:s31], $0x1000  }
0x46: {  	[sflag:s31] =	ssyncset.done $0x0  }
0x47: {  	[sflag:s31] =	ssyncadd.s32 $0xFFFFF000  }
0x48: {  	_ =	swait.ge [sflag:s0], $0x1000  }
0x49: {  	[sflag:s0] =	ssyncset.done $0x0  }
0x4a: {  	s21 =	simm.s32 $0x0;
	[sflag:s0] =	ssyncadd.s32 $0xFFFFF000  }
0x4b: {  	v1 =	vld [tilespmem:s21+$0x230]  }
0x4c: {  	v2 =	vld [tilespmem:s21+$0x2230]  }
0x4d: {  	v3 =	vld [tilespmem:s21+$0x4230]  }
0x4e: {  	v5 =	vld [tilespmem:s21+$0x2200]  }
0x4f: {  	v8 =	vld [tilespmem:s21+$0x210]  }
0x50: {  	v11 =	vld [tilespmem:s21+$0x2220]  }
0x51: {  	v13 =	vld [tilespmem:s21+$0x4200];
	v6 =	vunpack.i.l.bf16.f32 v1;
	v7 =	vunpack.i.l.bf16.f32 v2  }
0x52: {  	v4 =	vld [tilespmem:s21+$0x200];
	v6 =	vadd.f32 v7, v6  }
0x53: {  	v9 =	vunpack.i.l.bf16.f32 v3  }
0x54: {  	v12 =	vunpack.i.l.bf16.f32 v5;
	v6 =	vadd.f32 v9, v6  }
0x55: {  	v5 =	vunpack.i.u.bf16.f32 v5;
	v15 =	vunpack.i.u.bf16.f32 v8;
	v8 =	vunpack.i.l.bf16.f32 v8  }
0x56: {  	v17 =	vunpack.i.l.bf16.f32 v11;
	v18 =	vunpack.i.l.bf16.f32 v13;
	v7 =	vld [tilespmem:s21+$0x2210];
	v14 =	vmul.f32 v6, v0  }
0x57: {  	v10 =	vld [tilespmem:s21+$0x220];
	v9 =	vunpack.i.u.bf16.f32 v4;
	v4 =	vunpack.i.l.bf16.f32 v4;
	vm0 =	vge.f32 v6, $0.0e+00  }
0x58: {  	v11 =	vunpack.i.u.bf16.f32 v11;
	v4 =	vadd.f32 v12, v4;
	v12 =	vld [tilespmem:s21+$0x4210];
	v6 =	vsel vm0, v6, v14  }
0x59: {  	v16 =	vld [tilespmem:s21+$0x4220];
	v1 =	vunpack.i.u.bf16.f32 v1;
	v2 =	vunpack.i.u.bf16.f32 v2;
	v6 =	vmul.f32 $1.442695020e+00, v6  }
0x5a: {  	v3 =	vunpack.i.u.bf16.f32 v3;
	v1 =	vadd.f32 v2, v1;
	v4 =	vadd.f32 v18, v4  }
0x5b: {  	v14 =	vunpack.i.u.bf16.f32 v7;
	v7 =	vunpack.i.l.bf16.f32 v7;
	(erf) = vpow2.f32 v6  }
0x5c: {  	v7 =	vadd.f32 v7, v8;
	v8 =	vunpack.i.l.bf16.f32 v10;
	v18 =	vmul.f32 v4, v0  }
0x5d: {  	vm10 =	vge.f32 v4, $0.0e+00;
	v6 =	vadd.f32 v17, v8;
	v8 =	vunpack.i.l.bf16.f32 v12  }
0x5e: {  	s4 =	simm.s32 $0x80;
	v4 =	vsel vm10, v4, v18;
	v7 =	vadd.f32 v8, v7;
	v8 =	vunpack.i.l.bf16.f32 v16  }
0x5f: {  	v20 =	vld [tilespmem:s4+$0x230];
	v1 =	vadd.f32 v3, v1;
	v4 =	vmul.f32 $1.442695020e+00, v4;
	v6 =	vadd.f32 v8, v6  }
0x60: {  	v5 =	vadd.f32 v5, v9;
	v10 =	vunpack.i.u.bf16.f32 v10;
	v17 =	vld [tilespmem:s21+$0x240];
	v9 =	vmul.f32 v7, v0  }
0x61: {  	v8 =	vld [tilespmem:s21+$0x2240];
	vm1 =	vge.f32 v7, $0.0e+00;
	(erf) = vpow2.f32 v4;
	v18 =	vmul.f32 v6, v0  }
0x62: {  	v21 =	vld [tilespmem:s4+$0x2230];
	v4 =	vadd.f32 v11, v10;
	vm11 =	vge.f32 v6, $0.0e+00;
	v7 =	vsel vm1, v7, v9  }
0x63: {  	v22 =	vld [tilespmem:s4+$0x4230];
	v10 =	vunpack.i.u.bf16.f32 v13;
	v2 =	vsel vm11, v6, v18;
	v6 =	vmul.f32 $1.442695020e+00, v7  }
0x64: {  	v19 =	vld [tilespmem:s21+$0x4240];
	v11 =	vunpack.i.u.bf16.f32 v16;
	v9 =	vadd.f32 v14, v15;
	v2 =	vmul.f32 $1.442695020e+00, v2;
	v3 =	vpop (erf)  }
0x65: {  	v13 =	vunpack.i.l.bf16.f32 v17;
	v7 =	vld [tilespmem:s4+$0x200];
	(erf) = vpow2.f32 v6;
	[tilespmem:s21+$0x6270] =	vst v3;
	v1 =	vmul.f32 v3, v1  }
0x66: {  	v8 =	vunpack.i.l.bf16.f32 v8;
	v6 =	vunpack.i.u.bf16.f32 v12;
	(erf) = vpow2.f32 v2;
	v12 =	vld [tilespmem:s4+$0x2200]  }
0x67: {  	v2 =	vadd.f32 v6, v9;
	v6 =	vadd.f32 v8, v13;
	v9 =	vunpack.i.l.bf16.f32 v20;
	v14 =	vld [tilespmem:s4+$0x210];
	[tilespmem:s21+$0x6230] =	vst v1  }
0x68: {  	v13 =	vunpack.i.l.bf16.f32 v22;
	v3 =	vadd.f32 v10, v5;
	v10 =	vunpack.i.l.bf16.f32 v21;
	v8 =	vld [tilespmem:s4+$0x2210]  }
0x69: {  	v5 =	vunpack.i.l.bf16.f32 v19;
	v1 =	vadd.f32 v11, v4;
	v4 =	vadd.f32 v10, v9;
	v11 =	vld [tilespmem:s4+$0x220]  }
0x6a: {  	v15 =	vunpack.i.u.bf16.f32 v7;
	v5 =	vadd.f32 v5, v6;
	v9 =	vunpack.i.l.bf16.f32 v7;
	v10 =	vld [tilespmem:s4+$0x2220]  }
0x6b: {  	v7 =	vld [tilespmem:s4+$0x4200];
	v16 =	vunpack.i.u.bf16.f32 v12;
	v6 =	vunpack.i.l.bf16.f32 v12;
	v12 =	vadd.f32 v13, v4  }
0x6c: {  	v17 =	vunpack.i.u.bf16.f32 v14;
	v13 =	vunpack.i.l.bf16.f32 v14;
	v9 =	vadd.f32 v6, v9;
	v6 =	vld [tilespmem:s4+$0x4210]  }
0x6d: {  	v4 =	vld [tilespmem:s4+$0x4220];
	v18 =	vunpack.i.u.bf16.f32 v8;
	v8 =	vunpack.i.l.bf16.f32 v8;
	v14 =	vmul.f32 v12, v0  }
0x6e: {  	vm12 =	vge.f32 v12, $0.0e+00;
	v23 =	vunpack.i.u.bf16.f32 v11;
	v8 =	vadd.f32 v8, v13  }
0x6f: {  	v13 =	vunpack.i.l.bf16.f32 v11;
	v11 =	vunpack.i.l.bf16.f32 v10;
	v12 =	vsel vm12, v12, v14  }
0x70: {  	v25 =	vunpack.i.u.bf16.f32 v10;
	v14 =	vunpack.i.l.bf16.f32 v7;
	v12 =	vmul.f32 $1.442695020e+00, v12  }
0x71: {  	v19 =	vadd.f32 v11, v13;
	v24 =	vadd.f32 v14, v9;
	v9 =	vunpack.i.l.bf16.f32 v6  }
0x72: {  	v11 =	vpop (erf);
	v10 =	vadd.f32 v9, v8;
	v8 =	vunpack.i.l.bf16.f32 v4;
	(erf) = vpow2.f32 v12  }
0x73: {  	vm13 =	vge.f32 v24, $0.0e+00;
	v26 =	vmul.f32 v24, v0;
	v19 =	vadd.f32 v8, v19  }
0x74: {  	v8 =	vadd.f32 v16, v15;
	vm14 =	vge.f32 v10, $0.0e+00;
	v15 =	vmul.f32 v10, v0  }
0x75: {  	[tilespmem:s21+$0x6240] =	vst v11;
	v13 =	vpop (erf);
	v16 =	vsel vm13, v24, v26;
	vm15 =	vge.f32 v19, $0.0e+00;
	v63 =	vmul.f32 v19, v0  }
0x76: {  	v9 =	vld [tilespmem:s4+$0x240];
	[tilespmem:s21+$0x6250] =	vst v13;
	v12 =	vpop (erf);
	v26 =	vmul.f32 $1.442695020e+00, v16;
	v16 =	vsel vm14, v10, v15;
	v15 =	vadd.f32 v18, v17  }
0x77: {  	v14 =	vld [tilespmem:s4+$0x2240];
	[tilespmem:s21+$0x6260] =	vst v12;
	v17 =	vsel vm15, v19, v63;
	v19 =	vunpack.i.u.bf16.f32 v20;
	v20 =	vunpack.i.u.bf16.f32 v21  }
0x78: {  	s22 =	simm.s32 $0x100;
	v10 =	vld [tilespmem:s4+$0x4240];
	[tilespmem:s21+$0x7280] =	vst v5;
	v18 =	vmul.f32 $1.442695020e+00, v16;
	v16 =	vadd.f32 v25, v23;
	v19 =	vadd.f32 v20, v19  }
0x79: {  	s23 =	simm.s32 $0x600;
	v5 =	vld [tilespmem:s22+$0x230];
	(erf) = vpow2.f32 v26;
	v17 =	vmul.f32 $1.442695020e+00, v17;
	v20 =	vunpack.i.u.bf16.f32 v22  }
.LBB2_3:
0x7a: {  	p0 =	sne.s32 s23, $0x3E00;
	v21 =	vld [tilespmem:s22+$0x2230];
	v7 =	vunpack.i.u.bf16.f32 v7;
	v19 =	vadd.f32 v20, v19;
	(erf) = vpow2.f32 v18  }
0x7b: {  	v6 =	vunpack.i.u.bf16.f32 v6;
	v4 =	vunpack.i.u.bf16.f32 v4;
	v18 =	vld [tilespmem:s22+$0x200];
	(erf) = vpow2.f32 v17;
	v17 =	vpop (erf)  }
0x7c: {  	v9 =	vunpack.i.l.bf16.f32 v9;
	v14 =	vunpack.i.l.bf16.f32 v14;
	v20 =	vld [tilespmem:s22+$0x4230];
	v19 =	vmul.f32 v17, v19;
	[tilespmem:s4+$0x6270] =	vst v17  }
0x7d: {  	v7 =	vadd.f32 v7, v8;
	v6 =	vadd.f32 v6, v15;
	v8 =	vunpack.i.l.bf16.f32 v10;
	v17 =	vld [tilespmem:s22+$0x2200]  }
0x7e: {  	v11 =	vmul.f32 v11, v3;
	v4 =	vadd.f32 v4, v16;
	v9 =	vadd.f32 v14, v9;
	v10 =	vld [tilespmem:s22+$0x210];
	[tilespmem:s4+$0x6230] =	vst v19  }
0x7f: {  	v13 =	vmul.f32 v13, v2;
	v3 =	vmovc v7;
	v2 =	vmovc v6;
	v15 =	vunpack.i.l.bf16.f32 v5;
	v14 =	vld [tilespmem:s22+$0x2210];
	v16 =	vunpack.i.l.bf16.f32 v21  }
0x80: {  	v19 =	vunpack.i.u.bf16.f32 v18;
	v6 =	vunpack.i.l.bf16.f32 v18;
	v18 =	vld [tilespmem:s22+$0x220];
	v15 =	vadd.f32 v16, v15;
	[tilespmem:s21+$0x6200] =	vst v11  }
0x81: {  	v8 =	vadd.f32 v8, v9;
	v9 =	vmul.f32 v12, v1;
	v1 =	vmovc v4;
	v16 =	vld [tilespmem:s22+$0x2220];
	v23 =	vunpack.i.l.bf16.f32 v20;
	[tilespmem:s21+$0x6210] =	vst v13  }
0x82: {  	v22 =	vunpack.i.u.bf16.f32 v17;
	v4 =	vunpack.i.l.bf16.f32 v17;
	v7 =	vld [tilespmem:s22+$0x4200];
	v15 =	vadd.f32 v23, v15;
	v11 =	vpop (erf)  }
0x83: {  	v17 =	vadd.f32 v4, v6;
	v23 =	vunpack.i.u.bf16.f32 v10;
	v10 =	vunpack.i.l.bf16.f32 v10;
	v6 =	vld [tilespmem:s22+$0x4210];
	v13 =	vpop (erf);
	[tilespmem:s21+$0x6220] =	vst v9;
	s21 =	smov.u32 s4;
	s4 =	smov.u32 s22  }
0x84: {  	v24 =	vunpack.i.u.bf16.f32 v14;
	v9 =	vunpack.i.l.bf16.f32 v14;
	v4 =	vld [tilespmem:s4+$0x4220];
	v14 =	vmul.f32 v15, v0;
	[tilespmem:s21+$0x6240] =	vst v11;
	v12 =	vpop (erf)  }
0x85: {  	vm0 =	vge.f32 v15, $0.0e+00;
	v25 =	vadd.f32 v9, v10;
	v10 =	vunpack.i.l.bf16.f32 v18;
	v9 =	vld [tilespmem:s4+$0x240];
	[tilespmem:s21+$0x6250] =	vst v13  }
0x86: {  	v26 =	vunpack.i.u.bf16.f32 v18;
	v18 =	vunpack.i.l.bf16.f32 v16;
	v15 =	vsel vm0, v15, v14;
	v14 =	vld [tilespmem:s4+$0x2240];
	[tilespmem:s21+$0x6260] =	vst v12  }
0x87: {  	v27 =	vunpack.i.l.bf16.f32 v7;
	v18 =	vadd.f32 v18, v10;
	v15 =	vmul.f32 $1.442695020e+00, v15;
	v10 =	vld [tilespmem:s4+$0x4240];
	[tilespmem:s21+$0x7280] =	vst v8  }
0x88: {  	v16 =	vunpack.i.u.bf16.f32 v16;
	v17 =	vadd.f32 v27, v17;
	v8 =	vunpack.i.l.bf16.f32 v6  }
0x89: {  	v25 =	vadd.f32 v8, v25;
	v8 =	vunpack.i.l.bf16.f32 v4;
	(erf) = vpow2.f32 v15  }
0x8a: {  	vm0 =	vge.f32 v17, $0.0e+00;
	v15 =	vmul.f32 v17, v0;
	v18 =	vadd.f32 v8, v18  }
0x8b: {  	v8 =	vadd.f32 v22, v19;
	vm1 =	vge.f32 v25, $0.0e+00;
	v19 =	vmul.f32 v25, v0  }
.Ltmp0:
0x8c: {  	v15 =	vsel vm0, v17, v15;
	vm0 =	vge.f32 v18, $0.0e+00;
	v17 =	vmul.f32 v18, v0;
	(pc) =	sbr.rel @p0 .LBB2_3-.Ltmp0, $4  }
0x8d: {  	v22 =	vmul.f32 $1.442695020e+00, v15;
	v19 =	vsel vm1, v25, v19;
	v15 =	vadd.f32 v24, v23  }
0x8e: {  	v5 =	vunpack.i.u.bf16.f32 v5;
	v21 =	vunpack.i.u.bf16.f32 v21;
	v17 =	vsel vm0, v18, v17  }
0x8f: {  	s22 =	sshra.s32 s23, $0x2;
	v18 =	vmul.f32 $1.442695020e+00, v19;
	v19 =	vadd.f32 v21, v5;
	v17 =	vmul.f32 $1.442695020e+00, v17  }
0x90: {  	v20 =	vunpack.i.u.bf16.f32 v20;
	s23 =	sadd.s32 $0x200, s23;
	v16 =	vadd.f32 v16, v26;
	v5 =	vld [tilespmem:s22+$0x230];
	(erf) = vpow2.f32 v22  }
0x91: {  	v21 =	vld [tilespmem:s22+$0x2230];
	v19 =	vadd.f32 v20, v19  }
0x92: {  	v22 =	vld [tilespmem:s22+$0x200];
	v20 =	vpop (erf)  }
0x93: {  	v23 =	vld [tilespmem:s22+$0x4230];
	[tilespmem:s4+$0x6270] =	vst v20;
	v19 =	vmul.f32 v20, v19  }
0x94: {  	v20 =	vld [tilespmem:s22+$0x2200]  }
0x95: {  	v3 =	vmul.f32 v11, v3;
	v24 =	vld [tilespmem:s22+$0x210];
	[tilespmem:s4+$0x6230] =	vst v19  }
0x96: {  	v2 =	vmul.f32 v13, v2;
	v11 =	vld [tilespmem:s22+$0x2210]  }
0x97: {  	v1 =	vmul.f32 v12, v1;
	v19 =	vld [tilespmem:s22+$0x220];
	[tilespmem:s21+$0x6200] =	vst v3;
	v3 =	vunpack.i.l.bf16.f32 v5;
	v13 =	vunpack.i.l.bf16.f32 v21  }
0x98: {  	v7 =	vunpack.i.u.bf16.f32 v7;
	v6 =	vunpack.i.u.bf16.f32 v6;
	v3 =	vadd.f32 v13, v3  }
0x99: {  	v9 =	vunpack.i.l.bf16.f32 v9;
	v14 =	vunpack.i.l.bf16.f32 v14;
	v25 =	vld [tilespmem:s22+$0x2220];
	[tilespmem:s21+$0x6210] =	vst v2;
	v2 =	vunpack.i.l.bf16.f32 v23  }
0x9a: {  	(erf) = vpow2.f32 v18;
	v9 =	vadd.f32 v14, v9;
	v12 =	vld [tilespmem:s22+$0x4200];
	v2 =	vadd.f32 v2, v3  }
0x9b: {  	(erf) = vpow2.f32 v17;
	v13 =	vunpack.i.l.bf16.f32 v22;
	v3 =	vld [tilespmem:s22+$0x4210];
	v18 =	vunpack.i.l.bf16.f32 v20;
	[tilespmem:s21+$0x6220] =	vst v1  }
0x9c: {  	v5 =	vunpack.i.u.bf16.f32 v5;
	v1 =	vadd.f32 v18, v13;
	v13 =	vld [tilespmem:s22+$0x4220];
	v17 =	vmul.f32 v2, v0  }
0x9d: {  	v18 =	vunpack.i.l.bf16.f32 v24;
	v26 =	vunpack.i.l.bf16.f32 v11;
	vm0 =	vge.f32 v2, $0.0e+00  }
0x9e: {  	v27 =	vunpack.i.l.bf16.f32 v25;
	v18 =	vadd.f32 v26, v18;
	v2 =	vsel vm0, v2, v17  }
0x9f: {  	v17 =	vunpack.i.l.bf16.f32 v19;
	v55 =	vunpack.i.l.bf16.f32 v12;
	v2 =	vmul.f32 $1.442695020e+00, v2  }
0xa0: {  	v17 =	vadd.f32 v27, v17;
	v1 =	vadd.f32 v55, v1;
	v56 =	vunpack.i.l.bf16.f32 v3  }
0xa1: {  	v18 =	vadd.f32 v56, v18;
	v57 =	vunpack.i.l.bf16.f32 v13;
	(erf) = vpow2.f32 v2  }
0xa2: {  	v21 =	vunpack.i.u.bf16.f32 v21;
	v2 =	vmul.f32 v1, v0;
	v17 =	vadd.f32 v57, v17  }
0xa3: {  	v5 =	vadd.f32 v21, v5;
	vm6 =	vge.f32 v1, $0.0e+00;
	v58 =	vmul.f32 v18, v0  }
0xa4: {  	vm7 =	vge.f32 v18, $0.0e+00;
	v1 =	vsel vm6, v1, v2;
	v2 =	vmul.f32 v17, v0  }
0xa5: {  	vm8 =	vge.f32 v17, $0.0e+00;
	v18 =	vsel vm7, v18, v58;
	v1 =	vmul.f32 $1.442695020e+00, v1  }
0xa6: {  	v23 =	vunpack.i.u.bf16.f32 v23;
	v59 =	vpop (erf);
	v2 =	vsel vm8, v17, v2;
	v18 =	vmul.f32 $1.442695020e+00, v18  }
0xa7: {  	[tilespmem:s4+$0x6240] =	vst v59;
	v14 =	vpop (erf);
	v2 =	vmul.f32 $1.442695020e+00, v2;
	(erf) = vpow2.f32 v1;
	v1 =	vunpack.i.l.bf16.f32 v10  }
0xa8: {  	v5 =	vadd.f32 v23, v5;
	v17 =	vld [tilespmem:s22+$0x240];
	[tilespmem:s4+$0x6250] =	vst v14;
	(erf) = vpow2.f32 v18;
	v1 =	vadd.f32 v1, v9  }
0xa9: {  	v10 =	vpop (erf);
	v21 =	vld [tilespmem:s22+$0x2240];
	(erf) = vpow2.f32 v2;
	v2 =	vunpack.i.u.bf16.f32 v4;
	v4 =	vadd.f32 v7, v8  }
0xaa: {  	v6 =	vadd.f32 v6, v15;
	v15 =	vunpack.i.u.bf16.f32 v24;
	[tilespmem:s4+$0x6260] =	vst v10;
	v9 =	vunpack.i.u.bf16.f32 v22;
	v8 =	vpop (erf)  }
0xab: {  	v7 =	vld [tilespmem:s22+$0x4240];
	v2 =	vadd.f32 v2, v16;
	[tilespmem:s4+$0x7280] =	vst v1;
	v4 =	vmul.f32 v59, v4;
	v1 =	vmul.f32 v8, v5  }
0xac: {  	v5 =	vunpack.i.u.bf16.f32 v20;
	[tilespmem:s22+$0x6270] =	vst v8;
	v8 =	vunpack.i.u.bf16.f32 v11;
	v11 =	vunpack.i.u.bf16.f32 v19  }
0xad: {  	v2 =	vmul.f32 v10, v2;
	v5 =	vadd.f32 v5, v9;
	[tilespmem:s22+$0x6230] =	vst v1;
	v1 =	vmul.f32 v14, v6  }
0xae: {  	v9 =	vunpack.i.l.bf16.f32 v21;
	v6 =	vunpack.i.u.bf16.f32 v25;
	[tilespmem:s4+$0x6200] =	vst v4;
	v4 =	vadd.f32 v8, v15  }
0xaf: {  	v8 =	vunpack.i.l.bf16.f32 v17;
	[tilespmem:s4+$0x6210] =	vst v1;
	v1 =	vadd.f32 v6, v11;
	v6 =	vunpack.i.u.bf16.f32 v12  }
0xb0: {  	v8 =	vadd.f32 v9, v8  }
0xb1: {  	[tilespmem:s4+$0x6220] =	vst v2;
	v2 =	vunpack.i.u.bf16.f32 v3;
	v9 =	vpop (erf);
	v3 =	vadd.f32 v6, v5;
	v5 =	vunpack.i.l.bf16.f32 v7  }
0xb2: {  	[tilespmem:s22+$0x6240] =	vst v9;
	v2 =	vadd.f32 v2, v4;
	v4 =	vadd.f32 v5, v8;
	v6 =	vpop (erf)  }
0xb3: {  	v7 =	vunpack.i.u.bf16.f32 v13;
	[tilespmem:s22+$0x6250] =	vst v6  }
0xb4: {  	v1 =	vadd.f32 v7, v1;
	v3 =	vmul.f32 v9, v3;
	v5 =	vpop (erf);
	[tilespmem:s22+$0x7280] =	vst v4  }
0xb5: {  	v2 =	vmul.f32 v6, v2;
	[tilespmem:s22+$0x6260] =	vst v5  }
0xb6: {  	[tilespmem:s22+$0x6200] =	vst v3;
	v1 =	vmul.f32 v5, v1  }
0xb7: {  	[tilespmem:s22+$0x6210] =	vst v2  }
0xb8: {  	[tilespmem:s22+$0x6220] =	vst v1  }
0xb9: {  	[spmem:s3] =	stream.indirect.scatter.add.f32 [tilespmem:s2], [sflag:$0x7], $0x80, s19, s20, $0xb8;
	[tilespmem:$0x1C280] =	vst v63  }
0xba: {  	_ =	swait.ge [sflag:s17], $0x1000  }
0xbb: {  	[sflag:s17] =	ssyncset.done $0x0  }
0xbc: {  	s23 =	simm.s32 $0x0;
	s22 =	sadd.s32 s10, s15;
	[sflag:s17] =	ssyncadd.s32 $0xFFFFF000  }
0xbd: {  	[hbm4b:s22+s23] =	stream.linear.scatter [tilespmem:s18], [sflag:$0x7], $0x1000, $0x38;
	[tilespmem:$0x1C280] =	vst v63  }
0xbe: {  	_ =	swait.ge [sflag:s17], $0x1000  }
0xbf: {  	[sflag:s17] =	ssyncset.done $0x0  }
0xc0: {  	[sflag:s17] =	ssyncadd.s32 $0xFFFFF000  }
0xc1: {  	_ =	swait.ge [sflag:s9], $0x1000  }
0xc2: {  	[sflag:s9] =	ssyncset.done $0x0  }
0xc3: {  	[sflag:s9] =	ssyncadd.s32 $0xFFFFF000  }
0xc4: {  	_ =	swait.ge [sflag:s11], $0x1000  }
0xc5: {  	[sflag:s11] =	ssyncset.done $0x0  }
0xc6: {  	[sflag:s11] =	ssyncadd.s32 $0xFFFFF000  }
0xc7: {  	_ =	swait.ge [sflag:s14], $0x1000  }
0xc8: {  	[sflag:s14] =	ssyncset.done $0x0  }
0xc9: {  	s15 =	simm.s32 $0x0;
	[sflag:s14] =	ssyncadd.s32 $0xFFFFF000  }
0xca: {  	v1 =	vld [tilespmem:s15+$0x1230]  }
0xcb: {  	v2 =	vld [tilespmem:s15+$0x3230]  }
0xcc: {  	v3 =	vld [tilespmem:s15+$0x5230]  }
0xcd: {  	v5 =	vld [tilespmem:s15+$0x3200]  }
0xce: {  	v8 =	vld [tilespmem:s15+$0x1210]  }
0xcf: {  	v11 =	vld [tilespmem:s15+$0x3220]  }
0xd0: {  	v13 =	vld [tilespmem:s15+$0x5200];
	v6 =	vunpack.i.l.bf16.f32 v1;
	v7 =	vunpack.i.l.bf16.f32 v2  }
0xd1: {  	v4 =	vld [tilespmem:s15+$0x1200];
	v6 =	vadd.f32 v7, v6  }
0xd2: {  	v9 =	vunpack.i.l.bf16.f32 v3  }
0xd3: {  	v12 =	vunpack.i.l.bf16.f32 v5;
	v6 =	vadd.f32 v9, v6  }
0xd4: {  	v5 =	vunpack.i.u.bf16.f32 v5;
	v15 =	vunpack.i.u.bf16.f32 v8;
	v8 =	vunpack.i.l.bf16.f32 v8  }
0xd5: {  	v17 =	vunpack.i.l.bf16.f32 v11;
	v18 =	vunpack.i.l.bf16.f32 v13;
	v7 =	vld [tilespmem:s15+$0x3210];
	v14 =	vmul.f32 v6, v0  }
0xd6: {  	v10 =	vld [tilespmem:s15+$0x1220];
	v9 =	vunpack.i.u.bf16.f32 v4;
	v4 =	vunpack.i.l.bf16.f32 v4;
	vm9 =	vge.f32 v6, $0.0e+00  }
0xd7: {  	v11 =	vunpack.i.u.bf16.f32 v11;
	v4 =	vadd.f32 v12, v4;
	v12 =	vld [tilespmem:s15+$0x5210];
	v6 =	vsel vm9, v6, v14  }
0xd8: {  	v16 =	vld [tilespmem:s15+$0x5220];
	v1 =	vunpack.i.u.bf16.f32 v1;
	v2 =	vunpack.i.u.bf16.f32 v2;
	v6 =	vmul.f32 $1.442695020e+00, v6  }
0xd9: {  	v3 =	vunpack.i.u.bf16.f32 v3;
	v1 =	vadd.f32 v2, v1;
	v4 =	vadd.f32 v18, v4  }
0xda: {  	v14 =	vunpack.i.u.bf16.f32 v7;
	v7 =	vunpack.i.l.bf16.f32 v7;
	(erf) = vpow2.f32 v6  }
0xdb: {  	v7 =	vadd.f32 v7, v8;
	v8 =	vunpack.i.l.bf16.f32 v10;
	v18 =	vmul.f32 v4, v0  }
0xdc: {  	vm10 =	vge.f32 v4, $0.0e+00;
	v6 =	vadd.f32 v17, v8;
	v8 =	vunpack.i.l.bf16.f32 v12  }
0xdd: {  	v4 =	vsel vm10, v4, v18;
	v7 =	vadd.f32 v8, v7;
	v8 =	vunpack.i.l.bf16.f32 v16  }
0xde: {  	v19 =	vld [tilespmem:s15+$0x5240];
	v1 =	vadd.f32 v3, v1;
	v4 =	vmul.f32 $1.442695020e+00, v4;
	v6 =	vadd.f32 v8, v6  }
0xdf: {  	v5 =	vadd.f32 v5, v9;
	v10 =	vunpack.i.u.bf16.f32 v10;
	v17 =	vld [tilespmem:s15+$0x1240];
	v9 =	vmul.f32 v7, v0  }
0xe0: {  	s4 =	simm.s32 $0x80;
	v8 =	vld [tilespmem:s15+$0x3240];
	vm1 =	vge.f32 v7, $0.0e+00;
	(erf) = vpow2.f32 v4;
	v18 =	vmul.f32 v6, v0  }
0xe1: {  	v20 =	vld [tilespmem:s4+$0x1230];
	v4 =	vadd.f32 v11, v10;
	vm11 =	vge.f32 v6, $0.0e+00;
	v7 =	vsel vm1, v7, v9  }
0xe2: {  	v21 =	vld [tilespmem:s4+$0x3230];
	v10 =	vunpack.i.u.bf16.f32 v13;
	v2 =	vsel vm11, v6, v18;
	v6 =	vmul.f32 $1.442695020e+00, v7  }
0xe3: {  	v22 =	vld [tilespmem:s4+$0x5230];
	v11 =	vunpack.i.u.bf16.f32 v16;
	v9 =	vadd.f32 v14, v15;
	v2 =	vmul.f32 $1.442695020e+00, v2;
	v3 =	vpop (erf)  }
0xe4: {  	v13 =	vunpack.i.l.bf16.f32 v17;
	v7 =	vld [tilespmem:s4+$0x1200];
	(erf) = vpow2.f32 v6;
	[tilespmem:s15+$0x6270] =	vst v3;
	v1 =	vmul.f32 v3, v1  }
0xe5: {  	v8 =	vunpack.i.l.bf16.f32 v8;
	v6 =	vunpack.i.u.bf16.f32 v12;
	(erf) = vpow2.f32 v2;
	v12 =	vld [tilespmem:s4+$0x3200]  }
0xe6: {  	v3 =	vadd.f32 v10, v5;
	v2 =	vadd.f32 v6, v9;
	v5 =	vunpack.i.l.bf16.f32 v19;
	v14 =	vld [tilespmem:s4+$0x1210];
	[tilespmem:s15+$0x6230] =	vst v1  }
0xe7: {  	v6 =	vadd.f32 v8, v13;
	v9 =	vunpack.i.l.bf16.f32 v20;
	v10 =	vunpack.i.l.bf16.f32 v21;
	v8 =	vld [tilespmem:s4+$0x3210]  }
0xe8: {  	v13 =	vunpack.i.l.bf16.f32 v22;
	v1 =	vadd.f32 v11, v4;
	v4 =	vadd.f32 v10, v9;
	v11 =	vld [tilespmem:s4+$0x1220]  }
0xe9: {  	v15 =	vunpack.i.u.bf16.f32 v7;
	v9 =	vunpack.i.l.bf16.f32 v7;
	v5 =	vadd.f32 v5, v6;
	v10 =	vld [tilespmem:s4+$0x3220]  }
0xea: {  	v7 =	vld [tilespmem:s4+$0x5200];
	v16 =	vunpack.i.u.bf16.f32 v12;
	v6 =	vunpack.i.l.bf16.f32 v12;
	v12 =	vadd.f32 v13, v4  }
0xeb: {  	v17 =	vunpack.i.u.bf16.f32 v14;
	v13 =	vunpack.i.l.bf16.f32 v14;
	v9 =	vadd.f32 v6, v9;
	v6 =	vld [tilespmem:s4+$0x5210]  }
0xec: {  	v4 =	vld [tilespmem:s4+$0x5220];
	v18 =	vunpack.i.u.bf16.f32 v8;
	v8 =	vunpack.i.l.bf16.f32 v8;
	v14 =	vmul.f32 v12, v0  }
0xed: {  	vm12 =	vge.f32 v12, $0.0e+00;
	v23 =	vunpack.i.u.bf16.f32 v11;
	v8 =	vadd.f32 v8, v13  }
0xee: {  	v13 =	vunpack.i.l.bf16.f32 v11;
	v11 =	vunpack.i.l.bf16.f32 v10;
	v12 =	vsel vm12, v12, v14  }
0xef: {  	v61 =	vunpack.i.u.bf16.f32 v10;
	v14 =	vunpack.i.l.bf16.f32 v7;
	v12 =	vmul.f32 $1.442695020e+00, v12  }
0xf0: {  	v19 =	vadd.f32 v11, v13;
	v60 =	vadd.f32 v14, v9;
	v9 =	vunpack.i.l.bf16.f32 v6  }
0xf1: {  	v11 =	vpop (erf);
	v10 =	vadd.f32 v9, v8;
	v8 =	vunpack.i.l.bf16.f32 v4;
	(erf) = vpow2.f32 v12  }
0xf2: {  	vm13 =	vge.f32 v60, $0.0e+00;
	v62 =	vmul.f32 v60, v0;
	v19 =	vadd.f32 v8, v19  }
0xf3: {  	v8 =	vadd.f32 v16, v15;
	vm14 =	vge.f32 v10, $0.0e+00;
	v15 =	vmul.f32 v10, v0  }
0xf4: {  	[tilespmem:s15+$0x6240] =	vst v11;
	v13 =	vpop (erf);
	v16 =	vsel vm13, v60, v62;
	vm15 =	vge.f32 v19, $0.0e+00;
	v63 =	vmul.f32 v19, v0  }
0xf5: {  	v9 =	vld [tilespmem:s4+$0x1240];
	[tilespmem:s15+$0x6250] =	vst v13;
	v12 =	vpop (erf);
	v26 =	vmul.f32 $1.442695020e+00, v16;
	v16 =	vsel vm14, v10, v15;
	v15 =	vadd.f32 v18, v17  }
0xf6: {  	v14 =	vld [tilespmem:s4+$0x3240];
	[tilespmem:s15+$0x6260] =	vst v12;
	v17 =	vsel vm15, v19, v63;
	v19 =	vunpack.i.u.bf16.f32 v20;
	v20 =	vunpack.i.u.bf16.f32 v21  }
0xf7: {  	s21 =	simm.s32 $0x100;
	v10 =	vld [tilespmem:s4+$0x5240];
	[tilespmem:s15+$0x7280] =	vst v5;
	v18 =	vmul.f32 $1.442695020e+00, v16;
	v16 =	vadd.f32 v61, v23;
	v19 =	vadd.f32 v20, v19  }
0xf8: {  	s22 =	simm.s32 $0x600;
	v5 =	vld [tilespmem:s21+$0x1230];
	(erf) = vpow2.f32 v26;
	v17 =	vmul.f32 $1.442695020e+00, v17;
	v20 =	vunpack.i.u.bf16.f32 v22  }
.LBB2_5:
0xf9: {  	p0 =	sne.s32 s22, $0x3E00;
	v21 =	vld [tilespmem:s21+$0x3230];
	v7 =	vunpack.i.u.bf16.f32 v7;
	v19 =	vadd.f32 v20, v19;
	(erf) = vpow2.f32 v18  }
0xfa: {  	v6 =	vunpack.i.u.bf16.f32 v6;
	v4 =	vunpack.i.u.bf16.f32 v4;
	v18 =	vld [tilespmem:s21+$0x1200];
	(erf) = vpow2.f32 v17;
	v17 =	vpop (erf)  }
0xfb: {  	v9 =	vunpack.i.l.bf16.f32 v9;
	v14 =	vunpack.i.l.bf16.f32 v14;
	v20 =	vld [tilespmem:s21+$0x5230];
	v19 =	vmul.f32 v17, v19;
	[tilespmem:s4+$0x6270] =	vst v17  }
0xfc: {  	v7 =	vadd.f32 v7, v8;
	v6 =	vadd.f32 v6, v15;
	v8 =	vunpack.i.l.bf16.f32 v10;
	v17 =	vld [tilespmem:s21+$0x3200]  }
0xfd: {  	v11 =	vmul.f32 v11, v3;
	v4 =	vadd.f32 v4, v16;
	v9 =	vadd.f32 v14, v9;
	v10 =	vld [tilespmem:s21+$0x1210];
	[tilespmem:s4+$0x6230] =	vst v19  }
0xfe: {  	v13 =	vmul.f32 v13, v2;
	v3 =	vmovc v7;
	v2 =	vmovc v6;
	v15 =	vunpack.i.l.bf16.f32 v5;
	v14 =	vld [tilespmem:s21+$0x3210];
	v16 =	vunpack.i.l.bf16.f32 v21  }
0xff: {  	v19 =	vunpack.i.u.bf16.f32 v18;
	v6 =	vunpack.i.l.bf16.f32 v18;
	v18 =	vld [tilespmem:s21+$0x1220];
	v15 =	vadd.f32 v16, v15;
	[tilespmem:s15+$0x6200] =	vst v11  }
0x100: {  	v8 =	vadd.f32 v8, v9;
	v9 =	vmul.f32 v12, v1;
	v1 =	vmovc v4;
	v16 =	vld [tilespmem:s21+$0x3220];
	v23 =	vunpack.i.l.bf16.f32 v20;
	[tilespmem:s15+$0x6210] =	vst v13  }
0x101: {  	v22 =	vunpack.i.u.bf16.f32 v17;
	v4 =	vunpack.i.l.bf16.f32 v17;
	v7 =	vld [tilespmem:s21+$0x5200];
	v15 =	vadd.f32 v23, v15;
	v11 =	vpop (erf)  }
0x102: {  	v17 =	vadd.f32 v4, v6;
	v23 =	vunpack.i.u.bf16.f32 v10;
	v10 =	vunpack.i.l.bf16.f32 v10;
	v6 =	vld [tilespmem:s21+$0x5210];
	v13 =	vpop (erf);
	[tilespmem:s15+$0x6220] =	vst v9;
	s15 =	smov.u32 s4;
	s4 =	smov.u32 s21  }
0x103: {  	v24 =	vunpack.i.u.bf16.f32 v14;
	v9 =	vunpack.i.l.bf16.f32 v14;
	v4 =	vld [tilespmem:s4+$0x5220];
	v14 =	vmul.f32 v15, v0;
	[tilespmem:s15+$0x6240] =	vst v11;
	v12 =	vpop (erf)  }
0x104: {  	vm0 =	vge.f32 v15, $0.0e+00;
	v25 =	vadd.f32 v9, v10;
	v10 =	vunpack.i.l.bf16.f32 v18;
	v9 =	vld [tilespmem:s4+$0x1240];
	[tilespmem:s15+$0x6250] =	vst v13  }
0x105: {  	v26 =	vunpack.i.u.bf16.f32 v18;
	v18 =	vunpack.i.l.bf16.f32 v16;
	v15 =	vsel vm0, v15, v14;
	v14 =	vld [tilespmem:s4+$0x3240];
	[tilespmem:s15+$0x6260] =	vst v12  }
0x106: {  	v27 =	vunpack.i.l.bf16.f32 v7;
	v18 =	vadd.f32 v18, v10;
	v15 =	vmul.f32 $1.442695020e+00, v15;
	v10 =	vld [tilespmem:s4+$0x5240];
	[tilespmem:s15+$0x7280] =	vst v8  }
0x107: {  	v16 =	vunpack.i.u.bf16.f32 v16;
	v17 =	vadd.f32 v27, v17;
	v8 =	vunpack.i.l.bf16.f32 v6  }
0x108: {  	v25 =	vadd.f32 v8, v25;
	v8 =	vunpack.i.l.bf16.f32 v4;
	(erf) = vpow2.f32 v15  }
0x109: {  	vm0 =	vge.f32 v17, $0.0e+00;
	v15 =	vmul.f32 v17, v0;
	v18 =	vadd.f32 v8, v18  }
0x10a: {  	v8 =	vadd.f32 v22, v19;
	vm1 =	vge.f32 v25, $0.0e+00;
	v19 =	vmul.f32 v25, v0  }
.Ltmp1:
0x10b: {  	v15 =	vsel vm0, v17, v15;
	vm0 =	vge.f32 v18, $0.0e+00;
	v17 =	vmul.f32 v18, v0;
	(pc) =	sbr.rel @p0 .LBB2_5-.Ltmp1, $4  }
0x10c: {  	v22 =	vmul.f32 $1.442695020e+00, v15;
	v19 =	vsel vm1, v25, v19;
	v15 =	vadd.f32 v24, v23  }
0x10d: {  	v5 =	vunpack.i.u.bf16.f32 v5;
	v21 =	vunpack.i.u.bf16.f32 v21;
	v17 =	vsel vm0, v18, v17  }
0x10e: {  	s21 =	sshra.s32 s22, $0x2;
	v18 =	vmul.f32 $1.442695020e+00, v19;
	v19 =	vadd.f32 v21, v5;
	v17 =	vmul.f32 $1.442695020e+00, v17  }
0x10f: {  	v20 =	vunpack.i.u.bf16.f32 v20;
	s22 =	sadd.s32 $0x200, s22;
	v16 =	vadd.f32 v16, v26;
	v5 =	vld [tilespmem:s21+$0x1230];
	(erf) = vpow2.f32 v22  }
0x110: {  	v21 =	vld [tilespmem:s21+$0x3230];
	v19 =	vadd.f32 v20, v19  }
0x111: {  	v22 =	vld [tilespmem:s21+$0x1200];
	v59 =	vpop (erf)  }
0x112: {  	v23 =	vld [tilespmem:s21+$0x5230];
	[tilespmem:s4+$0x6270] =	vst v59;
	v19 =	vmul.f32 v59, v19  }
0x113: {  	v60 =	vld [tilespmem:s21+$0x3200]  }
0x114: {  	v3 =	vmul.f32 v11, v3;
	v24 =	vld [tilespmem:s21+$0x1210];
	[tilespmem:s4+$0x6230] =	vst v19  }
0x115: {  	v61 =	vld [tilespmem:s21+$0x3210]  }
0x116: {  	v2 =	vmul.f32 v13, v2;
	v19 =	vld [tilespmem:s21+$0x1220];
	[tilespmem:s15+$0x6200] =	vst v3;
	v3 =	vunpack.i.l.bf16.f32 v5;
	v62 =	vunpack.i.l.bf16.f32 v21  }
0x117: {  	v1 =	vmul.f32 v12, v1;
	v7 =	vunpack.i.u.bf16.f32 v7;
	v3 =	vadd.f32 v62, v3  }
0x118: {  	v9 =	vunpack.i.l.bf16.f32 v9;
	v14 =	vunpack.i.l.bf16.f32 v14;
	v25 =	vld [tilespmem:s21+$0x3220];
	[tilespmem:s15+$0x6210] =	vst v2;
	v2 =	vunpack.i.l.bf16.f32 v23  }
0x119: {  	v6 =	vunpack.i.u.bf16.f32 v6;
	v9 =	vadd.f32 v14, v9;
	v63 =	vld [tilespmem:s21+$0x5200];
	v2 =	vadd.f32 v2, v3  }
0x11a: {  	(erf) = vpow2.f32 v18;
	v45 =	vadd.f32 v7, v8;
	v6 =	vadd.f32 v6, v15  }
0x11b: {  	(erf) = vpow2.f32 v17;
	v29 =	vunpack.i.l.bf16.f32 v22;
	v3 =	vld [tilespmem:s21+$0x5210];
	[tilespmem:s15+$0x6220] =	vst v1;
	v32 =	vmul.f32 v2, v0  }
0x11c: {  	v30 =	vunpack.i.l.bf16.f32 v60;
	v33 =	vunpack.i.l.bf16.f32 v24;
	v31 =	vld [tilespmem:s21+$0x5220];
	vm0 =	vge.f32 v2, $0.0e+00  }
0x11d: {  	v1 =	vadd.f32 v30, v29;
	v26 =	vunpack.i.l.bf16.f32 v61;
	v2 =	vsel vm0, v2, v32  }
0x11e: {  	v34 =	vunpack.i.l.bf16.f32 v19;
	v35 =	vunpack.i.l.bf16.f32 v63;
	v2 =	vmul.f32 $1.442695020e+00, v2  }
0x11f: {  	v27 =	vunpack.i.l.bf16.f32 v25;
	v18 =	vadd.f32 v26, v33;
	v1 =	vadd.f32 v35, v1  }
0x120: {  	v17 =	vadd.f32 v27, v34;
	v36 =	vunpack.i.l.bf16.f32 v3;
	(erf) = vpow2.f32 v2  }
0x121: {  	v18 =	vadd.f32 v36, v18;
	v37 =	vunpack.i.l.bf16.f32 v31;
	v2 =	vmul.f32 v1, v0  }
0x122: {  	v42 =	vunpack.i.u.bf16.f32 v5;
	v17 =	vadd.f32 v37, v17;
	vm13 =	vge.f32 v1, $0.0e+00  }
0x123: {  	v21 =	vunpack.i.u.bf16.f32 v21;
	v38 =	vmul.f32 v18, v0;
	v1 =	vsel vm13, v1, v2  }
0x124: {  	v39 =	vpop (erf);
	vm14 =	vge.f32 v18, $0.0e+00;
	v2 =	vmul.f32 v17, v0;
	v1 =	vmul.f32 $1.442695020e+00, v1  }
0x125: {  	v5 =	vadd.f32 v21, v42;
	[tilespmem:s4+$0x6240] =	vst v39;
	v40 =	vpop (erf);
	vm15 =	vge.f32 v17, $0.0e+00;
	v18 =	vsel vm14, v18, v38  }
0x126: {  	v41 =	vld [tilespmem:s21+$0x1240];
	[tilespmem:s4+$0x6250] =	vst v40;
	v2 =	vsel vm15, v17, v2;
	v18 =	vmul.f32 $1.442695020e+00, v18;
	(erf) = vpow2.f32 v1  }
0x127: {  	v23 =	vunpack.i.u.bf16.f32 v23;
	v43 =	vpop (erf);
	v44 =	vld [tilespmem:s21+$0x3240];
	v2 =	vmul.f32 $1.442695020e+00, v2;
	v1 =	vunpack.i.l.bf16.f32 v10  }
0x128: {  	v5 =	vadd.f32 v23, v5;
	[tilespmem:s4+$0x6260] =	vst v43;
	(erf) = vpow2.f32 v18;
	v1 =	vadd.f32 v1, v9  }
0x129: {  	v48 =	vunpack.i.u.bf16.f32 v22;
	v46 =	vld [tilespmem:s21+$0x5240];
	(erf) = vpow2.f32 v2;
	v2 =	vunpack.i.u.bf16.f32 v4;
	v47 =	vpop (erf)  }
0x12a: {  	v49 =	vunpack.i.u.bf16.f32 v60;
	v2 =	vadd.f32 v2, v16;
	[tilespmem:s4+$0x7280] =	vst v1;
	v1 =	vmul.f32 v47, v5  }
0x12b: {  	v50 =	vunpack.i.u.bf16.f32 v24;
	v51 =	vunpack.i.u.bf16.f32 v61;
	v4 =	vmul.f32 v39, v45;
	[tilespmem:s21+$0x6270] =	vst v47  }
0x12c: {  	v55 =	vunpack.i.l.bf16.f32 v41;
	v56 =	vunpack.i.l.bf16.f32 v44;
	v2 =	vmul.f32 v43, v2;
	[tilespmem:s21+$0x6230] =	vst v1  }
0x12d: {  	v52 =	vunpack.i.u.bf16.f32 v19;
	v8 =	vadd.f32 v56, v55;
	v1 =	vmul.f32 v40, v6;
	[tilespmem:s4+$0x6200] =	vst v4  }
0x12e: {  	v53 =	vunpack.i.u.bf16.f32 v25;
	v59 =	vunpack.i.l.bf16.f32 v46;
	v5 =	vadd.f32 v49, v48;
	[tilespmem:s4+$0x6220] =	vst v2  }
0x12f: {  	v54 =	vadd.f32 v51, v50;
	v57 =	vunpack.i.u.bf16.f32 v63;
	v62 =	vadd.f32 v59, v8;
	[tilespmem:s4+$0x6210] =	vst v1;
	v58 =	vpop (erf)  }
0x130: {  	v2 =	vunpack.i.u.bf16.f32 v3;
	v3 =	vadd.f32 v57, v5;
	v1 =	vadd.f32 v53, v52;
	[tilespmem:s21+$0x6240] =	vst v58  }
0x131: {  	v61 =	vunpack.i.u.bf16.f32 v31;
	v2 =	vadd.f32 v2, v54;
	v60 =	vpop (erf);
	[tilespmem:s21+$0x7280] =	vst v62  }
0x132: {  	v3 =	vmul.f32 v58, v3;
	v63 =	vpop (erf);
	[tilespmem:s21+$0x6250] =	vst v60;
	v1 =	vadd.f32 v61, v1  }
0x133: {  	v2 =	vmul.f32 v60, v2;
	[tilespmem:s21+$0x6260] =	vst v63  }
0x134: {  	[tilespmem:s21+$0x6200] =	vst v3;
	v1 =	vmul.f32 v63, v1  }
0x135: {  	[tilespmem:s21+$0x6210] =	vst v2  }
0x136: {  	[tilespmem:s21+$0x6220] =	vst v1  }
0x137: {  	[spmem:s3] =	stream.indirect.scatter.add.f32 [tilespmem:s2], [sflag:$0x7], $0x80, s25, s20, $0xb8;
	[tilespmem:$0x1C280] =	vst v63  }
0x138: {  	s12 =	sadd.s32 $0x1, s12;
	_ =	swait.ge [sflag:s17], $0x1000  }
0x139: {  	s22 =	sadd.s32 s10, s16;
	p0 =	sne.s32 s12, $0xA0;
	[sflag:s17] =	ssyncset.done $0x0  }
.Ltmp2:
0x13a: {  	s23 =	simm.s32 $0x0;
	[sflag:s17] =	ssyncadd.s32 $0xFFFFF000;
	(pc) =	sbr.rel @p0 .LBB2_2-.Ltmp2, $4  }
0x13b: {  	[hbm4b:s22+s23] =	stream.linear.scatter [tilespmem:s18], [sflag:$0x7], $0x1000, $0x38;
	[tilespmem:$0x1C280] =	vst v63  }
0x13c: {  	_ =	swait.ge [sflag:s17], $0x1000  }
0x13d: {  	[sflag:s17] =	ssyncset.done $0x0  }
0x13e: {  	[sflag:s17] =	ssyncadd.s32 $0xFFFFF000  }
0x13f: {  	[bflag:$0x0] =	sbarrier.arrive $0xFFFF  }
0x140: {  	s15 =	rddreg [dreg:$0x7]  }
0x141: {  	s4 =	rddreg [dreg:$0x8]  }
0x142: {  	s12 =	rddreg [dreg:$0xa]  }
0x143: {  	[hbm:s4], [sflag:s15] =	dma.local [spmem:s12], $0x2800  }
0x144: {  	_ =	swait.ge [sflag:s17], $0x2800  }
0x145: {  	s16 =	rddreg [dreg:$0xb]  }
0x146: {  	s23 =	rddreg [dreg:$0x9];
	s16 =	sadd.s32 $0x1, s16  }
0x147: {  	p0 =	sne.s32 s16, s23  }
.Ltmp3:
0x148: {  	_ = 	snop;
	(pc) =	sbr.rel @p0 .LBB2_1-.Ltmp3, $3  }
0x149: {  	_ =	sdelay $0x1  }
0x14a: {  	[sflag:s17] =	ssyncset.done $0x0  }
0x14b: {  	[sflag:s17] =	ssyncadd.s32 $0xFFFFD800  }
0x14c: {  	_ =	sfence.sel $0x180000  }
0x14d: {  	[bflag:$0x0] =	sbarrier.arrive $0xFFFF  }
0x14e: {  	_ =	strace $0x9000004A  }
0x14f: {  	s0 =	stileid.u32;
	[bflag:$0x2] =	sbarrier.arrive $0xFFFF  }
0x150: {  	p0 =	sne.s32 s0, $0x0;
	s0 =	rddreg [dreg:$0x4]  }
0x151: {  	s0 =	sadd.s32 @!p0 $0x100000, s0  }
0x152: {  	[sflag:s0] =	ssyncadd.tile.s32 @!p0 $0x1;
	_ =	shalt  }
.Lfunc_end2:
_tile_overlayer_lowered:
.L_overlay_start_2:
0x153: {  	(tag) =	ssettag $0x2  }
0x154: {  	s0 =	rddreg [dreg:$0x0];
	s2 =	stileid.u32  }
0x155: {  	s1 =	rddreg [dreg:$0x1];
	p0 =	sne.s32 s2, $0x0  }
0x156: {  	s3 =	rddreg [dreg:$0x2];
	[bflag:$0x3] =	sbarrier.arrive $0xFFFF;
	s2 =	simm.s32 @!p0 $0x1C07  }
0x157: {  	[timem:s3], [sflag:s2] =	dma.local @!p0 [hbm:s0], s1  }
0x158: {  	s0 =	simm.s32 @!p0 $0x7  }
0x159: {  	_ =	swait.ge @!p0 [sflag:s0], s1  }
0x15a: {  	s1 =	ssub.s32 @!p0 $0x0, s1;
	[sflag:s0] =	ssyncset.done @!p0 $0x0  }
0x15b: {  	[sflag:s0] =	ssyncadd.s32 @!p0 s1  }
0x15c: {  	[bflag:$0x3] =	sbarrier.arrive $0xFFFF  }
0x15d: {  	_ =	shalt  }

</sc_bundles>
